<compile_context>
chip_gen: v7x
topology: tpu7x:2x2x1
jax: 0.10.2.dev20260603
libtpu: 0.0.44.dev20260713+nightly
codegen_flags: <defaults>
</compile_context>

<pallas_src>
import functools

import jax
import jax.numpy as jnp
from jax import lax
from jax.experimental import pallas as pl
from jax.experimental.pallas import tpu as pltpu
from jax.experimental.pallas import tpu_sc as plsc

NS = 16
NC = 2
NW = NS * NC
CH = 128
BLK = 1024


def _zero_vmem(buf, rows, d):
    def row(i, _):
        def lane(j, _):
            buf[i, pl.ds(j * 16, 16)] = jnp.zeros((16,), jnp.float32)
            return 0
        return lax.fori_loop(0, d // 16, lane, 0)
    lax.fori_loop(0, rows, row, 0)


def _fill_ones(buf, rows, d):
    def row(i, _):
        def lane(j, _):
            buf[i, pl.ds(j * 16, 16)] = jnp.full((16,), 1.0, jnp.float32)
            return 0
        return lax.fori_loop(0, d // 16, lane, 0)
    lax.fori_loop(0, rows, row, 0)


@functools.lru_cache(maxsize=None)
def _make_sc_deg(NP, NCH):
    D = 16
    K = NCH // NW
    rows_per_tile = NP // NS
    mesh = plsc.VectorSubcoreMesh(core_axis_name="c", subcore_axis_name="s")

    @functools.partial(
        pl.kernel, mesh=mesh,
        out_type=jax.ShapeDtypeStruct((NC, NP, D), jnp.float32),
        scratch_types=[
            pltpu.VMEM((K, CH), jnp.int32),
            pltpu.VMEM((CH, D), jnp.float32),
            pltpu.VMEM_SHARED((NP, D), jnp.float32),
        ],
    )
    def k(dst_hbm, out_hbm, dst_v, ones_v, acc):
        c = lax.axis_index("c")
        s = lax.axis_index("s")
        wid = c * NS + s
        _zero_vmem(ones_v, CH, D)
        nz = rows_per_tile // CH
        def zcp(i, _):
            pltpu.sync_copy(ones_v, acc.at[pl.ds(s * rows_per_tile + i * CH, CH)])
            return 0
        lax.fori_loop(0, nz, zcp, 0)
        _fill_ones(ones_v, CH, D)
        plsc.subcore_barrier()
        pltpu.sync_copy(dst_hbm.at[pl.ds(wid * K, K)], dst_v)
        def body(j, _):
            pltpu.sync_copy(ones_v, acc.at[dst_v.at[j]], add=True)
            return 0
        lax.fori_loop(0, K, body, 0)
        plsc.subcore_barrier()
        pltpu.sync_copy(acc.at[pl.ds(s * rows_per_tile, rows_per_tile)],
                        out_hbm.at[c].at[pl.ds(s * rows_per_tile, rows_per_tile)])

    return k


@functools.lru_cache(maxsize=None)
def _make_sc_scatter(NP, NCH, D, K0, K1):
    KP = 40
    rows_per_tile = NP // NS
    mesh = plsc.VectorSubcoreMesh(core_axis_name="c", subcore_axis_name="s")

    @functools.partial(
        pl.kernel, mesh=mesh,
        out_type=jax.ShapeDtypeStruct((NC, NP, D), jnp.float32),
        scratch_types=[
            pltpu.VMEM((KP, CH), jnp.int32),
            pltpu.VMEM((KP, CH), jnp.int32),
            pltpu.VMEM((CH, D), jnp.float32),
            pltpu.VMEM((CH, D), jnp.float32),
            pltpu.VMEM_SHARED((NP, D), jnp.float32),
            pltpu.SemaphoreType.DMA,
            pltpu.SemaphoreType.DMA,
        ],
    )
    def k(g_hbm, src_hbm, dst_hbm, out_hbm, src_v, dst_v, b0, b1, acc,
          sem0, sem1):
        c = lax.axis_index("c")
        s = lax.axis_index("s")
        _zero_vmem(b0, CH, D)
        nz = 8
        zc = rows_per_tile // nz
        def zcp(i, _):
            pltpu.sync_copy(b0.at[pl.ds(0, zc)],
                            acc.at[pl.ds(s * rows_per_tile + i * zc, zc)])
            return 0
        lax.fori_loop(0, nz, zcp, 0)
        plsc.subcore_barrier()

        def run(my_k, start):
            for p in range(my_k // KP):
                base = start + p * KP
                pltpu.sync_copy(src_hbm.at[pl.ds(base, KP)], src_v)
                pltpu.sync_copy(dst_hbm.at[pl.ds(base, KP)], dst_v)
                pltpu.async_copy(g_hbm.at[src_v.at[0]], b0, sem0)
                pltpu.async_copy(g_hbm.at[src_v.at[1]], b1, sem1)
                def body(j, _):
                    c0 = 2 * j
                    pltpu.make_async_copy(g_hbm.at[src_v.at[c0]], b0, sem0).wait()
                    pltpu.sync_copy(b0, acc.at[dst_v.at[c0]], add=True)
                    pltpu.async_copy(g_hbm.at[src_v.at[c0 + 2]], b0, sem0)
                    pltpu.make_async_copy(g_hbm.at[src_v.at[c0 + 1]], b1, sem1).wait()
                    pltpu.sync_copy(b1, acc.at[dst_v.at[c0 + 1]], add=True)
                    pltpu.async_copy(g_hbm.at[src_v.at[c0 + 3]], b1, sem1)
                    return 0
                lax.fori_loop(0, KP // 2 - 1, body, 0)
                pltpu.make_async_copy(g_hbm.at[src_v.at[0]], b0, sem0).wait()
                pltpu.sync_copy(b0, acc.at[dst_v.at[KP - 2]], add=True)
                pltpu.make_async_copy(g_hbm.at[src_v.at[0]], b1, sem1).wait()
                pltpu.sync_copy(b1, acc.at[dst_v.at[KP - 1]], add=True)

        if K0 > 0:
            @pl.when(c == 0)
            def _():
                run(K0, s * K0)

        if K1 > 0:
            @pl.when(c == 1)
            def _():
                run(K1, NS * K0 + s * K1)

        plsc.subcore_barrier()
        pltpu.sync_copy(acc.at[pl.ds(s * rows_per_tile, rows_per_tile)],
                        out_hbm.at[c].at[pl.ds(s * rows_per_tile, rows_per_tile)])

    return k


def _dinv_from(dp_ref):
    deg = dp_ref[0, :, :1] + dp_ref[1, :, :1] + 1.0
    return lax.rsqrt(deg)


@functools.lru_cache(maxsize=None)
def _make_tc_a(NP, IN, HID):
    def body(x_ref, w_ref, dp_ref, o_ref):
        dinv = _dinv_from(dp_ref)
        o_ref[...] = jnp.dot(x_ref[...], w_ref[...],
                             preferred_element_type=jnp.float32) * dinv

    return pl.pallas_call(
        body,
        grid=(NP // BLK,),
        in_specs=[
            pl.BlockSpec((BLK, IN), lambda i: (i, 0)),
            pl.BlockSpec((IN, HID), lambda i: (0, 0)),
            pl.BlockSpec((NC, BLK, 16), lambda i: (0, i, 0)),
        ],
        out_specs=pl.BlockSpec((BLK, HID), lambda i: (i, 0)),
        out_shape=jax.ShapeDtypeStruct((NP, HID), jnp.float32),
    )


@functools.lru_cache(maxsize=None)
def _make_tc_b(NP, HID, LAT):
    def body(p_ref, g1_ref, dp_ref, w_ref, b_ref, o_ref):
        dinv = _dinv_from(dp_ref)
        ssum = p_ref[0] + p_ref[1] + g1_ref[...]
        h = jnp.maximum(ssum * dinv + b_ref[...], 0.0)
        o_ref[...] = jnp.dot(h, w_ref[...],
                             preferred_element_type=jnp.float32) * dinv

    return pl.pallas_call(
        body,
        grid=(NP // BLK,),
        in_specs=[
            pl.BlockSpec((NC, BLK, HID), lambda i: (0, i, 0)),
            pl.BlockSpec((BLK, HID), lambda i: (i, 0)),
            pl.BlockSpec((NC, BLK, 16), lambda i: (0, i, 0)),
            pl.BlockSpec((HID, LAT), lambda i: (0, 0)),
            pl.BlockSpec((1, HID), lambda i: (0, 0)),
        ],
        out_specs=pl.BlockSpec((BLK, LAT), lambda i: (i, 0)),
        out_shape=jax.ShapeDtypeStruct((NP, LAT), jnp.float32),
    )


@functools.lru_cache(maxsize=None)
def _make_tc_c(NP, LAT):
    def body(p_ref, g2_ref, dp_ref, b_ref, o_ref):
        dinv = _dinv_from(dp_ref)
        o_ref[...] = (p_ref[0] + p_ref[1] + g2_ref[...]) * dinv + b_ref[...]

    return pl.pallas_call(
        body,
        grid=(NP // BLK,),
        in_specs=[
            pl.BlockSpec((NC, BLK, LAT), lambda i: (0, i, 0)),
            pl.BlockSpec((BLK, LAT), lambda i: (i, 0)),
            pl.BlockSpec((NC, BLK, 16), lambda i: (0, i, 0)),
            pl.BlockSpec((1, LAT), lambda i: (0, 0)),
        ],
        out_specs=pl.BlockSpec((BLK, LAT), lambda i: (i, 0)),
        out_shape=jax.ShapeDtypeStruct((NP, LAT), jnp.float32),
    )


def kernel(x, edge_index, W1, b1, W2, b2):
    N, IN = x.shape
    HID = W1.shape[1]
    LAT = W2.shape[1]
    E = edge_index.shape[1]

    NP = ((N + 1 + BLK - 1) // BLK) * BLK
    KGRAN = 40
    NCH = ((E + CH - 1) // CH + NW * KGRAN - 1) // (NW * KGRAN) * (NW * KGRAN)
    KSUM = NCH // NS
    K0 = KSUM // 2 // KGRAN * KGRAN
    K1 = KSUM - K0
    EP = NCH * CH

    LATP = max(128, ((LAT + 127) // 128) * 128)
    W2p = jnp.pad(W2, ((0, 0), (0, LATP - LAT)))
    b2p = jnp.pad(b2, ((0, LATP - LAT),))

    src = edge_index[0].astype(jnp.int32)
    dst = edge_index[1].astype(jnp.int32)
    pad = EP - E
    src_p = jnp.concatenate([src, jnp.zeros((pad,), jnp.int32)]).reshape(NCH, CH)
    dst_p = jnp.concatenate([dst, jnp.full((pad,), N, jnp.int32)]).reshape(NCH, CH)
    x_p = jnp.pad(x, ((0, NP - N), (0, 0)))

    degp = _make_sc_deg(NP, NCH)(dst_p)
    g1 = _make_tc_a(NP, IN, HID)(x_p, W1, degp)
    p1 = _make_sc_scatter(NP, NCH, HID, K0, K1)(g1, src_p, dst_p)
    g2 = _make_tc_b(NP, HID, LATP)(p1, g1, degp, W2p, b1.reshape(1, HID))
    p2 = _make_sc_scatter(NP, NCH, LATP, K0, K1)(g2, src_p, dst_p)
    z = _make_tc_c(NP, LATP)(p2, g2, degp, b2p.reshape(1, LATP))
    return z[:N, :LAT]

# --- scband reference (transcript-rebuilt; emitter-appended) ---
"""Pipeline reference for scband-gcnencoder-13975823581699 (READ-ONLY COPY).

The authoritative reference and input builder live on the scoring server;
editing this copy changes nothing except your own understanding.
"""

import jax, jax.numpy as jnp
import numpy as np

N_NODES = 10000
N_EDGES = 320000
IN_CH = 128
HID_CH = 128
LATENT = 64


def _gcn_conv(x, edge_index, W, b):
    num_nodes = x.shape[0]
    src = edge_index[0]
    dst = edge_index[1]
    # add self loops (PyG GCNConv default add_self_loops=True)
    loop = jnp.arange(num_nodes, dtype=src.dtype)
    src = jnp.concatenate([src, loop])
    dst = jnp.concatenate([dst, loop])
    # symmetric normalization: deg^{-1/2}[src] * deg^{-1/2}[dst]
    deg = jnp.zeros((num_nodes,), dtype=x.dtype).at[dst].add(1.0)
    dinv = jnp.where(deg > 0, deg ** -0.5, 0.0)
    norm = dinv[src] * dinv[dst]
    # linear transform first (PyG order), then propagate
    h = x @ W
    msg = h[src] * norm[:, None]
    out = jnp.zeros((num_nodes, W.shape[1]), dtype=x.dtype).at[dst].add(msg)
    return out + b


def setup_inputs(seed: int = 0) -> dict:
    key = jax.random.key(seed)
    k1, k2, k3, k4, k5, k6 = jax.random.split(key, 6)
    x = jax.random.normal(k1, (N_NODES, IN_CH), dtype=jnp.float32)
    edge_index = jax.random.randint(k2, (2, N_EDGES), 0, N_NODES, dtype=jnp.int64)
    s1 = (6.0 / (IN_CH + HID_CH)) ** 0.5
    W1 = jax.random.uniform(k3, (IN_CH, HID_CH), dtype=jnp.float32, minval=-s1, maxval=s1)
    b1 = jnp.zeros((HID_CH,), dtype=jnp.float32)
    s2 = (6.0 / (HID_CH + LATENT)) ** 0.5
    W2 = jax.random.uniform(k5, (HID_CH, LATENT), dtype=jnp.float32, minval=-s2, maxval=s2)
    b2 = jnp.zeros((LATENT,), dtype=jnp.float32)
    return {"x": x, "edge_index": edge_index, "W1": W1, "b1": b1, "W2": W2, "b2": b2}


def reference(x, edge_index, W1, b1, W2, b2):
    h = jax.nn.relu(_gcn_conv(x, edge_index, W1, b1))
    z = _gcn_conv(h, edge_index, W2, b2)
    return z

if __name__ == "__main__":
    import jax
    _d = setup_inputs()
    print(jax.jit(kernel)(*tuple(_d.values())))

</pallas_src>

<mosaic_0001>
#map = affine_map<(d0, d1) -> (0, 0)>
#map1 = affine_map<(d0, d1) -> (0, 0, 0)>
module attributes {stable_mosaic.version = 14 : i64} {
  func.func @k(%arg0: i32, %arg1: i32, %arg2: memref<10240x128xf32, #tpu.memory_space<hbm>>, %arg3: memref<2560x128xi32, #tpu.memory_space<hbm>>, %arg4: memref<2560x128xi32, #tpu.memory_space<hbm>>, %arg5: memref<2x10240x128xf32, #tpu.memory_space<hbm>>, %arg6: memref<40x128xi32, #tpu.memory_space<vmem>>, %arg7: memref<40x128xi32, #tpu.memory_space<vmem>>, %arg8: memref<128x128xf32, #tpu.memory_space<vmem>>, %arg9: memref<128x128xf32, #tpu.memory_space<vmem>>, %arg10: memref<10240x128xf32, #tpu.memory_space<vmem_shared>>, %arg11: memref<!tpu.dma_semaphore, #tpu.memory_space<semaphore_mem>>, %arg12: memref<!tpu.dma_semaphore, #tpu.memory_space<semaphore_mem>>) attributes {dimension_semantics = [#tpu.dimension_semantics<core_parallel>, #tpu.dimension_semantics<subcore_parallel>], iteration_bounds = array<i64: 2, 16>, scalar_prefetch = 0 : i64, scratch_operands = 7 : i64, tpu.core_type = #tpu.core_type<sc_vector_subcore>, window_params = [{transform_indices = #map}, {transform_indices = #map}, {transform_indices = #map}, {transform_indices = #map1}]} {
    %scan3A = arith.constant 0 : i32
    %scan3A_0 = arith.constant 0 : i32
    %scan3A_1 = arith.constant 128 : i32
    %scan3A_2 = arith.addi %scan3A_0, %scan3A_1 : i32
    %scan3A_3 = arith.constant 1 : i32
    %scan3A_4 = scf.for %scan3A_24 = %scan3A_0 to %scan3A_2 step %scan3A_3 iter_args(%scan3A_25 = %scan3A) -> (i32)  : i32 {
      %scan3A_26 = arith.constant 0 : i32
      %scan3A_27 = arith.constant 0 : i32
      %scan3A_28 = arith.constant 8 : i32
      %scan3A_29 = arith.addi %scan3A_27, %scan3A_28 : i32
      %scan3A_30 = arith.constant 1 : i32
      %scan3A_31 = scf.for %scan3A_33 = %scan3A_27 to %scan3A_29 step %scan3A_30 iter_args(%scan3A_34 = %scan3A_26) -> (i32)  : i32 {
        %broadcast_in_dim3A = arith.constant 0.000000e+00 : f32
        %broadcast_in_dim3A_35 = vector.broadcast %broadcast_in_dim3A : f32 to vector<16xf32>
        %mul3A_36 = arith.constant 16 : i32
        %mul3A_37 = arith.muli %scan3A_33, %mul3A_36 : i32
        %swap3A = arith.index_cast %scan3A_24 : i32 to index
        %swap3A_38 = arith.index_cast %mul3A_37 : i32 to index
        %swap3A_39 = tpu.vector_load %arg8[%swap3A, %swap3A_38] {strides = array<i32>} : memref<128x128xf32, #tpu.memory_space<vmem>>, vector<1x16xf32>,
        %swap3A_40 = vector.shape_cast %swap3A_39 : vector<1x16xf32> to vector<16xf32>
        %swap3A_41 = vector.shape_cast %broadcast_in_dim3A_35 : vector<16xf32> to vector<1x16xf32>
        tpu.vector_store %arg8[%swap3A, %swap3A_38], %swap3A_41 {strides = array<i32>} : memref<128x128xf32, #tpu.memory_space<vmem>>, vector<1x16xf32>,
        %scan3A_42 = arith.constant 0 : i32
        scf.yield %scan3A_42 : i32
      }
      %scan3A_32 = arith.constant 8 : i32
      scf.yield %scan3A_31 : i32
    }
    %scan3A_5 = arith.constant 128 : i32
    %scan3A_6 = arith.constant 0 : i32
    %scan3A_7 = arith.constant 0 : i32
    %scan3A_8 = arith.constant 8 : i32
    %scan3A_9 = arith.addi %scan3A_7, %scan3A_8 : i32
    %scan3A_10 = arith.constant 1 : i32
    %scan3A_11 = scf.for %scan3A_24 = %scan3A_7 to %scan3A_9 step %scan3A_10 iter_args(%scan3A_25 = %scan3A_6) -> (i32)  : i32 {
      %mul3A_26 = arith.constant 640 : i32
      %mul3A_27 = arith.muli %arg1, %mul3A_26 : i32
      %mul3A_28 = arith.constant 80 : i32
      %mul3A_29 = arith.muli %scan3A_24, %mul3A_28 : i32
      %add3A = arith.addi %mul3A_27, %mul3A_29 : i32
      "tpu.region"() ({
        %run_scoped3A = tpu.sem_alloc : memref<!tpu.dma_semaphore, #tpu.memory_space<semaphore_mem>>
        %dma_start3A = arith.constant 0 : i32
        %dma_start3A_31 = arith.constant 0 : i32
        %dma_start3A_32 = tpu.memref_slice %arg8[%dma_start3A, %dma_start3A_31] : memref<128x128xf32, #tpu.memory_space<vmem>> -> memref<80x128xf32, #tpu.memory_space<vmem>>
        %dma_start3A_33 = arith.constant 0 : i32
        %dma_start3A_34 = tpu.memref_slice %arg10[%add3A, %dma_start3A_33] : memref<10240x128xf32, #tpu.memory_space<vmem_shared>> -> memref<80x128xf32, #tpu.memory_space<vmem_shared>>
        %dma_start3A_35 = arith.constant 0 : i32
        %dma_start3A_36 = tpu.memref_slice %arg10[%add3A, %dma_start3A_35] : memref<10240x128xf32, #tpu.memory_space<vmem_shared>> -> memref<80x128xf32, #tpu.memory_space<vmem_shared>>
        %dma_start3A_37 = arith.constant 0 : i32
        %dma_start3A_38 = arith.constant 0 : i32
        %dma_start3A_39 = tpu.memref_slice %arg8[%dma_start3A_37, %dma_start3A_38] : memref<128x128xf32, #tpu.memory_space<vmem>> -> memref<80x128xf32, #tpu.memory_space<vmem>>
        tpu.enqueue_dma source(%dma_start3A_39 : memref<80x128xf32, #tpu.memory_space<vmem>>) target(%dma_start3A_36 : memref<80x128xf32, #tpu.memory_space<vmem_shared>>) target_semaphore(%run_scoped3A : memref<!tpu.dma_semaphore, #tpu.memory_space<semaphore_mem>>)
        %dma_wait3A = arith.constant 0 : i32
        %dma_wait3A_40 = arith.constant 0 : i32
        %dma_wait3A_41 = tpu.memref_slice %arg8[%dma_wait3A, %dma_wait3A_40] : memref<128x128xf32, #tpu.memory_space<vmem>> -> memref<80x128xf32, #tpu.memory_space<vmem>>
        %dma_wait3A_42 = arith.constant 0 : i32
        %dma_wait3A_43 = tpu.memref_slice %arg10[%add3A, %dma_wait3A_42] : memref<10240x128xf32, #tpu.memory_space<vmem_shared>> -> memref<80x128xf32, #tpu.memory_space<vmem_shared>>
        %dma_wait3A_44 = arith.constant 0 : i32
        %dma_wait3A_45 = tpu.memref_slice %arg10[%add3A, %dma_wait3A_44] : memref<10240x128xf32, #tpu.memory_space<vmem_shared>> -> memref<80x128xf32, #tpu.memory_space<vmem_shared>>
        %dma_wait3A_46 = arith.constant 0 : i32
        %dma_wait3A_47 = arith.constant 0 : i32
        %dma_wait3A_48 = tpu.memref_slice %arg8[%dma_wait3A_46, %dma_wait3A_47] : memref<128x128xf32, #tpu.memory_space<vmem>> -> memref<80x128xf32, #tpu.memory_space<vmem>>
        tpu.wait_dma2 semaphore(%run_scoped3A : memref<!tpu.dma_semaphore, #tpu.memory_space<semaphore_mem>>) src(%dma_wait3A_48 : memref<80x128xf32, #tpu.memory_space<vmem>>) dst(%dma_wait3A_45 : memref<80x128xf32, #tpu.memory_space<vmem_shared>>)
        tpu.yield
      }) : () -> ()
      %scan3A_30 = arith.constant 0 : i32
      scf.yield %scan3A_30 : i32
    }
    %scan3A_12 = arith.constant 8 : i32
    %barrier3A = arith.constant 0 : index
    tpu.barrier barrier_id(%barrier3A)
    %eq3A = arith.constant 0 : i32
    %eq3A_13 = arith.cmpi eq, %arg0, %eq3A : i32
    %convert_element_type3A = arith.extui %eq3A_13 : i1 to i32
    %cond3A = arith.constant 0 : i32
    %cond3A_14 = arith.cmpi ne, %convert_element_type3A, %cond3A : i32
    scf.if %cond3A_14 {
      %mul3A_24 = arith.constant 80 : i32
      %mul3A_25 = arith.muli %arg1, %mul3A_24 : i32
      %add3A = arith.constant 0 : i32
      %add3A_26 = arith.addi %mul3A_25, %add3A : i32
      "tpu.region"() ({
        %run_scoped3A_100 = tpu.sem_alloc : memref<!tpu.dma_semaphore, #tpu.memory_space<semaphore_mem>>
        %dma_start3A_101 = arith.constant 0 : i32
        %dma_start3A_102 = tpu.memref_slice %arg3[%add3A_26, %dma_start3A_101] : memref<2560x128xi32, #tpu.memory_space<hbm>> -> memref<40x128xi32, #tpu.memory_space<hbm>>
        %dma_start3A_103 = arith.constant 0 : i32
        %dma_start3A_104 = tpu.memref_slice %arg3[%add3A_26, %dma_start3A_103] : memref<2560x128xi32, #tpu.memory_space<hbm>> -> memref<40x128xi32, #tpu.memory_space<hbm>>
        tpu.enqueue_dma source(%dma_start3A_104 : memref<40x128xi32, #tpu.memory_space<hbm>>) target(%arg6 : memref<40x128xi32, #tpu.memory_space<vmem>>) target_semaphore(%run_scoped3A_100 : memref<!tpu.dma_semaphore, #tpu.memory_space<semaphore_mem>>)
        %dma_wait3A_105 = arith.constant 0 : i32
        %dma_wait3A_106 = tpu.memref_slice %arg3[%add3A_26, %dma_wait3A_105] : memref<2560x128xi32, #tpu.memory_space<hbm>> -> memref<40x128xi32, #tpu.memory_space<hbm>>
        %dma_wait3A_107 = arith.constant 0 : i32
        %dma_wait3A_108 = tpu.memref_slice %arg3[%add3A_26, %dma_wait3A_107] : memref<2560x128xi32, #tpu.memory_space<hbm>> -> memref<40x128xi32, #tpu.memory_space<hbm>>
        tpu.wait_dma2 semaphore(%run_scoped3A_100 : memref<!tpu.dma_semaphore, #tpu.memory_space<semaphore_mem>>) src(%dma_wait3A_108 : memref<40x128xi32, #tpu.memory_space<hbm>>) dst(%arg6 : memref<40x128xi32, #tpu.memory_space<vmem>>)
        tpu.yield
      }) : () -> ()
      "tpu.region"() ({
        %run_scoped3A_100 = tpu.sem_alloc : memref<!tpu.dma_semaphore, #tpu.memory_space<semaphore_mem>>
        %dma_start3A_101 = arith.constant 0 : i32
        %dma_start3A_102 = tpu.memref_slice %arg4[%add3A_26, %dma_start3A_101] : memref<2560x128xi32, #tpu.memory_space<hbm>> -> memref<40x128xi32, #tpu.memory_space<hbm>>
        %dma_start3A_103 = arith.constant 0 : i32
        %dma_start3A_104 = tpu.memref_slice %arg4[%add3A_26, %dma_start3A_103] : memref<2560x128xi32, #tpu.memory_space<hbm>> -> memref<40x128xi32, #tpu.memory_space<hbm>>
        tpu.enqueue_dma source(%dma_start3A_104 : memref<40x128xi32, #tpu.memory_space<hbm>>) target(%arg7 : memref<40x128xi32, #tpu.memory_space<vmem>>) target_semaphore(%run_scoped3A_100 : memref<!tpu.dma_semaphore, #tpu.memory_space<semaphore_mem>>)
        %dma_wait3A_105 = arith.constant 0 : i32
        %dma_wait3A_106 = tpu.memref_slice %arg4[%add3A_26, %dma_wait3A_105] : memref<2560x128xi32, #tpu.memory_space<hbm>> -> memref<40x128xi32, #tpu.memory_space<hbm>>
        %dma_wait3A_107 = arith.constant 0 : i32
        %dma_wait3A_108 = tpu.memref_slice %arg4[%add3A_26, %dma_wait3A_107] : memref<2560x128xi32, #tpu.memory_space<hbm>> -> memref<40x128xi32, #tpu.memory_space<hbm>>
        tpu.wait_dma2 semaphore(%run_scoped3A_100 : memref<!tpu.dma_semaphore, #tpu.memory_space<semaphore_mem>>) src(%dma_wait3A_108 : memref<40x128xi32, #tpu.memory_space<hbm>>) dst(%arg7 : memref<40x128xi32, #tpu.memory_space<vmem>>)
        tpu.yield
      }) : () -> ()
      %dma_start3A = arith.constant 0 : i32
      %dma_start3A_27 = arith.constant 0 : i32
      %dma_start3A_28 = tpu.memref_slice %arg6[%dma_start3A, %dma_start3A_27] : memref<40x128xi32, #tpu.memory_space<vmem>> -> memref<1x128xi32, #tpu.memory_space<vmem>>
      %dma_start3A_29 = tpu.memref_squeeze %dma_start3A_28 : memref<1x128xi32, #tpu.memory_space<vmem>> -> memref<128xi32, #tpu.memory_space<vmem>>
      %dma_start3A_30 = arith.constant 0 : i32
      %dma_start3A_31 = arith.constant 0 : i32
      %dma_start3A_32 = tpu.memref_slice %arg2[%dma_start3A_30, %dma_start3A_31] : memref<10240x128xf32, #tpu.memory_space<hbm>> -> memref<10240x128xf32, #tpu.memory_space<hbm>>
      tpu.enqueue_indirect_dma source(%dma_start3A_32 : memref<10240x128xf32, #tpu.memory_space<hbm>>) target(%arg8 : memref<128x128xf32, #tpu.memory_space<vmem>>) offsets(%dma_start3A_29 : memref<128xi32, #tpu.memory_space<vmem>>) semaphore(%arg11 : memref<!tpu.dma_semaphore, #tpu.memory_space<semaphore_mem>>)
      %dma_start3A_33 = arith.constant 1 : i32
      %dma_start3A_34 = arith.constant 0 : i32
      %dma_start3A_35 = tpu.memref_slice %arg6[%dma_start3A_33, %dma_start3A_34] : memref<40x128xi32, #tpu.memory_space<vmem>> -> memref<1x128xi32, #tpu.memory_space<vmem>>
      %dma_start3A_36 = tpu.memref_squeeze %dma_start3A_35 : memref<1x128xi32, #tpu.memory_space<vmem>> -> memref<128xi32, #tpu.memory_space<vmem>>
      %dma_start3A_37 = arith.constant 0 : i32
      %dma_start3A_38 = arith.constant 0 : i32
      %dma_start3A_39 = tpu.memref_slice %arg2[%dma_start3A_37, %dma_start3A_38] : memref<10240x128xf32, #tpu.memory_space<hbm>> -> memref<10240x128xf32, #tpu.memory_space<hbm>>
      tpu.enqueue_indirect_dma source(%dma_start3A_39 : memref<10240x128xf32, #tpu.memory_space<hbm>>) target(%arg9 : memref<128x128xf32, #tpu.memory_space<vmem>>) offsets(%dma_start3A_36 : memref<128xi32, #tpu.memory_space<vmem>>) semaphore(%arg12 : memref<!tpu.dma_semaphore, #tpu.memory_space<semaphore_mem>>)
      %scan3A_40 = arith.constant 0 : i32
      %scan3A_41 = arith.constant 0 : i32
      %scan3A_42 = arith.constant 19 : i32
      %scan3A_43 = arith.addi %scan3A_41, %scan3A_42 : i32
      %scan3A_44 = arith.constant 1 : i32
      %scan3A_45 = scf.for %scan3A_100 = %scan3A_41 to %scan3A_43 step %scan3A_44 iter_args(%scan3A_101 = %scan3A_40) -> (i32)  : i32 {
        %mul3A_102 = arith.constant 2 : i32
        %mul3A_103 = arith.muli %mul3A_102, %scan3A_100 : i32
        %dma_wait3A_104 = arith.constant 0 : i32
        %dma_wait3A_105 = tpu.memref_slice %arg6[%mul3A_103, %dma_wait3A_104] : memref<40x128xi32, #tpu.memory_space<vmem>> -> memref<1x128xi32, #tpu.memory_space<vmem>>
        %dma_wait3A_106 = tpu.memref_squeeze %dma_wait3A_105 : memref<1x128xi32, #tpu.memory_space<vmem>> -> memref<128xi32, #tpu.memory_space<vmem>>
        %dma_wait3A_107 = arith.constant 0 : i32
        %dma_wait3A_108 = arith.constant 0 : i32
        %dma_wait3A_109 = tpu.memref_slice %arg2[%dma_wait3A_107, %dma_wait3A_108] : memref<10240x128xf32, #tpu.memory_space<hbm>> -> memref<10240x128xf32, #tpu.memory_space<hbm>>
        tpu.wait_indirect_dma semaphore(%arg11 : memref<!tpu.dma_semaphore, #tpu.memory_space<semaphore_mem>>) src(%dma_wait3A_109 : memref<10240x128xf32, #tpu.memory_space<hbm>>) dst(%arg8 : memref<128x128xf32, #tpu.memory_space<vmem>>)
        "tpu.region"() ({
          %run_scoped3A_137 = tpu.sem_alloc : memref<!tpu.dma_semaphore, #tpu.memory_space<semaphore_mem>>
          %dma_start3A_138 = arith.constant 0 : i32
          %dma_start3A_139 = tpu.memref_slice %arg7[%mul3A_103, %dma_start3A_138] : memref<40x128xi32, #tpu.memory_space<vmem>> -> memref<1x128xi32, #tpu.memory_space<vmem>>
          %dma_start3A_140 = tpu.memref_squeeze %dma_start3A_139 : memref<1x128xi32, #tpu.memory_space<vmem>> -> memref<128xi32, #tpu.memory_space<vmem>>
          %dma_start3A_141 = arith.constant 0 : i32
          %dma_start3A_142 = arith.constant 0 : i32
          %dma_start3A_143 = tpu.memref_slice %arg10[%dma_start3A_141, %dma_start3A_142] : memref<10240x128xf32, #tpu.memory_space<vmem_shared>> -> memref<10240x128xf32, #tpu.memory_space<vmem_shared>>
          tpu.enqueue_indirect_dma source(%arg8 : memref<128x128xf32, #tpu.memory_space<vmem>>) target(%dma_start3A_143 : memref<10240x128xf32, #tpu.memory_space<vmem_shared>>) offsets(%dma_start3A_140 : memref<128xi32, #tpu.memory_space<vmem>>) semaphore(%run_scoped3A_137 : memref<!tpu.dma_semaphore, #tpu.memory_space<semaphore_mem>>) {add = true}
          %dma_wait3A_144 = arith.constant 0 : i32
          %dma_wait3A_145 = tpu.memref_slice %arg7[%mul3A_103, %dma_wait3A_144] : memref<40x128xi32, #tpu.memory_space<vmem>> -> memref<1x128xi32, #tpu.memory_space<vmem>>
          %dma_wait3A_146 = tpu.memref_squeeze %dma_wait3A_145 : memref<1x128xi32, #tpu.memory_space<vmem>> -> memref<128xi32, #tpu.memory_space<vmem>>
          %dma_wait3A_147 = arith.constant 0 : i32
          %dma_wait3A_148 = arith.constant 0 : i32
          %dma_wait3A_149 = tpu.memref_slice %arg10[%dma_wait3A_147, %dma_wait3A_148] : memref<10240x128xf32, #tpu.memory_space<vmem_shared>> -> memref<10240x128xf32, #tpu.memory_space<vmem_shared>>
          tpu.wait_indirect_dma semaphore(%run_scoped3A_137 : memref<!tpu.dma_semaphore, #tpu.memory_space<semaphore_mem>>) src(%arg8 : memref<128x128xf32, #tpu.memory_space<vmem>>) dst(%dma_wait3A_149 : memref<10240x128xf32, #tpu.memory_space<vmem_shared>>)
          tpu.yield
        }) : () -> ()
        %add3A_110 = arith.constant 2 : i32
        %add3A_111 = arith.addi %mul3A_103, %add3A_110 : i32
        %dma_start3A_112 = arith.constant 0 : i32
        %dma_start3A_113 = tpu.memref_slice %arg6[%add3A_111, %dma_start3A_112] : memref<40x128xi32, #tpu.memory_space<vmem>> -> memref<1x128xi32, #tpu.memory_space<vmem>>
        %dma_start3A_114 = tpu.memref_squeeze %dma_start3A_113 : memref<1x128xi32, #tpu.memory_space<vmem>> -> memref<128xi32, #tpu.memory_space<vmem>>
        %dma_start3A_115 = arith.constant 0 : i32
        %dma_start3A_116 = arith.constant 0 : i32
        %dma_start3A_117 = tpu.memref_slice %arg2[%dma_start3A_115, %dma_start3A_116] : memref<10240x128xf32, #tpu.memory_space<hbm>> -> memref<10240x128xf32, #tpu.memory_space<hbm>>
        tpu.enqueue_indirect_dma source(%dma_start3A_117 : memref<10240x128xf32, #tpu.memory_space<hbm>>) target(%arg8 : memref<128x128xf32, #tpu.memory_space<vmem>>) offsets(%dma_start3A_114 : memref<128xi32, #tpu.memory_space<vmem>>) semaphore(%arg11 : memref<!tpu.dma_semaphore, #tpu.memory_space<semaphore_mem>>)
        %add3A_118 = arith.constant 1 : i32
        %add3A_119 = arith.addi %mul3A_103, %add3A_118 : i32
        %dma_wait3A_120 = arith.constant 0 : i32
        %dma_wait3A_121 = tpu.memref_slice %arg6[%add3A_119, %dma_wait3A_120] : memref<40x128xi32, #tpu.memory_space<vmem>> -> memref<1x128xi32, #tpu.memory_space<vmem>>
        %dma_wait3A_122 = tpu.memref_squeeze %dma_wait3A_121 : memref<1x128xi32, #tpu.memory_space<vmem>> -> memref<128xi32, #tpu.memory_space<vmem>>
        %dma_wait3A_123 = arith.constant 0 : i32
        %dma_wait3A_124 = arith.constant 0 : i32
        %dma_wait3A_125 = tpu.memref_slice %arg2[%dma_wait3A_123, %dma_wait3A_124] : memref<10240x128xf32, #tpu.memory_space<hbm>> -> memref<10240x128xf32, #tpu.memory_space<hbm>>
        tpu.wait_indirect_dma semaphore(%arg12 : memref<!tpu.dma_semaphore, #tpu.memory_space<semaphore_mem>>) src(%dma_wait3A_125 : memref<10240x128xf32, #tpu.memory_space<hbm>>) dst(%arg9 : memref<128x128xf32, #tpu.memory_space<vmem>>)
        %add3A_126 = arith.constant 1 : i32
        %add3A_127 = arith.addi %mul3A_103, %add3A_126 : i32
        "tpu.region"() ({
          %run_scoped3A_137 = tpu.sem_alloc : memref<!tpu.dma_semaphore, #tpu.memory_space<semaphore_mem>>
          %dma_start3A_138 = arith.constant 0 : i32
          %dma_start3A_139 = tpu.memref_slice %arg7[%add3A_127, %dma_start3A_138] : memref<40x128xi32, #tpu.memory_space<vmem>> -> memref<1x128xi32, #tpu.memory_space<vmem>>
          %dma_start3A_140 = tpu.memref_squeeze %dma_start3A_139 : memref<1x128xi32, #tpu.memory_space<vmem>> -> memref<128xi32, #tpu.memory_space<vmem>>
          %dma_start3A_141 = arith.constant 0 : i32
          %dma_start3A_142 = arith.constant 0 : i32
          %dma_start3A_143 = tpu.memref_slice %arg10[%dma_start3A_141, %dma_start3A_142] : memref<10240x128xf32, #tpu.memory_space<vmem_shared>> -> memref<10240x128xf32, #tpu.memory_space<vmem_shared>>
          tpu.enqueue_indirect_dma source(%arg9 : memref<128x128xf32, #tpu.memory_space<vmem>>) target(%dma_start3A_143 : memref<10240x128xf32, #tpu.memory_space<vmem_shared>>) offsets(%dma_start3A_140 : memref<128xi32, #tpu.memory_space<vmem>>) semaphore(%run_scoped3A_137 : memref<!tpu.dma_semaphore, #tpu.memory_space<semaphore_mem>>) {add = true}
          %dma_wait3A_144 = arith.constant 0 : i32
          %dma_wait3A_145 = tpu.memref_slice %arg7[%add3A_127, %dma_wait3A_144] : memref<40x128xi32, #tpu.memory_space<vmem>> -> memref<1x128xi32, #tpu.memory_space<vmem>>
          %dma_wait3A_146 = tpu.memref_squeeze %dma_wait3A_145 : memref<1x128xi32, #tpu.memory_space<vmem>> -> memref<128xi32, #tpu.memory_space<vmem>>
          %dma_wait3A_147 = arith.constant 0 : i32
          %dma_wait3A_148 = arith.constant 0 : i32
          %dma_wait3A_149 = tpu.memref_slice %arg10[%dma_wait3A_147, %dma_wait3A_148] : memref<10240x128xf32, #tpu.memory_space<vmem_shared>> -> memref<10240x128xf32, #tpu.memory_space<vmem_shared>>
          tpu.wait_indirect_dma semaphore(%run_scoped3A_137 : memref<!tpu.dma_semaphore, #tpu.memory_space<semaphore_mem>>) src(%arg9 : memref<128x128xf32, #tpu.memory_space<vmem>>) dst(%dma_wait3A_149 : memref<10240x128xf32, #tpu.memory_space<vmem_shared>>)
          tpu.yield
        }) : () -> ()
        %add3A_128 = arith.constant 3 : i32
        %add3A_129 = arith.addi %mul3A_103, %add3A_128 : i32
        %dma_start3A_130 = arith.constant 0 : i32
        %dma_start3A_131 = tpu.memref_slice %arg6[%add3A_129, %dma_start3A_130] : memref<40x128xi32, #tpu.memory_space<vmem>> -> memref<1x128xi32, #tpu.memory_space<vmem>>
        %dma_start3A_132 = tpu.memref_squeeze %dma_start3A_131 : memref<1x128xi32, #tpu.memory_space<vmem>> -> memref<128xi32, #tpu.memory_space<vmem>>
        %dma_start3A_133 = arith.constant 0 : i32
        %dma_start3A_134 = arith.constant 0 : i32
        %dma_start3A_135 = tpu.memref_slice %arg2[%dma_start3A_133, %dma_start3A_134] : memref<10240x128xf32, #tpu.memory_space<hbm>> -> memref<10240x128xf32, #tpu.memory_space<hbm>>
        tpu.enqueue_indirect_dma source(%dma_start3A_135 : memref<10240x128xf32, #tpu.memory_space<hbm>>) target(%arg9 : memref<128x128xf32, #tpu.memory_space<vmem>>) offsets(%dma_start3A_132 : memref<128xi32, #tpu.memory_space<vmem>>) semaphore(%arg12 : memref<!tpu.dma_semaphore, #tpu.memory_space<semaphore_mem>>)
        %scan3A_136 = arith.constant 0 : i32
        scf.yield %scan3A_136 : i32
      }
      %scan3A_46 = arith.constant 19 : i32
      %dma_wait3A = arith.constant 0 : i32
      %dma_wait3A_47 = arith.constant 0 : i32
      %dma_wait3A_48 = tpu.memref_slice %arg6[%dma_wait3A, %dma_wait3A_47] : memref<40x128xi32, #tpu.memory_space<vmem>> -> memref<1x128xi32, #tpu.memory_space<vmem>>
      %dma_wait3A_49 = tpu.memref_squeeze %dma_wait3A_48 : memref<1x128xi32, #tpu.memory_space<vmem>> -> memref<128xi32, #tpu.memory_space<vmem>>
      %dma_wait3A_50 = arith.constant 0 : i32
      %dma_wait3A_51 = arith.constant 0 : i32
      %dma_wait3A_52 = tpu.memref_slice %arg2[%dma_wait3A_50, %dma_wait3A_51] : memref<10240x128xf32, #tpu.memory_space<hbm>> -> memref<10240x128xf32, #tpu.memory_space<hbm>>
      tpu.wait_indirect_dma semaphore(%arg11 : memref<!tpu.dma_semaphore, #tpu.memory_space<semaphore_mem>>) src(%dma_wait3A_52 : memref<10240x128xf32, #tpu.memory_space<hbm>>) dst(%arg8 : memref<128x128xf32, #tpu.memory_space<vmem>>)
      %run_scoped3A = arith.constant 38 : i32
      "tpu.region"() ({
        %run_scoped3A_100 = tpu.sem_alloc : memref<!tpu.dma_semaphore, #tpu.memory_space<semaphore_mem>>
        %dma_start3A_101 = arith.constant 0 : i32
        %dma_start3A_102 = tpu.memref_slice %arg7[%run_scoped3A, %dma_start3A_101] : memref<40x128xi32, #tpu.memory_space<vmem>> -> memref<1x128xi32, #tpu.memory_space<vmem>>
        %dma_start3A_103 = tpu.memref_squeeze %dma_start3A_102 : memref<1x128xi32, #tpu.memory_space<vmem>> -> memref<128xi32, #tpu.memory_space<vmem>>
        %dma_start3A_104 = arith.constant 0 : i32
        %dma_start3A_105 = arith.constant 0 : i32
        %dma_start3A_106 = tpu.memref_slice %arg10[%dma_start3A_104, %dma_start3A_105] : memref<10240x128xf32, #tpu.memory_space<vmem_shared>> -> memref<10240x128xf32, #tpu.memory_space<vmem_shared>>
        tpu.enqueue_indirect_dma source(%arg8 : memref<128x128xf32, #tpu.memory_space<vmem>>) target(%dma_start3A_106 : memref<10240x128xf32, #tpu.memory_space<vmem_shared>>) offsets(%dma_start3A_103 : memref<128xi32, #tpu.memory_space<vmem>>) semaphore(%run_scoped3A_100 : memref<!tpu.dma_semaphore, #tpu.memory_space<semaphore_mem>>) {add = true}
        %dma_wait3A_107 = arith.constant 0 : i32
        %dma_wait3A_108 = tpu.memref_slice %arg7[%run_scoped3A, %dma_wait3A_107] : memref<40x128xi32, #tpu.memory_space<vmem>> -> memref<1x128xi32, #tpu.memory_space<vmem>>
        %dma_wait3A_109 = tpu.memref_squeeze %dma_wait3A_108 : memref<1x128xi32, #tpu.memory_space<vmem>> -> memref<128xi32, #tpu.memory_space<vmem>>
        %dma_wait3A_110 = arith.constant 0 : i32
        %dma_wait3A_111 = arith.constant 0 : i32
        %dma_wait3A_112 = tpu.memref_slice %arg10[%dma_wait3A_110, %dma_wait3A_111] : memref<10240x128xf32, #tpu.memory_space<vmem_shared>> -> memref<10240x128xf32, #tpu.memory_space<vmem_shared>>
        tpu.wait_indirect_dma semaphore(%run_scoped3A_100 : memref<!tpu.dma_semaphore, #tpu.memory_space<semaphore_mem>>) src(%arg8 : memref<128x128xf32, #tpu.memory_space<vmem>>) dst(%dma_wait3A_112 : memref<10240x128xf32, #tpu.memory_space<vmem_shared>>)
        tpu.yield
      }) : () -> ()
      %dma_wait3A_53 = arith.constant 0 : i32
      %dma_wait3A_54 = arith.constant 0 : i32
      %dma_wait3A_55 = tpu.memref_slice %arg6[%dma_wait3A_53, %dma_wait3A_54] : memref<40x128xi32, #tpu.memory_space<vmem>> -> memref<1x128xi32, #tpu.memory_space<vmem>>
      %dma_wait3A_56 = tpu.memref_squeeze %dma_wait3A_55 : memref<1x128xi32, #tpu.memory_space<vmem>> -> memref<128xi32, #tpu.memory_space<vmem>>
      %dma_wait3A_57 = arith.constant 0 : i32
      %dma_wait3A_58 = arith.constant 0 : i32
      %dma_wait3A_59 = tpu.memref_slice %arg2[%dma_wait3A_57, %dma_wait3A_58] : memref<10240x128xf32, #tpu.memory_space<hbm>> -> memref<10240x128xf32, #tpu.memory_space<hbm>>
      tpu.wait_indirect_dma semaphore(%arg12 : memref<!tpu.dma_semaphore, #tpu.memory_space<semaphore_mem>>) src(%dma_wait3A_59 : memref<10240x128xf32, #tpu.memory_space<hbm>>) dst(%arg9 : memref<128x128xf32, #tpu.memory_space<vmem>>)
      %run_scoped3A_60 = arith.constant 39 : i32
      "tpu.region"() ({
        %run_scoped3A_100 = tpu.sem_alloc : memref<!tpu.dma_semaphore, #tpu.memory_space<semaphore_mem>>
        %dma_start3A_101 = arith.constant 0 : i32
        %dma_start3A_102 = tpu.memref_slice %arg7[%run_scoped3A_60, %dma_start3A_101] : memref<40x128xi32, #tpu.memory_space<vmem>> -> memref<1x128xi32, #tpu.memory_space<vmem>>
        %dma_start3A_103 = tpu.memref_squeeze %dma_start3A_102 : memref<1x128xi32, #tpu.memory_space<vmem>> -> memref<128xi32, #tpu.memory_space<vmem>>
        %dma_start3A_104 = arith.constant 0 : i32
        %dma_start3A_105 = arith.constant 0 : i32
        %dma_start3A_106 = tpu.memref_slice %arg10[%dma_start3A_104, %dma_start3A_105] : memref<10240x128xf32, #tpu.memory_space<vmem_shared>> -> memref<10240x128xf32, #tpu.memory_space<vmem_shared>>
        tpu.enqueue_indirect_dma source(%arg9 : memref<128x128xf32, #tpu.memory_space<vmem>>) target(%dma_start3A_106 : memref<10240x128xf32, #tpu.memory_space<vmem_shared>>) offsets(%dma_start3A_103 : memref<128xi32, #tpu.memory_space<vmem>>) semaphore(%run_scoped3A_100 : memref<!tpu.dma_semaphore, #tpu.memory_space<semaphore_mem>>) {add = true}
        %dma_wait3A_107 = arith.constant 0 : i32
        %dma_wait3A_108 = tpu.memref_slice %arg7[%run_scoped3A_60, %dma_wait3A_107] : memref<40x128xi32, #tpu.memory_space<vmem>> -> memref<1x128xi32, #tpu.memory_space<vmem>>
        %dma_wait3A_109 = tpu.memref_squeeze %dma_wait3A_108 : memref<1x128xi32, #tpu.memory_space<vmem>> -> memref<128xi32, #tpu.memory_space<vmem>>
        %dma_wait3A_110 = arith.constant 0 : i32
        %dma_wait3A_111 = arith.constant 0 : i32
        %dma_wait3A_112 = tpu.memref_slice %arg10[%dma_wait3A_110, %dma_wait3A_111] : memref<10240x128xf32, #tpu.memory_space<vmem_shared>> -> memref<10240x128xf32, #tpu.memory_space<vmem_shared>>
        tpu.wait_indirect_dma semaphore(%run_scoped3A_100 : memref<!tpu.dma_semaphore, #tpu.memory_space<semaphore_mem>>) src(%arg9 : memref<128x128xf32, #tpu.memory_space<vmem>>) dst(%dma_wait3A_112 : memref<10240x128xf32, #tpu.memory_space<vmem_shared>>)
        tpu.yield
      }) : () -> ()
      %add3A_61 = arith.constant 40 : i32
      %add3A_62 = arith.addi %mul3A_25, %add3A_61 : i32
      "tpu.region"() ({
        %run_scoped3A_100 = tpu.sem_alloc : memref<!tpu.dma_semaphore, #tpu.memory_space<semaphore_mem>>
        %dma_start3A_101 = arith.constant 0 : i32
        %dma_start3A_102 = tpu.memref_slice %arg3[%add3A_62, %dma_start3A_101] : memref<2560x128xi32, #tpu.memory_space<hbm>> -> memref<40x128xi32, #tpu.memory_space<hbm>>
        %dma_start3A_103 = arith.constant 0 : i32
        %dma_start3A_104 = tpu.memref_slice %arg3[%add3A_62, %dma_start3A_103] : memref<2560x128xi32, #tpu.memory_space<hbm>> -> memref<40x128xi32, #tpu.memory_space<hbm>>
        tpu.enqueue_dma source(%dma_start3A_104 : memref<40x128xi32, #tpu.memory_space<hbm>>) target(%arg6 : memref<40x128xi32, #tpu.memory_space<vmem>>) target_semaphore(%run_scoped3A_100 : memref<!tpu.dma_semaphore, #tpu.memory_space<semaphore_mem>>)
        %dma_wait3A_105 = arith.constant 0 : i32
        %dma_wait3A_106 = tpu.memref_slice %arg3[%add3A_62, %dma_wait3A_105] : memref<2560x128xi32, #tpu.memory_space<hbm>> -> memref<40x128xi32, #tpu.memory_space<hbm>>
        %dma_wait3A_107 = arith.constant 0 : i32
        %dma_wait3A_108 = tpu.memref_slice %arg3[%add3A_62, %dma_wait3A_107] : memref<2560x128xi32, #tpu.memory_space<hbm>> -> memref<40x128xi32, #tpu.memory_space<hbm>>
        tpu.wait_dma2 semaphore(%run_scoped3A_100 : memref<!tpu.dma_semaphore, #tpu.memory_space<semaphore_mem>>) src(%dma_wait3A_108 : memref<40x128xi32, #tpu.memory_space<hbm>>) dst(%arg6 : memref<40x128xi32, #tpu.memory_space<vmem>>)
        tpu.yield
      }) : () -> ()
      "tpu.region"() ({
        %run_scoped3A_100 = tpu.sem_alloc : memref<!tpu.dma_semaphore, #tpu.memory_space<semaphore_mem>>
        %dma_start3A_101 = arith.constant 0 : i32
        %dma_start3A_102 = tpu.memref_slice %arg4[%add3A_62, %dma_start3A_101] : memref<2560x128xi32, #tpu.memory_space<hbm>> -> memref<40x128xi32, #tpu.memory_space<hbm>>
        %dma_start3A_103 = arith.constant 0 : i32
        %dma_start3A_104 = tpu.memref_slice %arg4[%add3A_62, %dma_start3A_103] : memref<2560x128xi32, #tpu.memory_space<hbm>> -> memref<40x128xi32, #tpu.memory_space<hbm>>
        tpu.enqueue_dma source(%dma_start3A_104 : memref<40x128xi32, #tpu.memory_space<hbm>>) target(%arg7 : memref<40x128xi32, #tpu.memory_space<vmem>>) target_semaphore(%run_scoped3A_100 : memref<!tpu.dma_semaphore, #tpu.memory_space<semaphore_mem>>)
        %dma_wait3A_105 = arith.constant 0 : i32
        %dma_wait3A_106 = tpu.memref_slice %arg4[%add3A_62, %dma_wait3A_105] : memref<2560x128xi32, #tpu.memory_space<hbm>> -> memref<40x128xi32, #tpu.memory_space<hbm>>
        %dma_wait3A_107 = arith.constant 0 : i32
        %dma_wait3A_108 = tpu.memref_slice %arg4[%add3A_62, %dma_wait3A_107] : memref<2560x128xi32, #tpu.memory_space<hbm>> -> memref<40x128xi32, #tpu.memory_space<hbm>>
        tpu.wait_dma2 semaphore(%run_scoped3A_100 : memref<!tpu.dma_semaphore, #tpu.memory_space<semaphore_mem>>) src(%dma_wait3A_108 : memref<40x128xi32, #tpu.memory_space<hbm>>) dst(%arg7 : memref<40x128xi32, #tpu.memory_space<vmem>>)
        tpu.yield
      }) : () -> ()
      %dma_start3A_63 = arith.constant 0 : i32
      %dma_start3A_64 = arith.constant 0 : i32
      %dma_start3A_65 = tpu.memref_slice %arg6[%dma_start3A_63, %dma_start3A_64] : memref<40x128xi32, #tpu.memory_space<vmem>> -> memref<1x128xi32, #tpu.memory_space<vmem>>
      %dma_start3A_66 = tpu.memref_squeeze %dma_start3A_65 : memref<1x128xi32, #tpu.memory_space<vmem>> -> memref<128xi32, #tpu.memory_space<vmem>>
      %dma_start3A_67 = arith.constant 0 : i32
      %dma_start3A_68 = arith.constant 0 : i32
      %dma_start3A_69 = tpu.memref_slice %arg2[%dma_start3A_67, %dma_start3A_68] : memref<10240x128xf32, #tpu.memory_space<hbm>> -> memref<10240x128xf32, #tpu.memory_space<hbm>>
      tpu.enqueue_indirect_dma source(%dma_start3A_69 : memref<10240x128xf32, #tpu.memory_space<hbm>>) target(%arg8 : memref<128x128xf32, #tpu.memory_space<vmem>>) offsets(%dma_start3A_66 : memref<128xi32, #tpu.memory_space<vmem>>) semaphore(%arg11 : memref<!tpu.dma_semaphore, #tpu.memory_space<semaphore_mem>>)
      %dma_start3A_70 = arith.constant 1 : i32
      %dma_start3A_71 = arith.constant 0 : i32
      %dma_start3A_72 = tpu.memref_slice %arg6[%dma_start3A_70, %dma_start3A_71] : memref<40x128xi32, #tpu.memory_space<vmem>> -> memref<1x128xi32, #tpu.memory_space<vmem>>
      %dma_start3A_73 = tpu.memref_squeeze %dma_start3A_72 : memref<1x128xi32, #tpu.memory_space<vmem>> -> memref<128xi32, #tpu.memory_space<vmem>>
      %dma_start3A_74 = arith.constant 0 : i32
      %dma_start3A_75 = arith.constant 0 : i32
      %dma_start3A_76 = tpu.memref_slice %arg2[%dma_start3A_74, %dma_start3A_75] : memref<10240x128xf32, #tpu.memory_space<hbm>> -> memref<10240x128xf32, #tpu.memory_space<hbm>>
      tpu.enqueue_indirect_dma source(%dma_start3A_76 : memref<10240x128xf32, #tpu.memory_space<hbm>>) target(%arg9 : memref<128x128xf32, #tpu.memory_space<vmem>>) offsets(%dma_start3A_73 : memref<128xi32, #tpu.memory_space<vmem>>) semaphore(%arg12 : memref<!tpu.dma_semaphore, #tpu.memory_space<semaphore_mem>>)
      %scan3A_77 = arith.constant 0 : i32
      %scan3A_78 = arith.constant 0 : i32
      %scan3A_79 = arith.constant 19 : i32
      %scan3A_80 = arith.addi %scan3A_78, %scan3A_79 : i32
      %scan3A_81 = arith.constant 1 : i32
      %scan3A_82 = scf.for %scan3A_100 = %scan3A_78 to %scan3A_80 step %scan3A_81 iter_args(%scan3A_101 = %scan3A_77) -> (i32)  : i32 {
        %mul3A_102 = arith.constant 2 : i32
        %mul3A_103 = arith.muli %mul3A_102, %scan3A_100 : i32
        %dma_wait3A_104 = arith.constant 0 : i32
        %dma_wait3A_105 = tpu.memref_slice %arg6[%mul3A_103, %dma_wait3A_104] : memref<40x128xi32, #tpu.memory_space<vmem>> -> memref<1x128xi32, #tpu.memory_space<vmem>>
        %dma_wait3A_106 = tpu.memref_squeeze %dma_wait3A_105 : memref<1x128xi32, #tpu.memory_space<vmem>> -> memref<128xi32, #tpu.memory_space<vmem>>
        %dma_wait3A_107 = arith.constant 0 : i32
        %dma_wait3A_108 = arith.constant 0 : i32
        %dma_wait3A_109 = tpu.memref_slice %arg2[%dma_wait3A_107, %dma_wait3A_108] : memref<10240x128xf32, #tpu.memory_space<hbm>> -> memref<10240x128xf32, #tpu.memory_space<hbm>>
        tpu.wait_indirect_dma semaphore(%arg11 : memref<!tpu.dma_semaphore, #tpu.memory_space<semaphore_mem>>) src(%dma_wait3A_109 : memref<10240x128xf32, #tpu.memory_space<hbm>>) dst(%arg8 : memref<128x128xf32, #tpu.memory_space<vmem>>)
        "tpu.region"() ({
          %run_scoped3A_137 = tpu.sem_alloc : memref<!tpu.dma_semaphore, #tpu.memory_space<semaphore_mem>>
          %dma_start3A_138 = arith.constant 0 : i32
          %dma_start3A_139 = tpu.memref_slice %arg7[%mul3A_103, %dma_start3A_138] : memref<40x128xi32, #tpu.memory_space<vmem>> -> memref<1x128xi32, #tpu.memory_space<vmem>>
          %dma_start3A_140 = tpu.memref_squeeze %dma_start3A_139 : memref<1x128xi32, #tpu.memory_space<vmem>> -> memref<128xi32, #tpu.memory_space<vmem>>
          %dma_start3A_141 = arith.constant 0 : i32
          %dma_start3A_142 = arith.constant 0 : i32
          %dma_start3A_143 = tpu.memref_slice %arg10[%dma_start3A_141, %dma_start3A_142] : memref<10240x128xf32, #tpu.memory_space<vmem_shared>> -> memref<10240x128xf32, #tpu.memory_space<vmem_shared>>
          tpu.enqueue_indirect_dma source(%arg8 : memref<128x128xf32, #tpu.memory_space<vmem>>) target(%dma_start3A_143 : memref<10240x128xf32, #tpu.memory_space<vmem_shared>>) offsets(%dma_start3A_140 : memref<128xi32, #tpu.memory_space<vmem>>) semaphore(%run_scoped3A_137 : memref<!tpu.dma_semaphore, #tpu.memory_space<semaphore_mem>>) {add = true}
          %dma_wait3A_144 = arith.constant 0 : i32
          %dma_wait3A_145 = tpu.memref_slice %arg7[%mul3A_103, %dma_wait3A_144] : memref<40x128xi32, #tpu.memory_space<vmem>> -> memref<1x128xi32, #tpu.memory_space<vmem>>
          %dma_wait3A_146 = tpu.memref_squeeze %dma_wait3A_145 : memref<1x128xi32, #tpu.memory_space<vmem>> -> memref<128xi32, #tpu.memory_space<vmem>>
          %dma_wait3A_147 = arith.constant 0 : i32
          %dma_wait3A_148 = arith.constant 0 : i32
          %dma_wait3A_149 = tpu.memref_slice %arg10[%dma_wait3A_147, %dma_wait3A_148] : memref<10240x128xf32, #tpu.memory_space<vmem_shared>> -> memref<10240x128xf32, #tpu.memory_space<vmem_shared>>
          tpu.wait_indirect_dma semaphore(%run_scoped3A_137 : memref<!tpu.dma_semaphore, #tpu.memory_space<semaphore_mem>>) src(%arg8 : memref<128x128xf32, #tpu.memory_space<vmem>>) dst(%dma_wait3A_149 : memref<10240x128xf32, #tpu.memory_space<vmem_shared>>)
          tpu.yield
        }) : () -> ()
        %add3A_110 = arith.constant 2 : i32
        %add3A_111 = arith.addi %mul3A_103, %add3A_110 : i32
        %dma_start3A_112 = arith.constant 0 : i32
        %dma_start3A_113 = tpu.memref_slice %arg6[%add3A_111, %dma_start3A_112] : memref<40x128xi32, #tpu.memory_space<vmem>> -> memref<1x128xi32, #tpu.memory_space<vmem>>
        %dma_start3A_114 = tpu.memref_squeeze %dma_start3A_113 : memref<1x128xi32, #tpu.memory_space<vmem>> -> memref<128xi32, #tpu.memory_space<vmem>>
        %dma_start3A_115 = arith.constant 0 : i32
        %dma_start3A_116 = arith.constant 0 : i32
        %dma_start3A_117 = tpu.memref_slice %arg2[%dma_start3A_115, %dma_start3A_116] : memref<10240x128xf32, #tpu.memory_space<hbm>> -> memref<10240x128xf32, #tpu.memory_space<hbm>>
        tpu.enqueue_indirect_dma source(%dma_start3A_117 : memref<10240x128xf32, #tpu.memory_space<hbm>>) target(%arg8 : memref<128x128xf32, #tpu.memory_space<vmem>>) offsets(%dma_start3A_114 : memref<128xi32, #tpu.memory_space<vmem>>) semaphore(%arg11 : memref<!tpu.dma_semaphore, #tpu.memory_space<semaphore_mem>>)
        %add3A_118 = arith.constant 1 : i32
        %add3A_119 = arith.addi %mul3A_103, %add3A_118 : i32
        %dma_wait3A_120 = arith.constant 0 : i32
        %dma_wait3A_121 = tpu.memref_slice %arg6[%add3A_119, %dma_wait3A_120] : memref<40x128xi32, #tpu.memory_space<vmem>> -> memref<1x128xi32, #tpu.memory_space<vmem>>
        %dma_wait3A_122 = tpu.memref_squeeze %dma_wait3A_121 : memref<1x128xi32, #tpu.memory_space<vmem>> -> memref<128xi32, #tpu.memory_space<vmem>>
        %dma_wait3A_123 = arith.constant 0 : i32
        %dma_wait3A_124 = arith.constant 0 : i32
        %dma_wait3A_125 = tpu.memref_slice %arg2[%dma_wait3A_123, %dma_wait3A_124] : memref<10240x128xf32, #tpu.memory_space<hbm>> -> memref<10240x128xf32, #tpu.memory_space<hbm>>
        tpu.wait_indirect_dma semaphore(%arg12 : memref<!tpu.dma_semaphore, #tpu.memory_space<semaphore_mem>>) src(%dma_wait3A_125 : memref<10240x128xf32, #tpu.memory_space<hbm>>) dst(%arg9 : memref<128x128xf32, #tpu.memory_space<vmem>>)
        %add3A_126 = arith.constant 1 : i32
        %add3A_127 = arith.addi %mul3A_103, %add3A_126 : i32
        "tpu.region"() ({
          %run_scoped3A_137 = tpu.sem_alloc : memref<!tpu.dma_semaphore, #tpu.memory_space<semaphore_mem>>
          %dma_start3A_138 = arith.constant 0 : i32
          %dma_start3A_139 = tpu.memref_slice %arg7[%add3A_127, %dma_start3A_138] : memref<40x128xi32, #tpu.memory_space<vmem>> -> memref<1x128xi32, #tpu.memory_space<vmem>>
          %dma_start3A_140 = tpu.memref_squeeze %dma_start3A_139 : memref<1x128xi32, #tpu.memory_space<vmem>> -> memref<128xi32, #tpu.memory_space<vmem>>
          %dma_start3A_141 = arith.constant 0 : i32
          %dma_start3A_142 = arith.constant 0 : i32
          %dma_start3A_143 = tpu.memref_slice %arg10[%dma_start3A_141, %dma_start3A_142] : memref<10240x128xf32, #tpu.memory_space<vmem_shared>> -> memref<10240x128xf32, #tpu.memory_space<vmem_shared>>
          tpu.enqueue_indirect_dma source(%arg9 : memref<128x128xf32, #tpu.memory_space<vmem>>) target(%dma_start3A_143 : memref<10240x128xf32, #tpu.memory_space<vmem_shared>>) offsets(%dma_start3A_140 : memref<128xi32, #tpu.memory_space<vmem>>) semaphore(%run_scoped3A_137 : memref<!tpu.dma_semaphore, #tpu.memory_space<semaphore_mem>>) {add = true}
          %dma_wait3A_144 = arith.constant 0 : i32
          %dma_wait3A_145 = tpu.memref_slice %arg7[%add3A_127, %dma_wait3A_144] : memref<40x128xi32, #tpu.memory_space<vmem>> -> memref<1x128xi32, #tpu.memory_space<vmem>>
          %dma_wait3A_146 = tpu.memref_squeeze %dma_wait3A_145 : memref<1x128xi32, #tpu.memory_space<vmem>> -> memref<128xi32, #tpu.memory_space<vmem>>
          %dma_wait3A_147 = arith.constant 0 : i32
          %dma_wait3A_148 = arith.constant 0 : i32
          %dma_wait3A_149 = tpu.memref_slice %arg10[%dma_wait3A_147, %dma_wait3A_148] : memref<10240x128xf32, #tpu.memory_space<vmem_shared>> -> memref<10240x128xf32, #tpu.memory_space<vmem_shared>>
          tpu.wait_indirect_dma semaphore(%run_scoped3A_137 : memref<!tpu.dma_semaphore, #tpu.memory_space<semaphore_mem>>) src(%arg9 : memref<128x128xf32, #tpu.memory_space<vmem>>) dst(%dma_wait3A_149 : memref<10240x128xf32, #tpu.memory_space<vmem_shared>>)
          tpu.yield
        }) : () -> ()
        %add3A_128 = arith.constant 3 : i32
        %add3A_129 = arith.addi %mul3A_103, %add3A_128 : i32
        %dma_start3A_130 = arith.constant 0 : i32
        %dma_start3A_131 = tpu.memref_slice %arg6[%add3A_129, %dma_start3A_130] : memref<40x128xi32, #tpu.memory_space<vmem>> -> memref<1x128xi32, #tpu.memory_space<vmem>>
        %dma_start3A_132 = tpu.memref_squeeze %dma_start3A_131 : memref<1x128xi32, #tpu.memory_space<vmem>> -> memref<128xi32, #tpu.memory_space<vmem>>
        %dma_start3A_133 = arith.constant 0 : i32
        %dma_start3A_134 = arith.constant 0 : i32
        %dma_start3A_135 = tpu.memref_slice %arg2[%dma_start3A_133, %dma_start3A_134] : memref<10240x128xf32, #tpu.memory_space<hbm>> -> memref<10240x128xf32, #tpu.memory_space<hbm>>
        tpu.enqueue_indirect_dma source(%dma_start3A_135 : memref<10240x128xf32, #tpu.memory_space<hbm>>) target(%arg9 : memref<128x128xf32, #tpu.memory_space<vmem>>) offsets(%dma_start3A_132 : memref<128xi32, #tpu.memory_space<vmem>>) semaphore(%arg12 : memref<!tpu.dma_semaphore, #tpu.memory_space<semaphore_mem>>)
        %scan3A_136 = arith.constant 0 : i32
        scf.yield %scan3A_136 : i32
      }
      %scan3A_83 = arith.constant 19 : i32
      %dma_wait3A_84 = arith.constant 0 : i32
      %dma_wait3A_85 = arith.constant 0 : i32
      %dma_wait3A_86 = tpu.memref_slice %arg6[%dma_wait3A_84, %dma_wait3A_85] : memref<40x128xi32, #tpu.memory_space<vmem>> -> memref<1x128xi32, #tpu.memory_space<vmem>>
      %dma_wait3A_87 = tpu.memref_squeeze %dma_wait3A_86 : memref<1x128xi32, #tpu.memory_space<vmem>> -> memref<128xi32, #tpu.memory_space<vmem>>
      %dma_wait3A_88 = arith.constant 0 : i32
      %dma_wait3A_89 = arith.constant 0 : i32
      %dma_wait3A_90 = tpu.memref_slice %arg2[%dma_wait3A_88, %dma_wait3A_89] : memref<10240x128xf32, #tpu.memory_space<hbm>> -> memref<10240x128xf32, #tpu.memory_space<hbm>>
      tpu.wait_indirect_dma semaphore(%arg11 : memref<!tpu.dma_semaphore, #tpu.memory_space<semaphore_mem>>) src(%dma_wait3A_90 : memref<10240x128xf32, #tpu.memory_space<hbm>>) dst(%arg8 : memref<128x128xf32, #tpu.memory_space<vmem>>)
      %run_scoped3A_91 = arith.constant 38 : i32
      "tpu.region"() ({
        %run_scoped3A_100 = tpu.sem_alloc : memref<!tpu.dma_semaphore, #tpu.memory_space<semaphore_mem>>
        %dma_start3A_101 = arith.constant 0 : i32
        %dma_start3A_102 = tpu.memref_slice %arg7[%run_scoped3A_91, %dma_start3A_101] : memref<40x128xi32, #tpu.memory_space<vmem>> -> memref<1x128xi32, #tpu.memory_space<vmem>>
        %dma_start3A_103 = tpu.memref_squeeze %dma_start3A_102 : memref<1x128xi32, #tpu.memory_space<vmem>> -> memref<128xi32, #tpu.memory_space<vmem>>
        %dma_start3A_104 = arith.constant 0 : i32
        %dma_start3A_105 = arith.constant 0 : i32
        %dma_start3A_106 = tpu.memref_slice %arg10[%dma_start3A_104, %dma_start3A_105] : memref<10240x128xf32, #tpu.memory_space<vmem_shared>> -> memref<10240x128xf32, #tpu.memory_space<vmem_shared>>
        tpu.enqueue_indirect_dma source(%arg8 : memref<128x128xf32, #tpu.memory_space<vmem>>) target(%dma_start3A_106 : memref<10240x128xf32, #tpu.memory_space<vmem_shared>>) offsets(%dma_start3A_103 : memref<128xi32, #tpu.memory_space<vmem>>) semaphore(%run_scoped3A_100 : memref<!tpu.dma_semaphore, #tpu.memory_space<semaphore_mem>>) {add = true}
        %dma_wait3A_107 = arith.constant 0 : i32
        %dma_wait3A_108 = tpu.memref_slice %arg7[%run_scoped3A_91, %dma_wait3A_107] : memref<40x128xi32, #tpu.memory_space<vmem>> -> memref<1x128xi32, #tpu.memory_space<vmem>>
        %dma_wait3A_109 = tpu.memref_squeeze %dma_wait3A_108 : memref<1x128xi32, #tpu.memory_space<vmem>> -> memref<128xi32, #tpu.memory_space<vmem>>
        %dma_wait3A_110 = arith.constant 0 : i32
        %dma_wait3A_111 = arith.constant 0 : i32
        %dma_wait3A_112 = tpu.memref_slice %arg10[%dma_wait3A_110, %dma_wait3A_111] : memref<10240x128xf32, #tpu.memory_space<vmem_shared>> -> memref<10240x128xf32, #tpu.memory_space<vmem_shared>>
        tpu.wait_indirect_dma semaphore(%run_scoped3A_100 : memref<!tpu.dma_semaphore, #tpu.memory_space<semaphore_mem>>) src(%arg8 : memref<128x128xf32, #tpu.memory_space<vmem>>) dst(%dma_wait3A_112 : memref<10240x128xf32, #tpu.memory_space<vmem_shared>>)
        tpu.yield
      }) : () -> ()
      %dma_wait3A_92 = arith.constant 0 : i32
      %dma_wait3A_93 = arith.constant 0 : i32
      %dma_wait3A_94 = tpu.memref_slice %arg6[%dma_wait3A_92, %dma_wait3A_93] : memref<40x128xi32, #tpu.memory_space<vmem>> -> memref<1x128xi32, #tpu.memory_space<vmem>>
      %dma_wait3A_95 = tpu.memref_squeeze %dma_wait3A_94 : memref<1x128xi32, #tpu.memory_space<vmem>> -> memref<128xi32, #tpu.memory_space<vmem>>
      %dma_wait3A_96 = arith.constant 0 : i32
      %dma_wait3A_97 = arith.constant 0 : i32
      %dma_wait3A_98 = tpu.memref_slice %arg2[%dma_wait3A_96, %dma_wait3A_97] : memref<10240x128xf32, #tpu.memory_space<hbm>> -> memref<10240x128xf32, #tpu.memory_space<hbm>>
      tpu.wait_indirect_dma semaphore(%arg12 : memref<!tpu.dma_semaphore, #tpu.memory_space<semaphore_mem>>) src(%dma_wait3A_98 : memref<10240x128xf32, #tpu.memory_space<hbm>>) dst(%arg9 : memref<128x128xf32, #tpu.memory_space<vmem>>)
      %run_scoped3A_99 = arith.constant 39 : i32
      "tpu.region"() ({
        %run_scoped3A_100 = tpu.sem_alloc : memref<!tpu.dma_semaphore, #tpu.memory_space<semaphore_mem>>
        %dma_start3A_101 = arith.constant 0 : i32
        %dma_start3A_102 = tpu.memref_slice %arg7[%run_scoped3A_99, %dma_start3A_101] : memref<40x128xi32, #tpu.memory_space<vmem>> -> memref<1x128xi32, #tpu.memory_space<vmem>>
        %dma_start3A_103 = tpu.memref_squeeze %dma_start3A_102 : memref<1x128xi32, #tpu.memory_space<vmem>> -> memref<128xi32, #tpu.memory_space<vmem>>
        %dma_start3A_104 = arith.constant 0 : i32
        %dma_start3A_105 = arith.constant 0 : i32
        %dma_start3A_106 = tpu.memref_slice %arg10[%dma_start3A_104, %dma_start3A_105] : memref<10240x128xf32, #tpu.memory_space<vmem_shared>> -> memref<10240x128xf32, #tpu.memory_space<vmem_shared>>
        tpu.enqueue_indirect_dma source(%arg9 : memref<128x128xf32, #tpu.memory_space<vmem>>) target(%dma_start3A_106 : memref<10240x128xf32, #tpu.memory_space<vmem_shared>>) offsets(%dma_start3A_103 : memref<128xi32, #tpu.memory_space<vmem>>) semaphore(%run_scoped3A_100 : memref<!tpu.dma_semaphore, #tpu.memory_space<semaphore_mem>>) {add = true}
        %dma_wait3A_107 = arith.constant 0 : i32
        %dma_wait3A_108 = tpu.memref_slice %arg7[%run_scoped3A_99, %dma_wait3A_107] : memref<40x128xi32, #tpu.memory_space<vmem>> -> memref<1x128xi32, #tpu.memory_space<vmem>>
        %dma_wait3A_109 = tpu.memref_squeeze %dma_wait3A_108 : memref<1x128xi32, #tpu.memory_space<vmem>> -> memref<128xi32, #tpu.memory_space<vmem>>
        %dma_wait3A_110 = arith.constant 0 : i32
        %dma_wait3A_111 = arith.constant 0 : i32
        %dma_wait3A_112 = tpu.memref_slice %arg10[%dma_wait3A_110, %dma_wait3A_111] : memref<10240x128xf32, #tpu.memory_space<vmem_shared>> -> memref<10240x128xf32, #tpu.memory_space<vmem_shared>>
        tpu.wait_indirect_dma semaphore(%run_scoped3A_100 : memref<!tpu.dma_semaphore, #tpu.memory_space<semaphore_mem>>) src(%arg9 : memref<128x128xf32, #tpu.memory_space<vmem>>) dst(%dma_wait3A_112 : memref<10240x128xf32, #tpu.memory_space<vmem_shared>>)
        tpu.yield
      }) : () -> ()
    } else {
    }
    %eq3A_15 = arith.constant 1 : i32
    %eq3A_16 = arith.cmpi eq, %arg0, %eq3A_15 : i32
    %convert_element_type3A_17 = arith.extui %eq3A_16 : i1 to i32
    %cond3A_18 = arith.constant 0 : i32
    %cond3A_19 = arith.cmpi ne, %convert_element_type3A_17, %cond3A_18 : i32
    scf.if %cond3A_19 {
      %mul3A_24 = arith.constant 80 : i32
      %mul3A_25 = arith.muli %arg1, %mul3A_24 : i32
      %add3A = arith.constant 1280 : i32
      %add3A_26 = arith.addi %add3A, %mul3A_25 : i32
      %add3A_27 = arith.constant 0 : i32
      %add3A_28 = arith.addi %add3A_26, %add3A_27 : i32
      "tpu.region"() ({
        %run_scoped3A_102 = tpu.sem_alloc : memref<!tpu.dma_semaphore, #tpu.memory_space<semaphore_mem>>
        %dma_start3A_103 = arith.constant 0 : i32
        %dma_start3A_104 = tpu.memref_slice %arg3[%add3A_28, %dma_start3A_103] : memref<2560x128xi32, #tpu.memory_space<hbm>> -> memref<40x128xi32, #tpu.memory_space<hbm>>
        %dma_start3A_105 = arith.constant 0 : i32
        %dma_start3A_106 = tpu.memref_slice %arg3[%add3A_28, %dma_start3A_105] : memref<2560x128xi32, #tpu.memory_space<hbm>> -> memref<40x128xi32, #tpu.memory_space<hbm>>
        tpu.enqueue_dma source(%dma_start3A_106 : memref<40x128xi32, #tpu.memory_space<hbm>>) target(%arg6 : memref<40x128xi32, #tpu.memory_space<vmem>>) target_semaphore(%run_scoped3A_102 : memref<!tpu.dma_semaphore, #tpu.memory_space<semaphore_mem>>)
        %dma_wait3A_107 = arith.constant 0 : i32
        %dma_wait3A_108 = tpu.memref_slice %arg3[%add3A_28, %dma_wait3A_107] : memref<2560x128xi32, #tpu.memory_space<hbm>> -> memref<40x128xi32, #tpu.memory_space<hbm>>
        %dma_wait3A_109 = arith.constant 0 : i32
        %dma_wait3A_110 = tpu.memref_slice %arg3[%add3A_28, %dma_wait3A_109] : memref<2560x128xi32, #tpu.memory_space<hbm>> -> memref<40x128xi32, #tpu.memory_space<hbm>>
        tpu.wait_dma2 semaphore(%run_scoped3A_102 : memref<!tpu.dma_semaphore, #tpu.memory_space<semaphore_mem>>) src(%dma_wait3A_110 : memref<40x128xi32, #tpu.memory_space<hbm>>) dst(%arg6 : memref<40x128xi32, #tpu.memory_space<vmem>>)
        tpu.yield
      }) : () -> ()
      "tpu.region"() ({
        %run_scoped3A_102 = tpu.sem_alloc : memref<!tpu.dma_semaphore, #tpu.memory_space<semaphore_mem>>
        %dma_start3A_103 = arith.constant 0 : i32
        %dma_start3A_104 = tpu.memref_slice %arg4[%add3A_28, %dma_start3A_103] : memref<2560x128xi32, #tpu.memory_space<hbm>> -> memref<40x128xi32, #tpu.memory_space<hbm>>
        %dma_start3A_105 = arith.constant 0 : i32
        %dma_start3A_106 = tpu.memref_slice %arg4[%add3A_28, %dma_start3A_105] : memref<2560x128xi32, #tpu.memory_space<hbm>> -> memref<40x128xi32, #tpu.memory_space<hbm>>
        tpu.enqueue_dma source(%dma_start3A_106 : memref<40x128xi32, #tpu.memory_space<hbm>>) target(%arg7 : memref<40x128xi32, #tpu.memory_space<vmem>>) target_semaphore(%run_scoped3A_102 : memref<!tpu.dma_semaphore, #tpu.memory_space<semaphore_mem>>)
        %dma_wait3A_107 = arith.constant 0 : i32
        %dma_wait3A_108 = tpu.memref_slice %arg4[%add3A_28, %dma_wait3A_107] : memref<2560x128xi32, #tpu.memory_space<hbm>> -> memref<40x128xi32, #tpu.memory_space<hbm>>
        %dma_wait3A_109 = arith.constant 0 : i32
        %dma_wait3A_110 = tpu.memref_slice %arg4[%add3A_28, %dma_wait3A_109] : memref<2560x128xi32, #tpu.memory_space<hbm>> -> memref<40x128xi32, #tpu.memory_space<hbm>>
        tpu.wait_dma2 semaphore(%run_scoped3A_102 : memref<!tpu.dma_semaphore, #tpu.memory_space<semaphore_mem>>) src(%dma_wait3A_110 : memref<40x128xi32, #tpu.memory_space<hbm>>) dst(%arg7 : memref<40x128xi32, #tpu.memory_space<vmem>>)
        tpu.yield
      }) : () -> ()
      %dma_start3A = arith.constant 0 : i32
      %dma_start3A_29 = arith.constant 0 : i32
      %dma_start3A_30 = tpu.memref_slice %arg6[%dma_start3A, %dma_start3A_29] : memref<40x128xi32, #tpu.memory_space<vmem>> -> memref<1x128xi32, #tpu.memory_space<vmem>>
      %dma_start3A_31 = tpu.memref_squeeze %dma_start3A_30 : memref<1x128xi32, #tpu.memory_space<vmem>> -> memref<128xi32, #tpu.memory_space<vmem>>
      %dma_start3A_32 = arith.constant 0 : i32
      %dma_start3A_33 = arith.constant 0 : i32
      %dma_start3A_34 = tpu.memref_slice %arg2[%dma_start3A_32, %dma_start3A_33] : memref<10240x128xf32, #tpu.memory_space<hbm>> -> memref<10240x128xf32, #tpu.memory_space<hbm>>
      tpu.enqueue_indirect_dma source(%dma_start3A_34 : memref<10240x128xf32, #tpu.memory_space<hbm>>) target(%arg8 : memref<128x128xf32, #tpu.memory_space<vmem>>) offsets(%dma_start3A_31 : memref<128xi32, #tpu.memory_space<vmem>>) semaphore(%arg11 : memref<!tpu.dma_semaphore, #tpu.memory_space<semaphore_mem>>)
      %dma_start3A_35 = arith.constant 1 : i32
      %dma_start3A_36 = arith.constant 0 : i32
      %dma_start3A_37 = tpu.memref_slice %arg6[%dma_start3A_35, %dma_start3A_36] : memref<40x128xi32, #tpu.memory_space<vmem>> -> memref<1x128xi32, #tpu.memory_space<vmem>>
      %dma_start3A_38 = tpu.memref_squeeze %dma_start3A_37 : memref<1x128xi32, #tpu.memory_space<vmem>> -> memref<128xi32, #tpu.memory_space<vmem>>
      %dma_start3A_39 = arith.constant 0 : i32
      %dma_start3A_40 = arith.constant 0 : i32
      %dma_start3A_41 = tpu.memref_slice %arg2[%dma_start3A_39, %dma_start3A_40] : memref<10240x128xf32, #tpu.memory_space<hbm>> -> memref<10240x128xf32, #tpu.memory_space<hbm>>
      tpu.enqueue_indirect_dma source(%dma_start3A_41 : memref<10240x128xf32, #tpu.memory_space<hbm>>) target(%arg9 : memref<128x128xf32, #tpu.memory_space<vmem>>) offsets(%dma_start3A_38 : memref<128xi32, #tpu.memory_space<vmem>>) semaphore(%arg12 : memref<!tpu.dma_semaphore, #tpu.memory_space<semaphore_mem>>)
      %scan3A_42 = arith.constant 0 : i32
      %scan3A_43 = arith.constant 0 : i32
      %scan3A_44 = arith.constant 19 : i32
      %scan3A_45 = arith.addi %scan3A_43, %scan3A_44 : i32
      %scan3A_46 = arith.constant 1 : i32
      %scan3A_47 = scf.for %scan3A_102 = %scan3A_43 to %scan3A_45 step %scan3A_46 iter_args(%scan3A_103 = %scan3A_42) -> (i32)  : i32 {
        %mul3A_104 = arith.constant 2 : i32
        %mul3A_105 = arith.muli %mul3A_104, %scan3A_102 : i32
        %dma_wait3A_106 = arith.constant 0 : i32
        %dma_wait3A_107 = tpu.memref_slice %arg6[%mul3A_105, %dma_wait3A_106] : memref<40x128xi32, #tpu.memory_space<vmem>> -> memref<1x128xi32, #tpu.memory_space<vmem>>
        %dma_wait3A_108 = tpu.memref_squeeze %dma_wait3A_107 : memref<1x128xi32, #tpu.memory_space<vmem>> -> memref<128xi32, #tpu.memory_space<vmem>>
        %dma_wait3A_109 = arith.constant 0 : i32
        %dma_wait3A_110 = arith.constant 0 : i32
        %dma_wait3A_111 = tpu.memref_slice %arg2[%dma_wait3A_109, %dma_wait3A_110] : memref<10240x128xf32, #tpu.memory_space<hbm>> -> memref<10240x128xf32, #tpu.memory_space<hbm>>
        tpu.wait_indirect_dma semaphore(%arg11 : memref<!tpu.dma_semaphore, #tpu.memory_space<semaphore_mem>>) src(%dma_wait3A_111 : memref<10240x128xf32, #tpu.memory_space<hbm>>) dst(%arg8 : memref<128x128xf32, #tpu.memory_space<vmem>>)
        "tpu.region"() ({
          %run_scoped3A_139 = tpu.sem_alloc : memref<!tpu.dma_semaphore, #tpu.memory_space<semaphore_mem>>
          %dma_start3A_140 = arith.constant 0 : i32
          %dma_start3A_141 = tpu.memref_slice %arg7[%mul3A_105, %dma_start3A_140] : memref<40x128xi32, #tpu.memory_space<vmem>> -> memref<1x128xi32, #tpu.memory_space<vmem>>
          %dma_start3A_142 = tpu.memref_squeeze %dma_start3A_141 : memref<1x128xi32, #tpu.memory_space<vmem>> -> memref<128xi32, #tpu.memory_space<vmem>>
          %dma_start3A_143 = arith.constant 0 : i32
          %dma_start3A_144 = arith.constant 0 : i32
          %dma_start3A_145 = tpu.memref_slice %arg10[%dma_start3A_143, %dma_start3A_144] : memref<10240x128xf32, #tpu.memory_space<vmem_shared>> -> memref<10240x128xf32, #tpu.memory_space<vmem_shared>>
          tpu.enqueue_indirect_dma source(%arg8 : memref<128x128xf32, #tpu.memory_space<vmem>>) target(%dma_start3A_145 : memref<10240x128xf32, #tpu.memory_space<vmem_shared>>) offsets(%dma_start3A_142 : memref<128xi32, #tpu.memory_space<vmem>>) semaphore(%run_scoped3A_139 : memref<!tpu.dma_semaphore, #tpu.memory_space<semaphore_mem>>) {add = true}
          %dma_wait3A_146 = arith.constant 0 : i32
          %dma_wait3A_147 = tpu.memref_slice %arg7[%mul3A_105, %dma_wait3A_146] : memref<40x128xi32, #tpu.memory_space<vmem>> -> memref<1x128xi32, #tpu.memory_space<vmem>>
          %dma_wait3A_148 = tpu.memref_squeeze %dma_wait3A_147 : memref<1x128xi32, #tpu.memory_space<vmem>> -> memref<128xi32, #tpu.memory_space<vmem>>
          %dma_wait3A_149 = arith.constant 0 : i32
          %dma_wait3A_150 = arith.constant 0 : i32
          %dma_wait3A_151 = tpu.memref_slice %arg10[%dma_wait3A_149, %dma_wait3A_150] : memref<10240x128xf32, #tpu.memory_space<vmem_shared>> -> memref<10240x128xf32, #tpu.memory_space<vmem_shared>>
          tpu.wait_indirect_dma semaphore(%run_scoped3A_139 : memref<!tpu.dma_semaphore, #tpu.memory_space<semaphore_mem>>) src(%arg8 : memref<128x128xf32, #tpu.memory_space<vmem>>) dst(%dma_wait3A_151 : memref<10240x128xf32, #tpu.memory_space<vmem_shared>>)
          tpu.yield
        }) : () -> ()
        %add3A_112 = arith.constant 2 : i32
        %add3A_113 = arith.addi %mul3A_105, %add3A_112 : i32
        %dma_start3A_114 = arith.constant 0 : i32
        %dma_start3A_115 = tpu.memref_slice %arg6[%add3A_113, %dma_start3A_114] : memref<40x128xi32, #tpu.memory_space<vmem>> -> memref<1x128xi32, #tpu.memory_space<vmem>>
        %dma_start3A_116 = tpu.memref_squeeze %dma_start3A_115 : memref<1x128xi32, #tpu.memory_space<vmem>> -> memref<128xi32, #tpu.memory_space<vmem>>
        %dma_start3A_117 = arith.constant 0 : i32
        %dma_start3A_118 = arith.constant 0 : i32
        %dma_start3A_119 = tpu.memref_slice %arg2[%dma_start3A_117, %dma_start3A_118] : memref<10240x128xf32, #tpu.memory_space<hbm>> -> memref<10240x128xf32, #tpu.memory_space<hbm>>
        tpu.enqueue_indirect_dma source(%dma_start3A_119 : memref<10240x128xf32, #tpu.memory_space<hbm>>) target(%arg8 : memref<128x128xf32, #tpu.memory_space<vmem>>) offsets(%dma_start3A_116 : memref<128xi32, #tpu.memory_space<vmem>>) semaphore(%arg11 : memref<!tpu.dma_semaphore, #tpu.memory_space<semaphore_mem>>)
        %add3A_120 = arith.constant 1 : i32
        %add3A_121 = arith.addi %mul3A_105, %add3A_120 : i32
        %dma_wait3A_122 = arith.constant 0 : i32
        %dma_wait3A_123 = tpu.memref_slice %arg6[%add3A_121, %dma_wait3A_122] : memref<40x128xi32, #tpu.memory_space<vmem>> -> memref<1x128xi32, #tpu.memory_space<vmem>>
        %dma_wait3A_124 = tpu.memref_squeeze %dma_wait3A_123 : memref<1x128xi32, #tpu.memory_space<vmem>> -> memref<128xi32, #tpu.memory_space<vmem>>
        %dma_wait3A_125 = arith.constant 0 : i32
        %dma_wait3A_126 = arith.constant 0 : i32
        %dma_wait3A_127 = tpu.memref_slice %arg2[%dma_wait3A_125, %dma_wait3A_126] : memref<10240x128xf32, #tpu.memory_space<hbm>> -> memref<10240x128xf32, #tpu.memory_space<hbm>>
        tpu.wait_indirect_dma semaphore(%arg12 : memref<!tpu.dma_semaphore, #tpu.memory_space<semaphore_mem>>) src(%dma_wait3A_127 : memref<10240x128xf32, #tpu.memory_space<hbm>>) dst(%arg9 : memref<128x128xf32, #tpu.memory_space<vmem>>)
        %add3A_128 = arith.constant 1 : i32
        %add3A_129 = arith.addi %mul3A_105, %add3A_128 : i32
        "tpu.region"() ({
          %run_scoped3A_139 = tpu.sem_alloc : memref<!tpu.dma_semaphore, #tpu.memory_space<semaphore_mem>>
          %dma_start3A_140 = arith.constant 0 : i32
          %dma_start3A_141 = tpu.memref_slice %arg7[%add3A_129, %dma_start3A_140] : memref<40x128xi32, #tpu.memory_space<vmem>> -> memref<1x128xi32, #tpu.memory_space<vmem>>
          %dma_start3A_142 = tpu.memref_squeeze %dma_start3A_141 : memref<1x128xi32, #tpu.memory_space<vmem>> -> memref<128xi32, #tpu.memory_space<vmem>>
          %dma_start3A_143 = arith.constant 0 : i32
          %dma_start3A_144 = arith.constant 0 : i32
          %dma_start3A_145 = tpu.memref_slice %arg10[%dma_start3A_143, %dma_start3A_144] : memref<10240x128xf32, #tpu.memory_space<vmem_shared>> -> memref<10240x128xf32, #tpu.memory_space<vmem_shared>>
          tpu.enqueue_indirect_dma source(%arg9 : memref<128x128xf32, #tpu.memory_space<vmem>>) target(%dma_start3A_145 : memref<10240x128xf32, #tpu.memory_space<vmem_shared>>) offsets(%dma_start3A_142 : memref<128xi32, #tpu.memory_space<vmem>>) semaphore(%run_scoped3A_139 : memref<!tpu.dma_semaphore, #tpu.memory_space<semaphore_mem>>) {add = true}
          %dma_wait3A_146 = arith.constant 0 : i32
          %dma_wait3A_147 = tpu.memref_slice %arg7[%add3A_129, %dma_wait3A_146] : memref<40x128xi32, #tpu.memory_space<vmem>> -> memref<1x128xi32, #tpu.memory_space<vmem>>
          %dma_wait3A_148 = tpu.memref_squeeze %dma_wait3A_147 : memref<1x128xi32, #tpu.memory_space<vmem>> -> memref<128xi32, #tpu.memory_space<vmem>>
          %dma_wait3A_149 = arith.constant 0 : i32
          %dma_wait3A_150 = arith.constant 0 : i32
          %dma_wait3A_151 = tpu.memref_slice %arg10[%dma_wait3A_149, %dma_wait3A_150] : memref<10240x128xf32, #tpu.memory_space<vmem_shared>> -> memref<10240x128xf32, #tpu.memory_space<vmem_shared>>
          tpu.wait_indirect_dma semaphore(%run_scoped3A_139 : memref<!tpu.dma_semaphore, #tpu.memory_space<semaphore_mem>>) src(%arg9 : memref<128x128xf32, #tpu.memory_space<vmem>>) dst(%dma_wait3A_151 : memref<10240x128xf32, #tpu.memory_space<vmem_shared>>)
          tpu.yield
        }) : () -> ()
        %add3A_130 = arith.constant 3 : i32
        %add3A_131 = arith.addi %mul3A_105, %add3A_130 : i32
        %dma_start3A_132 = arith.constant 0 : i32
        %dma_start3A_133 = tpu.memref_slice %arg6[%add3A_131, %dma_start3A_132] : memref<40x128xi32, #tpu.memory_space<vmem>> -> memref<1x128xi32, #tpu.memory_space<vmem>>
        %dma_start3A_134 = tpu.memref_squeeze %dma_start3A_133 : memref<1x128xi32, #tpu.memory_space<vmem>> -> memref<128xi32, #tpu.memory_space<vmem>>
        %dma_start3A_135 = arith.constant 0 : i32
        %dma_start3A_136 = arith.constant 0 : i32
        %dma_start3A_137 = tpu.memref_slice %arg2[%dma_start3A_135, %dma_start3A_136] : memref<10240x128xf32, #tpu.memory_space<hbm>> -> memref<10240x128xf32, #tpu.memory_space<hbm>>
        tpu.enqueue_indirect_dma source(%dma_start3A_137 : memref<10240x128xf32, #tpu.memory_space<hbm>>) target(%arg9 : memref<128x128xf32, #tpu.memory_space<vmem>>) offsets(%dma_start3A_134 : memref<128xi32, #tpu.memory_space<vmem>>) semaphore(%arg12 : memref<!tpu.dma_semaphore, #tpu.memory_space<semaphore_mem>>)
        %scan3A_138 = arith.constant 0 : i32
        scf.yield %scan3A_138 : i32
      }
      %scan3A_48 = arith.constant 19 : i32
      %dma_wait3A = arith.constant 0 : i32
      %dma_wait3A_49 = arith.constant 0 : i32
      %dma_wait3A_50 = tpu.memref_slice %arg6[%dma_wait3A, %dma_wait3A_49] : memref<40x128xi32, #tpu.memory_space<vmem>> -> memref<1x128xi32, #tpu.memory_space<vmem>>
      %dma_wait3A_51 = tpu.memref_squeeze %dma_wait3A_50 : memref<1x128xi32, #tpu.memory_space<vmem>> -> memref<128xi32, #tpu.memory_space<vmem>>
      %dma_wait3A_52 = arith.constant 0 : i32
      %dma_wait3A_53 = arith.constant 0 : i32
      %dma_wait3A_54 = tpu.memref_slice %arg2[%dma_wait3A_52, %dma_wait3A_53] : memref<10240x128xf32, #tpu.memory_space<hbm>> -> memref<10240x128xf32, #tpu.memory_space<hbm>>
      tpu.wait_indirect_dma semaphore(%arg11 : memref<!tpu.dma_semaphore, #tpu.memory_space<semaphore_mem>>) src(%dma_wait3A_54 : memref<10240x128xf32, #tpu.memory_space<hbm>>) dst(%arg8 : memref<128x128xf32, #tpu.memory_space<vmem>>)
      %run_scoped3A = arith.constant 38 : i32
      "tpu.region"() ({
        %run_scoped3A_102 = tpu.sem_alloc : memref<!tpu.dma_semaphore, #tpu.memory_space<semaphore_mem>>
        %dma_start3A_103 = arith.constant 0 : i32
        %dma_start3A_104 = tpu.memref_slice %arg7[%run_scoped3A, %dma_start3A_103] : memref<40x128xi32, #tpu.memory_space<vmem>> -> memref<1x128xi32, #tpu.memory_space<vmem>>
        %dma_start3A_105 = tpu.memref_squeeze %dma_start3A_104 : memref<1x128xi32, #tpu.memory_space<vmem>> -> memref<128xi32, #tpu.memory_space<vmem>>
        %dma_start3A_106 = arith.constant 0 : i32
        %dma_start3A_107 = arith.constant 0 : i32
        %dma_start3A_108 = tpu.memref_slice %arg10[%dma_start3A_106, %dma_start3A_107] : memref<10240x128xf32, #tpu.memory_space<vmem_shared>> -> memref<10240x128xf32, #tpu.memory_space<vmem_shared>>
        tpu.enqueue_indirect_dma source(%arg8 : memref<128x128xf32, #tpu.memory_space<vmem>>) target(%dma_start3A_108 : memref<10240x128xf32, #tpu.memory_space<vmem_shared>>) offsets(%dma_start3A_105 : memref<128xi32, #tpu.memory_space<vmem>>) semaphore(%run_scoped3A_102 : memref<!tpu.dma_semaphore, #tpu.memory_space<semaphore_mem>>) {add = true}
        %dma_wait3A_109 = arith.constant 0 : i32
        %dma_wait3A_110 = tpu.memref_slice %arg7[%run_scoped3A, %dma_wait3A_109] : memref<40x128xi32, #tpu.memory_space<vmem>> -> memref<1x128xi32, #tpu.memory_space<vmem>>
        %dma_wait3A_111 = tpu.memref_squeeze %dma_wait3A_110 : memref<1x128xi32, #tpu.memory_space<vmem>> -> memref<128xi32, #tpu.memory_space<vmem>>
        %dma_wait3A_112 = arith.constant 0 : i32
        %dma_wait3A_113 = arith.constant 0 : i32
        %dma_wait3A_114 = tpu.memref_slice %arg10[%dma_wait3A_112, %dma_wait3A_113] : memref<10240x128xf32, #tpu.memory_space<vmem_shared>> -> memref<10240x128xf32, #tpu.memory_space<vmem_shared>>
        tpu.wait_indirect_dma semaphore(%run_scoped3A_102 : memref<!tpu.dma_semaphore, #tpu.memory_space<semaphore_mem>>) src(%arg8 : memref<128x128xf32, #tpu.memory_space<vmem>>) dst(%dma_wait3A_114 : memref<10240x128xf32, #tpu.memory_space<vmem_shared>>)
        tpu.yield
      }) : () -> ()
      %dma_wait3A_55 = arith.constant 0 : i32
      %dma_wait3A_56 = arith.constant 0 : i32
      %dma_wait3A_57 = tpu.memref_slice %arg6[%dma_wait3A_55, %dma_wait3A_56] : memref<40x128xi32, #tpu.memory_space<vmem>> -> memref<1x128xi32, #tpu.memory_space<vmem>>
      %dma_wait3A_58 = tpu.memref_squeeze %dma_wait3A_57 : memref<1x128xi32, #tpu.memory_space<vmem>> -> memref<128xi32, #tpu.memory_space<vmem>>
      %dma_wait3A_59 = arith.constant 0 : i32
      %dma_wait3A_60 = arith.constant 0 : i32
      %dma_wait3A_61 = tpu.memref_slice %arg2[%dma_wait3A_59, %dma_wait3A_60] : memref<10240x128xf32, #tpu.memory_space<hbm>> -> memref<10240x128xf32, #tpu.memory_space<hbm>>
      tpu.wait_indirect_dma semaphore(%arg12 : memref<!tpu.dma_semaphore, #tpu.memory_space<semaphore_mem>>) src(%dma_wait3A_61 : memref<10240x128xf32, #tpu.memory_space<hbm>>) dst(%arg9 : memref<128x128xf32, #tpu.memory_space<vmem>>)
      %run_scoped3A_62 = arith.constant 39 : i32
      "tpu.region"() ({
        %run_scoped3A_102 = tpu.sem_alloc : memref<!tpu.dma_semaphore, #tpu.memory_space<semaphore_mem>>
        %dma_start3A_103 = arith.constant 0 : i32
        %dma_start3A_104 = tpu.memref_slice %arg7[%run_scoped3A_62, %dma_start3A_103] : memref<40x128xi32, #tpu.memory_space<vmem>> -> memref<1x128xi32, #tpu.memory_space<vmem>>
        %dma_start3A_105 = tpu.memref_squeeze %dma_start3A_104 : memref<1x128xi32, #tpu.memory_space<vmem>> -> memref<128xi32, #tpu.memory_space<vmem>>
        %dma_start3A_106 = arith.constant 0 : i32
        %dma_start3A_107 = arith.constant 0 : i32
        %dma_start3A_108 = tpu.memref_slice %arg10[%dma_start3A_106, %dma_start3A_107] : memref<10240x128xf32, #tpu.memory_space<vmem_shared>> -> memref<10240x128xf32, #tpu.memory_space<vmem_shared>>
        tpu.enqueue_indirect_dma source(%arg9 : memref<128x128xf32, #tpu.memory_space<vmem>>) target(%dma_start3A_108 : memref<10240x128xf32, #tpu.memory_space<vmem_shared>>) offsets(%dma_start3A_105 : memref<128xi32, #tpu.memory_space<vmem>>) semaphore(%run_scoped3A_102 : memref<!tpu.dma_semaphore, #tpu.memory_space<semaphore_mem>>) {add = true}
        %dma_wait3A_109 = arith.constant 0 : i32
        %dma_wait3A_110 = tpu.memref_slice %arg7[%run_scoped3A_62, %dma_wait3A_109] : memref<40x128xi32, #tpu.memory_space<vmem>> -> memref<1x128xi32, #tpu.memory_space<vmem>>
        %dma_wait3A_111 = tpu.memref_squeeze %dma_wait3A_110 : memref<1x128xi32, #tpu.memory_space<vmem>> -> memref<128xi32, #tpu.memory_space<vmem>>
        %dma_wait3A_112 = arith.constant 0 : i32
        %dma_wait3A_113 = arith.constant 0 : i32
        %dma_wait3A_114 = tpu.memref_slice %arg10[%dma_wait3A_112, %dma_wait3A_113] : memref<10240x128xf32, #tpu.memory_space<vmem_shared>> -> memref<10240x128xf32, #tpu.memory_space<vmem_shared>>
        tpu.wait_indirect_dma semaphore(%run_scoped3A_102 : memref<!tpu.dma_semaphore, #tpu.memory_space<semaphore_mem>>) src(%arg9 : memref<128x128xf32, #tpu.memory_space<vmem>>) dst(%dma_wait3A_114 : memref<10240x128xf32, #tpu.memory_space<vmem_shared>>)
        tpu.yield
      }) : () -> ()
      %add3A_63 = arith.constant 40 : i32
      %add3A_64 = arith.addi %add3A_26, %add3A_63 : i32
      "tpu.region"() ({
        %run_scoped3A_102 = tpu.sem_alloc : memref<!tpu.dma_semaphore, #tpu.memory_space<semaphore_mem>>
        %dma_start3A_103 = arith.constant 0 : i32
        %dma_start3A_104 = tpu.memref_slice %arg3[%add3A_64, %dma_start3A_103] : memref<2560x128xi32, #tpu.memory_space<hbm>> -> memref<40x128xi32, #tpu.memory_space<hbm>>
        %dma_start3A_105 = arith.constant 0 : i32
        %dma_start3A_106 = tpu.memref_slice %arg3[%add3A_64, %dma_start3A_105] : memref<2560x128xi32, #tpu.memory_space<hbm>> -> memref<40x128xi32, #tpu.memory_space<hbm>>
        tpu.enqueue_dma source(%dma_start3A_106 : memref<40x128xi32, #tpu.memory_space<hbm>>) target(%arg6 : memref<40x128xi32, #tpu.memory_space<vmem>>) target_semaphore(%run_scoped3A_102 : memref<!tpu.dma_semaphore, #tpu.memory_space<semaphore_mem>>)
        %dma_wait3A_107 = arith.constant 0 : i32
        %dma_wait3A_108 = tpu.memref_slice %arg3[%add3A_64, %dma_wait3A_107] : memref<2560x128xi32, #tpu.memory_space<hbm>> -> memref<40x128xi32, #tpu.memory_space<hbm>>
        %dma_wait3A_109 = arith.constant 0 : i32
        %dma_wait3A_110 = tpu.memref_slice %arg3[%add3A_64, %dma_wait3A_109] : memref<2560x128xi32, #tpu.memory_space<hbm>> -> memref<40x128xi32, #tpu.memory_space<hbm>>
        tpu.wait_dma2 semaphore(%run_scoped3A_102 : memref<!tpu.dma_semaphore, #tpu.memory_space<semaphore_mem>>) src(%dma_wait3A_110 : memref<40x128xi32, #tpu.memory_space<hbm>>) dst(%arg6 : memref<40x128xi32, #tpu.memory_space<vmem>>)
        tpu.yield
      }) : () -> ()
      "tpu.region"() ({
        %run_scoped3A_102 = tpu.sem_alloc : memref<!tpu.dma_semaphore, #tpu.memory_space<semaphore_mem>>
        %dma_start3A_103 = arith.constant 0 : i32
        %dma_start3A_104 = tpu.memref_slice %arg4[%add3A_64, %dma_start3A_103] : memref<2560x128xi32, #tpu.memory_space<hbm>> -> memref<40x128xi32, #tpu.memory_space<hbm>>
        %dma_start3A_105 = arith.constant 0 : i32
        %dma_start3A_106 = tpu.memref_slice %arg4[%add3A_64, %dma_start3A_105] : memref<2560x128xi32, #tpu.memory_space<hbm>> -> memref<40x128xi32, #tpu.memory_space<hbm>>
        tpu.enqueue_dma source(%dma_start3A_106 : memref<40x128xi32, #tpu.memory_space<hbm>>) target(%arg7 : memref<40x128xi32, #tpu.memory_space<vmem>>) target_semaphore(%run_scoped3A_102 : memref<!tpu.dma_semaphore, #tpu.memory_space<semaphore_mem>>)
        %dma_wait3A_107 = arith.constant 0 : i32
        %dma_wait3A_108 = tpu.memref_slice %arg4[%add3A_64, %dma_wait3A_107] : memref<2560x128xi32, #tpu.memory_space<hbm>> -> memref<40x128xi32, #tpu.memory_space<hbm>>
        %dma_wait3A_109 = arith.constant 0 : i32
        %dma_wait3A_110 = tpu.memref_slice %arg4[%add3A_64, %dma_wait3A_109] : memref<2560x128xi32, #tpu.memory_space<hbm>> -> memref<40x128xi32, #tpu.memory_space<hbm>>
        tpu.wait_dma2 semaphore(%run_scoped3A_102 : memref<!tpu.dma_semaphore, #tpu.memory_space<semaphore_mem>>) src(%dma_wait3A_110 : memref<40x128xi32, #tpu.memory_space<hbm>>) dst(%arg7 : memref<40x128xi32, #tpu.memory_space<vmem>>)
        tpu.yield
      }) : () -> ()
      %dma_start3A_65 = arith.constant 0 : i32
      %dma_start3A_66 = arith.constant 0 : i32
      %dma_start3A_67 = tpu.memref_slice %arg6[%dma_start3A_65, %dma_start3A_66] : memref<40x128xi32, #tpu.memory_space<vmem>> -> memref<1x128xi32, #tpu.memory_space<vmem>>
      %dma_start3A_68 = tpu.memref_squeeze %dma_start3A_67 : memref<1x128xi32, #tpu.memory_space<vmem>> -> memref<128xi32, #tpu.memory_space<vmem>>
      %dma_start3A_69 = arith.constant 0 : i32
      %dma_start3A_70 = arith.constant 0 : i32
      %dma_start3A_71 = tpu.memref_slice %arg2[%dma_start3A_69, %dma_start3A_70] : memref<10240x128xf32, #tpu.memory_space<hbm>> -> memref<10240x128xf32, #tpu.memory_space<hbm>>
      tpu.enqueue_indirect_dma source(%dma_start3A_71 : memref<10240x128xf32, #tpu.memory_space<hbm>>) target(%arg8 : memref<128x128xf32, #tpu.memory_space<vmem>>) offsets(%dma_start3A_68 : memref<128xi32, #tpu.memory_space<vmem>>) semaphore(%arg11 : memref<!tpu.dma_semaphore, #tpu.memory_space<semaphore_mem>>)
      %dma_start3A_72 = arith.constant 1 : i32
      %dma_start3A_73 = arith.constant 0 : i32
      %dma_start3A_74 = tpu.memref_slice %arg6[%dma_start3A_72, %dma_start3A_73] : memref<40x128xi32, #tpu.memory_space<vmem>> -> memref<1x128xi32, #tpu.memory_space<vmem>>
      %dma_start3A_75 = tpu.memref_squeeze %dma_start3A_74 : memref<1x128xi32, #tpu.memory_space<vmem>> -> memref<128xi32, #tpu.memory_space<vmem>>
      %dma_start3A_76 = arith.constant 0 : i32
      %dma_start3A_77 = arith.constant 0 : i32
      %dma_start3A_78 = tpu.memref_slice %arg2[%dma_start3A_76, %dma_start3A_77] : memref<10240x128xf32, #tpu.memory_space<hbm>> -> memref<10240x128xf32, #tpu.memory_space<hbm>>
      tpu.enqueue_indirect_dma source(%dma_start3A_78 : memref<10240x128xf32, #tpu.memory_space<hbm>>) target(%arg9 : memref<128x128xf32, #tpu.memory_space<vmem>>) offsets(%dma_start3A_75 : memref<128xi32, #tpu.memory_space<vmem>>) semaphore(%arg12 : memref<!tpu.dma_semaphore, #tpu.memory_space<semaphore_mem>>)
      %scan3A_79 = arith.constant 0 : i32
      %scan3A_80 = arith.constant 0 : i32
      %scan3A_81 = arith.constant 19 : i32
      %scan3A_82 = arith.addi %scan3A_80, %scan3A_81 : i32
      %scan3A_83 = arith.constant 1 : i32
      %scan3A_84 = scf.for %scan3A_102 = %scan3A_80 to %scan3A_82 step %scan3A_83 iter_args(%scan3A_103 = %scan3A_79) -> (i32)  : i32 {
        %mul3A_104 = arith.constant 2 : i32
        %mul3A_105 = arith.muli %mul3A_104, %scan3A_102 : i32
        %dma_wait3A_106 = arith.constant 0 : i32
        %dma_wait3A_107 = tpu.memref_slice %arg6[%mul3A_105, %dma_wait3A_106] : memref<40x128xi32, #tpu.memory_space<vmem>> -> memref<1x128xi32, #tpu.memory_space<vmem>>
        %dma_wait3A_108 = tpu.memref_squeeze %dma_wait3A_107 : memref<1x128xi32, #tpu.memory_space<vmem>> -> memref<128xi32, #tpu.memory_space<vmem>>
        %dma_wait3A_109 = arith.constant 0 : i32
        %dma_wait3A_110 = arith.constant 0 : i32
        %dma_wait3A_111 = tpu.memref_slice %arg2[%dma_wait3A_109, %dma_wait3A_110] : memref<10240x128xf32, #tpu.memory_space<hbm>> -> memref<10240x128xf32, #tpu.memory_space<hbm>>
        tpu.wait_indirect_dma semaphore(%arg11 : memref<!tpu.dma_semaphore, #tpu.memory_space<semaphore_mem>>) src(%dma_wait3A_111 : memref<10240x128xf32, #tpu.memory_space<hbm>>) dst(%arg8 : memref<128x128xf32, #tpu.memory_space<vmem>>)
        "tpu.region"() ({
          %run_scoped3A_139 = tpu.sem_alloc : memref<!tpu.dma_semaphore, #tpu.memory_space<semaphore_mem>>
          %dma_start3A_140 = arith.constant 0 : i32
          %dma_start3A_141 = tpu.memref_slice %arg7[%mul3A_105, %dma_start3A_140] : memref<40x128xi32, #tpu.memory_space<vmem>> -> memref<1x128xi32, #tpu.memory_space<vmem>>
          %dma_start3A_142 = tpu.memref_squeeze %dma_start3A_141 : memref<1x128xi32, #tpu.memory_space<vmem>> -> memref<128xi32, #tpu.memory_space<vmem>>
          %dma_start3A_143 = arith.constant 0 : i32
          %dma_start3A_144 = arith.constant 0 : i32
          %dma_start3A_145 = tpu.memref_slice %arg10[%dma_start3A_143, %dma_start3A_144] : memref<10240x128xf32, #tpu.memory_space<vmem_shared>> -> memref<10240x128xf32, #tpu.memory_space<vmem_shared>>
          tpu.enqueue_indirect_dma source(%arg8 : memref<128x128xf32, #tpu.memory_space<vmem>>) target(%dma_start3A_145 : memref<10240x128xf32, #tpu.memory_space<vmem_shared>>) offsets(%dma_start3A_142 : memref<128xi32, #tpu.memory_space<vmem>>) semaphore(%run_scoped3A_139 : memref<!tpu.dma_semaphore, #tpu.memory_space<semaphore_mem>>) {add = true}
          %dma_wait3A_146 = arith.constant 0 : i32
          %dma_wait3A_147 = tpu.memref_slice %arg7[%mul3A_105, %dma_wait3A_146] : memref<40x128xi32, #tpu.memory_space<vmem>> -> memref<1x128xi32, #tpu.memory_space<vmem>>
          %dma_wait3A_148 = tpu.memref_squeeze %dma_wait3A_147 : memref<1x128xi32, #tpu.memory_space<vmem>> -> memref<128xi32, #tpu.memory_space<vmem>>
          %dma_wait3A_149 = arith.constant 0 : i32
          %dma_wait3A_150 = arith.constant 0 : i32
          %dma_wait3A_151 = tpu.memref_slice %arg10[%dma_wait3A_149, %dma_wait3A_150] : memref<10240x128xf32, #tpu.memory_space<vmem_shared>> -> memref<10240x128xf32, #tpu.memory_space<vmem_shared>>
          tpu.wait_indirect_dma semaphore(%run_scoped3A_139 : memref<!tpu.dma_semaphore, #tpu.memory_space<semaphore_mem>>) src(%arg8 : memref<128x128xf32, #tpu.memory_space<vmem>>) dst(%dma_wait3A_151 : memref<10240x128xf32, #tpu.memory_space<vmem_shared>>)
          tpu.yield
        }) : () -> ()
        %add3A_112 = arith.constant 2 : i32
        %add3A_113 = arith.addi %mul3A_105, %add3A_112 : i32
        %dma_start3A_114 = arith.constant 0 : i32
        %dma_start3A_115 = tpu.memref_slice %arg6[%add3A_113, %dma_start3A_114] : memref<40x128xi32, #tpu.memory_space<vmem>> -> memref<1x128xi32, #tpu.memory_space<vmem>>
        %dma_start3A_116 = tpu.memref_squeeze %dma_start3A_115 : memref<1x128xi32, #tpu.memory_space<vmem>> -> memref<128xi32, #tpu.memory_space<vmem>>
        %dma_start3A_117 = arith.constant 0 : i32
        %dma_start3A_118 = arith.constant 0 : i32
        %dma_start3A_119 = tpu.memref_slice %arg2[%dma_start3A_117, %dma_start3A_118] : memref<10240x128xf32, #tpu.memory_space<hbm>> -> memref<10240x128xf32, #tpu.memory_space<hbm>>
        tpu.enqueue_indirect_dma source(%dma_start3A_119 : memref<10240x128xf32, #tpu.memory_space<hbm>>) target(%arg8 : memref<128x128xf32, #tpu.memory_space<vmem>>) offsets(%dma_start3A_116 : memref<128xi32, #tpu.memory_space<vmem>>) semaphore(%arg11 : memref<!tpu.dma_semaphore, #tpu.memory_space<semaphore_mem>>)
        %add3A_120 = arith.constant 1 : i32
        %add3A_121 = arith.addi %mul3A_105, %add3A_120 : i32
        %dma_wait3A_122 = arith.constant 0 : i32
        %dma_wait3A_123 = tpu.memref_slice %arg6[%add3A_121, %dma_wait3A_122] : memref<40x128xi32, #tpu.memory_space<vmem>> -> memref<1x128xi32, #tpu.memory_space<vmem>>
        %dma_wait3A_124 = tpu.memref_squeeze %dma_wait3A_123 : memref<1x128xi32, #tpu.memory_space<vmem>> -> memref<128xi32, #tpu.memory_space<vmem>>
        %dma_wait3A_125 = arith.constant 0 : i32
        %dma_wait3A_126 = arith.constant 0 : i32
        %dma_wait3A_127 = tpu.memref_slice %arg2[%dma_wait3A_125, %dma_wait3A_126] : memref<10240x128xf32, #tpu.memory_space<hbm>> -> memref<10240x128xf32, #tpu.memory_space<hbm>>
        tpu.wait_indirect_dma semaphore(%arg12 : memref<!tpu.dma_semaphore, #tpu.memory_space<semaphore_mem>>) src(%dma_wait3A_127 : memref<10240x128xf32, #tpu.memory_space<hbm>>) dst(%arg9 : memref<128x128xf32, #tpu.memory_space<vmem>>)
        %add3A_128 = arith.constant 1 : i32
        %add3A_129 = arith.addi %mul3A_105, %add3A_128 : i32
        "tpu.region"() ({
          %run_scoped3A_139 = tpu.sem_alloc : memref<!tpu.dma_semaphore, #tpu.memory_space<semaphore_mem>>
          %dma_start3A_140 = arith.constant 0 : i32
          %dma_start3A_141 = tpu.memref_slice %arg7[%add3A_129, %dma_start3A_140] : memref<40x128xi32, #tpu.memory_space<vmem>> -> memref<1x128xi32, #tpu.memory_space<vmem>>
          %dma_start3A_142 = tpu.memref_squeeze %dma_start3A_141 : memref<1x128xi32, #tpu.memory_space<vmem>> -> memref<128xi32, #tpu.memory_space<vmem>>
          %dma_start3A_143 = arith.constant 0 : i32
          %dma_start3A_144 = arith.constant 0 : i32
          %dma_start3A_145 = tpu.memref_slice %arg10[%dma_start3A_143, %dma_start3A_144] : memref<10240x128xf32, #tpu.memory_space<vmem_shared>> -> memref<10240x128xf32, #tpu.memory_space<vmem_shared>>
          tpu.enqueue_indirect_dma source(%arg9 : memref<128x128xf32, #tpu.memory_space<vmem>>) target(%dma_start3A_145 : memref<10240x128xf32, #tpu.memory_space<vmem_shared>>) offsets(%dma_start3A_142 : memref<128xi32, #tpu.memory_space<vmem>>) semaphore(%run_scoped3A_139 : memref<!tpu.dma_semaphore, #tpu.memory_space<semaphore_mem>>) {add = true}
          %dma_wait3A_146 = arith.constant 0 : i32
          %dma_wait3A_147 = tpu.memref_slice %arg7[%add3A_129, %dma_wait3A_146] : memref<40x128xi32, #tpu.memory_space<vmem>> -> memref<1x128xi32, #tpu.memory_space<vmem>>
          %dma_wait3A_148 = tpu.memref_squeeze %dma_wait3A_147 : memref<1x128xi32, #tpu.memory_space<vmem>> -> memref<128xi32, #tpu.memory_space<vmem>>
          %dma_wait3A_149 = arith.constant 0 : i32
          %dma_wait3A_150 = arith.constant 0 : i32
          %dma_wait3A_151 = tpu.memref_slice %arg10[%dma_wait3A_149, %dma_wait3A_150] : memref<10240x128xf32, #tpu.memory_space<vmem_shared>> -> memref<10240x128xf32, #tpu.memory_space<vmem_shared>>
          tpu.wait_indirect_dma semaphore(%run_scoped3A_139 : memref<!tpu.dma_semaphore, #tpu.memory_space<semaphore_mem>>) src(%arg9 : memref<128x128xf32, #tpu.memory_space<vmem>>) dst(%dma_wait3A_151 : memref<10240x128xf32, #tpu.memory_space<vmem_shared>>)
          tpu.yield
        }) : () -> ()
        %add3A_130 = arith.constant 3 : i32
        %add3A_131 = arith.addi %mul3A_105, %add3A_130 : i32
        %dma_start3A_132 = arith.constant 0 : i32
        %dma_start3A_133 = tpu.memref_slice %arg6[%add3A_131, %dma_start3A_132] : memref<40x128xi32, #tpu.memory_space<vmem>> -> memref<1x128xi32, #tpu.memory_space<vmem>>
        %dma_start3A_134 = tpu.memref_squeeze %dma_start3A_133 : memref<1x128xi32, #tpu.memory_space<vmem>> -> memref<128xi32, #tpu.memory_space<vmem>>
        %dma_start3A_135 = arith.constant 0 : i32
        %dma_start3A_136 = arith.constant 0 : i32
        %dma_start3A_137 = tpu.memref_slice %arg2[%dma_start3A_135, %dma_start3A_136] : memref<10240x128xf32, #tpu.memory_space<hbm>> -> memref<10240x128xf32, #tpu.memory_space<hbm>>
        tpu.enqueue_indirect_dma source(%dma_start3A_137 : memref<10240x128xf32, #tpu.memory_space<hbm>>) target(%arg9 : memref<128x128xf32, #tpu.memory_space<vmem>>) offsets(%dma_start3A_134 : memref<128xi32, #tpu.memory_space<vmem>>) semaphore(%arg12 : memref<!tpu.dma_semaphore, #tpu.memory_space<semaphore_mem>>)
        %scan3A_138 = arith.constant 0 : i32
        scf.yield %scan3A_138 : i32
      }
      %scan3A_85 = arith.constant 19 : i32
      %dma_wait3A_86 = arith.constant 0 : i32
      %dma_wait3A_87 = arith.constant 0 : i32
      %dma_wait3A_88 = tpu.memref_slice %arg6[%dma_wait3A_86, %dma_wait3A_87] : memref<40x128xi32, #tpu.memory_space<vmem>> -> memref<1x128xi32, #tpu.memory_space<vmem>>
      %dma_wait3A_89 = tpu.memref_squeeze %dma_wait3A_88 : memref<1x128xi32, #tpu.memory_space<vmem>> -> memref<128xi32, #tpu.memory_space<vmem>>
      %dma_wait3A_90 = arith.constant 0 : i32
      %dma_wait3A_91 = arith.constant 0 : i32
      %dma_wait3A_92 = tpu.memref_slice %arg2[%dma_wait3A_90, %dma_wait3A_91] : memref<10240x128xf32, #tpu.memory_space<hbm>> -> memref<10240x128xf32, #tpu.memory_space<hbm>>
      tpu.wait_indirect_dma semaphore(%arg11 : memref<!tpu.dma_semaphore, #tpu.memory_space<semaphore_mem>>) src(%dma_wait3A_92 : memref<10240x128xf32, #tpu.memory_space<hbm>>) dst(%arg8 : memref<128x128xf32, #tpu.memory_space<vmem>>)
      %run_scoped3A_93 = arith.constant 38 : i32
      "tpu.region"() ({
        %run_scoped3A_102 = tpu.sem_alloc : memref<!tpu.dma_semaphore, #tpu.memory_space<semaphore_mem>>
        %dma_start3A_103 = arith.constant 0 : i32
        %dma_start3A_104 = tpu.memref_slice %arg7[%run_scoped3A_93, %dma_start3A_103] : memref<40x128xi32, #tpu.memory_space<vmem>> -> memref<1x128xi32, #tpu.memory_space<vmem>>
        %dma_start3A_105 = tpu.memref_squeeze %dma_start3A_104 : memref<1x128xi32, #tpu.memory_space<vmem>> -> memref<128xi32, #tpu.memory_space<vmem>>
        %dma_start3A_106 = arith.constant 0 : i32
        %dma_start3A_107 = arith.constant 0 : i32
        %dma_start3A_108 = tpu.memref_slice %arg10[%dma_start3A_106, %dma_start3A_107] : memref<10240x128xf32, #tpu.memory_space<vmem_shared>> -> memref<10240x128xf32, #tpu.memory_space<vmem_shared>>
        tpu.enqueue_indirect_dma source(%arg8 : memref<128x128xf32, #tpu.memory_space<vmem>>) target(%dma_start3A_108 : memref<10240x128xf32, #tpu.memory_space<vmem_shared>>) offsets(%dma_start3A_105 : memref<128xi32, #tpu.memory_space<vmem>>) semaphore(%run_scoped3A_102 : memref<!tpu.dma_semaphore, #tpu.memory_space<semaphore_mem>>) {add = true}
        %dma_wait3A_109 = arith.constant 0 : i32
        %dma_wait3A_110 = tpu.memref_slice %arg7[%run_scoped3A_93, %dma_wait3A_109] : memref<40x128xi32, #tpu.memory_space<vmem>> -> memref<1x128xi32, #tpu.memory_space<vmem>>
        %dma_wait3A_111 = tpu.memref_squeeze %dma_wait3A_110 : memref<1x128xi32, #tpu.memory_space<vmem>> -> memref<128xi32, #tpu.memory_space<vmem>>
        %dma_wait3A_112 = arith.constant 0 : i32
        %dma_wait3A_113 = arith.constant 0 : i32
        %dma_wait3A_114 = tpu.memref_slice %arg10[%dma_wait3A_112, %dma_wait3A_113] : memref<10240x128xf32, #tpu.memory_space<vmem_shared>> -> memref<10240x128xf32, #tpu.memory_space<vmem_shared>>
        tpu.wait_indirect_dma semaphore(%run_scoped3A_102 : memref<!tpu.dma_semaphore, #tpu.memory_space<semaphore_mem>>) src(%arg8 : memref<128x128xf32, #tpu.memory_space<vmem>>) dst(%dma_wait3A_114 : memref<10240x128xf32, #tpu.memory_space<vmem_shared>>)
        tpu.yield
      }) : () -> ()
      %dma_wait3A_94 = arith.constant 0 : i32
      %dma_wait3A_95 = arith.constant 0 : i32
      %dma_wait3A_96 = tpu.memref_slice %arg6[%dma_wait3A_94, %dma_wait3A_95] : memref<40x128xi32, #tpu.memory_space<vmem>> -> memref<1x128xi32, #tpu.memory_space<vmem>>
      %dma_wait3A_97 = tpu.memref_squeeze %dma_wait3A_96 : memref<1x128xi32, #tpu.memory_space<vmem>> -> memref<128xi32, #tpu.memory_space<vmem>>
      %dma_wait3A_98 = arith.constant 0 : i32
      %dma_wait3A_99 = arith.constant 0 : i32
      %dma_wait3A_100 = tpu.memref_slice %arg2[%dma_wait3A_98, %dma_wait3A_99] : memref<10240x128xf32, #tpu.memory_space<hbm>> -> memref<10240x128xf32, #tpu.memory_space<hbm>>
      tpu.wait_indirect_dma semaphore(%arg12 : memref<!tpu.dma_semaphore, #tpu.memory_space<semaphore_mem>>) src(%dma_wait3A_100 : memref<10240x128xf32, #tpu.memory_space<hbm>>) dst(%arg9 : memref<128x128xf32, #tpu.memory_space<vmem>>)
      %run_scoped3A_101 = arith.constant 39 : i32
      "tpu.region"() ({
        %run_scoped3A_102 = tpu.sem_alloc : memref<!tpu.dma_semaphore, #tpu.memory_space<semaphore_mem>>
        %dma_start3A_103 = arith.constant 0 : i32
        %dma_start3A_104 = tpu.memref_slice %arg7[%run_scoped3A_101, %dma_start3A_103] : memref<40x128xi32, #tpu.memory_space<vmem>> -> memref<1x128xi32, #tpu.memory_space<vmem>>
        %dma_start3A_105 = tpu.memref_squeeze %dma_start3A_104 : memref<1x128xi32, #tpu.memory_space<vmem>> -> memref<128xi32, #tpu.memory_space<vmem>>
        %dma_start3A_106 = arith.constant 0 : i32
        %dma_start3A_107 = arith.constant 0 : i32
        %dma_start3A_108 = tpu.memref_slice %arg10[%dma_start3A_106, %dma_start3A_107] : memref<10240x128xf32, #tpu.memory_space<vmem_shared>> -> memref<10240x128xf32, #tpu.memory_space<vmem_shared>>
        tpu.enqueue_indirect_dma source(%arg9 : memref<128x128xf32, #tpu.memory_space<vmem>>) target(%dma_start3A_108 : memref<10240x128xf32, #tpu.memory_space<vmem_shared>>) offsets(%dma_start3A_105 : memref<128xi32, #tpu.memory_space<vmem>>) semaphore(%run_scoped3A_102 : memref<!tpu.dma_semaphore, #tpu.memory_space<semaphore_mem>>) {add = true}
        %dma_wait3A_109 = arith.constant 0 : i32
        %dma_wait3A_110 = tpu.memref_slice %arg7[%run_scoped3A_101, %dma_wait3A_109] : memref<40x128xi32, #tpu.memory_space<vmem>> -> memref<1x128xi32, #tpu.memory_space<vmem>>
        %dma_wait3A_111 = tpu.memref_squeeze %dma_wait3A_110 : memref<1x128xi32, #tpu.memory_space<vmem>> -> memref<128xi32, #tpu.memory_space<vmem>>
        %dma_wait3A_112 = arith.constant 0 : i32
        %dma_wait3A_113 = arith.constant 0 : i32
        %dma_wait3A_114 = tpu.memref_slice %arg10[%dma_wait3A_112, %dma_wait3A_113] : memref<10240x128xf32, #tpu.memory_space<vmem_shared>> -> memref<10240x128xf32, #tpu.memory_space<vmem_shared>>
        tpu.wait_indirect_dma semaphore(%run_scoped3A_102 : memref<!tpu.dma_semaphore, #tpu.memory_space<semaphore_mem>>) src(%arg9 : memref<128x128xf32, #tpu.memory_space<vmem>>) dst(%dma_wait3A_114 : memref<10240x128xf32, #tpu.memory_space<vmem_shared>>)
        tpu.yield
      }) : () -> ()
    } else {
    }
    %barrier3A_20 = arith.constant 0 : index
    tpu.barrier barrier_id(%barrier3A_20)
    %mul3A = arith.constant 640 : i32
    %mul3A_21 = arith.muli %arg1, %mul3A : i32
    %mul3A_22 = arith.constant 640 : i32
    %mul3A_23 = arith.muli %arg1, %mul3A_22 : i32
    "tpu.region"() ({
      %run_scoped3A = tpu.sem_alloc : memref<!tpu.dma_semaphore, #tpu.memory_space<semaphore_mem>>
      %dma_start3A = arith.constant 0 : i32
      %dma_start3A_24 = arith.constant 0 : i32
      %dma_start3A_25 = tpu.memref_slice %arg5[%arg0, %dma_start3A, %dma_start3A_24] : memref<2x10240x128xf32, #tpu.memory_space<hbm>> -> memref<1x10240x128xf32, #tpu.memory_space<hbm>>
      %dma_start3A_26 = tpu.memref_squeeze %dma_start3A_25 : memref<1x10240x128xf32, #tpu.memory_space<hbm>> -> memref<10240x128xf32, #tpu.memory_space<hbm>>
      %dma_start3A_27 = arith.constant 0 : i32
      %dma_start3A_28 = tpu.memref_slice %dma_start3A_26[%mul3A_23, %dma_start3A_27] : memref<10240x128xf32, #tpu.memory_space<hbm>> -> memref<640x128xf32, #tpu.memory_space<hbm>>
      %dma_start3A_29 = arith.constant 0 : i32
      %dma_start3A_30 = tpu.memref_slice %arg10[%mul3A_21, %dma_start3A_29] : memref<10240x128xf32, #tpu.memory_space<vmem_shared>> -> memref<640x128xf32, #tpu.memory_space<vmem_shared>>
      tpu.enqueue_dma source(%dma_start3A_30 : memref<640x128xf32, #tpu.memory_space<vmem_shared>>) target(%dma_start3A_28 : memref<640x128xf32, #tpu.memory_space<hbm>>) target_semaphore(%run_scoped3A : memref<!tpu.dma_semaphore, #tpu.memory_space<semaphore_mem>>)
      %dma_wait3A = arith.constant 0 : i32
      %dma_wait3A_31 = arith.constant 0 : i32
      %dma_wait3A_32 = tpu.memref_slice %arg5[%arg0, %dma_wait3A, %dma_wait3A_31] : memref<2x10240x128xf32, #tpu.memory_space<hbm>> -> memref<1x10240x128xf32, #tpu.memory_space<hbm>>
      %dma_wait3A_33 = tpu.memref_squeeze %dma_wait3A_32 : memref<1x10240x128xf32, #tpu.memory_space<hbm>> -> memref<10240x128xf32, #tpu.memory_space<hbm>>
      %dma_wait3A_34 = arith.constant 0 : i32
      %dma_wait3A_35 = tpu.memref_slice %dma_wait3A_33[%mul3A_23, %dma_wait3A_34] : memref<10240x128xf32, #tpu.memory_space<hbm>> -> memref<640x128xf32, #tpu.memory_space<hbm>>
      %dma_wait3A_36 = arith.constant 0 : i32
      %dma_wait3A_37 = tpu.memref_slice %arg10[%mul3A_21, %dma_wait3A_36] : memref<10240x128xf32, #tpu.memory_space<vmem_shared>> -> memref<640x128xf32, #tpu.memory_space<vmem_shared>>
      tpu.wait_dma2 semaphore(%run_scoped3A : memref<!tpu.dma_semaphore, #tpu.memory_space<semaphore_mem>>) src(%dma_wait3A_37 : memref<640x128xf32, #tpu.memory_space<vmem_shared>>) dst(%dma_wait3A_35 : memref<640x128xf32, #tpu.memory_space<hbm>>)
      tpu.yield
    }) : () -> ()
    return
  }
}

#map = affine_map<(d0, d1) -> (0, 0)>
#map1 = affine_map<(d0, d1) -> (0, 0, 0)>
module attributes {stable_mosaic.version = 14 : i64} {
  func.func @k(%arg0: i32, %arg1: i32, %arg2: memref<2560x128xi32, #tpu.memory_space<hbm>>, %arg3: memref<2x10240x16xf32, #tpu.memory_space<hbm>>, %arg4: memref<80x128xi32, #tpu.memory_space<vmem>>, %arg5: memref<128x16xf32, #tpu.memory_space<vmem>>, %arg6: memref<10240x16xf32, #tpu.memory_space<vmem_shared>>) attributes {dimension_semantics = [#tpu.dimension_semantics<core_parallel>, #tpu.dimension_semantics<subcore_parallel>], iteration_bounds = array<i64: 2, 16>, scalar_prefetch = 0 : i64, scratch_operands = 3 : i64, tpu.core_type = #tpu.core_type<sc_vector_subcore>, window_params = [{transform_indices = #map}, {transform_indices = #map1}]} {
    %mul3A = arith.constant 16 : i32
    %mul3A_0 = arith.muli %arg0, %mul3A : i32
    %add3A = arith.addi %mul3A_0, %arg1 : i32
    %scan3A = arith.constant 0 : i32
    %scan3A_1 = arith.constant 0 : i32
    %scan3A_2 = arith.constant 128 : i32
    %scan3A_3 = arith.addi %scan3A_1, %scan3A_2 : i32
    %scan3A_4 = arith.constant 1 : i32
    %scan3A_5 = scf.for %scan3A_35 = %scan3A_1 to %scan3A_3 step %scan3A_4 iter_args(%scan3A_36 = %scan3A) -> (i32)  : i32 {
      %scan3A_37 = arith.constant 0 : i32
      %scan3A_38 = arith.constant 0 : i32
      %broadcast_in_dim3A = arith.constant 0.000000e+00 : f32
      %broadcast_in_dim3A_39 = vector.broadcast %broadcast_in_dim3A : f32 to vector<16xf32>
      %mul3A_40 = arith.constant 16 : i32
      %mul3A_41 = arith.muli %scan3A_38, %mul3A_40 : i32
      %swap3A = arith.index_cast %scan3A_35 : i32 to index
      %swap3A_42 = arith.index_cast %mul3A_41 : i32 to index
      %swap3A_43 = tpu.vector_load %arg5[%swap3A, %swap3A_42] {strides = array<i32>} : memref<128x16xf32, #tpu.memory_space<vmem>>, vector<1x16xf32>,
      %swap3A_44 = vector.shape_cast %swap3A_43 : vector<1x16xf32> to vector<16xf32>
      %swap3A_45 = vector.shape_cast %broadcast_in_dim3A_39 : vector<16xf32> to vector<1x16xf32>
      tpu.vector_store %arg5[%swap3A, %swap3A_42], %swap3A_45 {strides = array<i32>} : memref<128x16xf32, #tpu.memory_space<vmem>>, vector<1x16xf32>,
      %scan3A_46 = arith.constant 0 : i32
      %scan3A_47 = arith.constant 1 : i32
      scf.yield %scan3A_46 : i32
    }
    %scan3A_6 = arith.constant 128 : i32
    %scan3A_7 = arith.constant 0 : i32
    %scan3A_8 = arith.constant 0 : i32
    %scan3A_9 = arith.constant 5 : i32
    %scan3A_10 = arith.addi %scan3A_8, %scan3A_9 : i32
    %scan3A_11 = arith.constant 1 : i32
    %scan3A_12 = scf.for %scan3A_35 = %scan3A_8 to %scan3A_10 step %scan3A_11 iter_args(%scan3A_36 = %scan3A_7) -> (i32)  : i32 {
      %mul3A_37 = arith.constant 640 : i32
      %mul3A_38 = arith.muli %arg1, %mul3A_37 : i32
      %mul3A_39 = arith.constant 128 : i32
      %mul3A_40 = arith.muli %scan3A_35, %mul3A_39 : i32
      %add3A_41 = arith.addi %mul3A_38, %mul3A_40 : i32
      "tpu.region"() ({
        %run_scoped3A = tpu.sem_alloc : memref<!tpu.dma_semaphore, #tpu.memory_space<semaphore_mem>>
        %dma_start3A = arith.constant 0 : i32
        %dma_start3A_43 = tpu.memref_slice %arg6[%add3A_41, %dma_start3A] : memref<10240x16xf32, #tpu.memory_space<vmem_shared>> -> memref<128x16xf32, #tpu.memory_space<vmem_shared>>
        %dma_start3A_44 = arith.constant 0 : i32
        %dma_start3A_45 = tpu.memref_slice %arg6[%add3A_41, %dma_start3A_44] : memref<10240x16xf32, #tpu.memory_space<vmem_shared>> -> memref<128x16xf32, #tpu.memory_space<vmem_shared>>
        tpu.enqueue_dma source(%arg5 : memref<128x16xf32, #tpu.memory_space<vmem>>) target(%dma_start3A_45 : memref<128x16xf32, #tpu.memory_space<vmem_shared>>) target_semaphore(%run_scoped3A : memref<!tpu.dma_semaphore, #tpu.memory_space<semaphore_mem>>)
        %dma_wait3A = arith.constant 0 : i32
        %dma_wait3A_46 = tpu.memref_slice %arg6[%add3A_41, %dma_wait3A] : memref<10240x16xf32, #tpu.memory_space<vmem_shared>> -> memref<128x16xf32, #tpu.memory_space<vmem_shared>>
        %dma_wait3A_47 = arith.constant 0 : i32
        %dma_wait3A_48 = tpu.memref_slice %arg6[%add3A_41, %dma_wait3A_47] : memref<10240x16xf32, #tpu.memory_space<vmem_shared>> -> memref<128x16xf32, #tpu.memory_space<vmem_shared>>
        tpu.wait_dma2 semaphore(%run_scoped3A : memref<!tpu.dma_semaphore, #tpu.memory_space<semaphore_mem>>) src(%arg5 : memref<128x16xf32, #tpu.memory_space<vmem>>) dst(%dma_wait3A_48 : memref<128x16xf32, #tpu.memory_space<vmem_shared>>)
        tpu.yield
      }) : () -> ()
      %scan3A_42 = arith.constant 0 : i32
      scf.yield %scan3A_42 : i32
    }
    %scan3A_13 = arith.constant 5 : i32
    %scan3A_14 = arith.constant 0 : i32
    %scan3A_15 = arith.constant 0 : i32
    %scan3A_16 = arith.constant 128 : i32
    %scan3A_17 = arith.addi %scan3A_15, %scan3A_16 : i32
    %scan3A_18 = arith.constant 1 : i32
    %scan3A_19 = scf.for %scan3A_35 = %scan3A_15 to %scan3A_17 step %scan3A_18 iter_args(%scan3A_36 = %scan3A_14) -> (i32)  : i32 {
      %scan3A_37 = arith.constant 0 : i32
      %scan3A_38 = arith.constant 0 : i32
      %broadcast_in_dim3A = arith.constant 1.000000e+00 : f32
      %broadcast_in_dim3A_39 = vector.broadcast %broadcast_in_dim3A : f32 to vector<16xf32>
      %mul3A_40 = arith.constant 16 : i32
      %mul3A_41 = arith.muli %scan3A_38, %mul3A_40 : i32
      %swap3A = arith.index_cast %scan3A_35 : i32 to index
      %swap3A_42 = arith.index_cast %mul3A_41 : i32 to index
      %swap3A_43 = tpu.vector_load %arg5[%swap3A, %swap3A_42] {strides = array<i32>} : memref<128x16xf32, #tpu.memory_space<vmem>>, vector<1x16xf32>,
      %swap3A_44 = vector.shape_cast %swap3A_43 : vector<1x16xf32> to vector<16xf32>
      %swap3A_45 = vector.shape_cast %broadcast_in_dim3A_39 : vector<16xf32> to vector<1x16xf32>
      tpu.vector_store %arg5[%swap3A, %swap3A_42], %swap3A_45 {strides = array<i32>} : memref<128x16xf32, #tpu.memory_space<vmem>>, vector<1x16xf32>,
      %scan3A_46 = arith.constant 0 : i32
      %scan3A_47 = arith.constant 1 : i32
      scf.yield %scan3A_46 : i32
    }
    %scan3A_20 = arith.constant 128 : i32
    %barrier3A = arith.constant 0 : index
    tpu.barrier barrier_id(%barrier3A)
    %mul3A_21 = arith.constant 80 : i32
    %mul3A_22 = arith.muli %add3A, %mul3A_21 : i32
    "tpu.region"() ({
      %run_scoped3A = tpu.sem_alloc : memref<!tpu.dma_semaphore, #tpu.memory_space<semaphore_mem>>
      %dma_start3A = arith.constant 0 : i32
      %dma_start3A_35 = tpu.memref_slice %arg2[%mul3A_22, %dma_start3A] : memref<2560x128xi32, #tpu.memory_space<hbm>> -> memref<80x128xi32, #tpu.memory_space<hbm>>
      %dma_start3A_36 = arith.constant 0 : i32
      %dma_start3A_37 = tpu.memref_slice %arg2[%mul3A_22, %dma_start3A_36] : memref<2560x128xi32, #tpu.memory_space<hbm>> -> memref<80x128xi32, #tpu.memory_space<hbm>>
      tpu.enqueue_dma source(%dma_start3A_37 : memref<80x128xi32, #tpu.memory_space<hbm>>) target(%arg4 : memref<80x128xi32, #tpu.memory_space<vmem>>) target_semaphore(%run_scoped3A : memref<!tpu.dma_semaphore, #tpu.memory_space<semaphore_mem>>)
      %dma_wait3A = arith.constant 0 : i32
      %dma_wait3A_38 = tpu.memref_slice %arg2[%mul3A_22, %dma_wait3A] : memref<2560x128xi32, #tpu.memory_space<hbm>> -> memref<80x128xi32, #tpu.memory_space<hbm>>
      %dma_wait3A_39 = arith.constant 0 : i32
      %dma_wait3A_40 = tpu.memref_slice %arg2[%mul3A_22, %dma_wait3A_39] : memref<2560x128xi32, #tpu.memory_space<hbm>> -> memref<80x128xi32, #tpu.memory_space<hbm>>
      tpu.wait_dma2 semaphore(%run_scoped3A : memref<!tpu.dma_semaphore, #tpu.memory_space<semaphore_mem>>) src(%dma_wait3A_40 : memref<80x128xi32, #tpu.memory_space<hbm>>) dst(%arg4 : memref<80x128xi32, #tpu.memory_space<vmem>>)
      tpu.yield
    }) : () -> ()
    %scan3A_23 = arith.constant 0 : i32
    %scan3A_24 = arith.constant 0 : i32
    %scan3A_25 = arith.constant 80 : i32
    %scan3A_26 = arith.addi %scan3A_24, %scan3A_25 : i32
    %scan3A_27 = arith.constant 1 : i32
    %scan3A_28 = scf.for %scan3A_35 = %scan3A_24 to %scan3A_26 step %scan3A_27 iter_args(%scan3A_36 = %scan3A_23) -> (i32)  : i32 {
      "tpu.region"() ({
        %run_scoped3A = tpu.sem_alloc : memref<!tpu.dma_semaphore, #tpu.memory_space<semaphore_mem>>
        %dma_start3A = arith.constant 0 : i32
        %dma_start3A_38 = tpu.memref_slice %arg4[%scan3A_35, %dma_start3A] : memref<80x128xi32, #tpu.memory_space<vmem>> -> memref<1x128xi32, #tpu.memory_space<vmem>>
        %dma_start3A_39 = tpu.memref_squeeze %dma_start3A_38 : memref<1x128xi32, #tpu.memory_space<vmem>> -> memref<128xi32, #tpu.memory_space<vmem>>
        %dma_start3A_40 = arith.constant 0 : i32
        %dma_start3A_41 = arith.constant 0 : i32
        %dma_start3A_42 = tpu.memref_slice %arg6[%dma_start3A_40, %dma_start3A_41] : memref<10240x16xf32, #tpu.memory_space<vmem_shared>> -> memref<10240x16xf32, #tpu.memory_space<vmem_shared>>
        tpu.enqueue_indirect_dma source(%arg5 : memref<128x16xf32, #tpu.memory_space<vmem>>) target(%dma_start3A_42 : memref<10240x16xf32, #tpu.memory_space<vmem_shared>>) offsets(%dma_start3A_39 : memref<128xi32, #tpu.memory_space<vmem>>) semaphore(%run_scoped3A : memref<!tpu.dma_semaphore, #tpu.memory_space<semaphore_mem>>) {add = true}
        %dma_wait3A = arith.constant 0 : i32
        %dma_wait3A_43 = tpu.memref_slice %arg4[%scan3A_35, %dma_wait3A] : memref<80x128xi32, #tpu.memory_space<vmem>> -> memref<1x128xi32, #tpu.memory_space<vmem>>
        %dma_wait3A_44 = tpu.memref_squeeze %dma_wait3A_43 : memref<1x128xi32, #tpu.memory_space<vmem>> -> memref<128xi32, #tpu.memory_space<vmem>>
        %dma_wait3A_45 = arith.constant 0 : i32
        %dma_wait3A_46 = arith.constant 0 : i32
        %dma_wait3A_47 = tpu.memref_slice %arg6[%dma_wait3A_45, %dma_wait3A_46] : memref<10240x16xf32, #tpu.memory_space<vmem_shared>> -> memref<10240x16xf32, #tpu.memory_space<vmem_shared>>
        tpu.wait_indirect_dma semaphore(%run_scoped3A : memref<!tpu.dma_semaphore, #tpu.memory_space<semaphore_mem>>) src(%arg5 : memref<128x16xf32, #tpu.memory_space<vmem>>) dst(%dma_wait3A_47 : memref<10240x16xf32, #tpu.memory_space<vmem_shared>>)
        tpu.yield
      }) : () -> ()
      %scan3A_37 = arith.constant 0 : i32
      scf.yield %scan3A_37 : i32
    }
    %scan3A_29 = arith.constant 80 : i32
    %barrier3A_30 = arith.constant 0 : index
    tpu.barrier barrier_id(%barrier3A_30)
    %mul3A_31 = arith.constant 640 : i32
    %mul3A_32 = arith.muli %arg1, %mul3A_31 : i32
    %mul3A_33 = arith.constant 640 : i32
    %mul3A_34 = arith.muli %arg1, %mul3A_33 : i32
    "tpu.region"() ({
      %run_scoped3A = tpu.sem_alloc : memref<!tpu.dma_semaphore, #tpu.memory_space<semaphore_mem>>
      %dma_start3A = arith.constant 0 : i32
      %dma_start3A_35 = arith.constant 0 : i32
      %dma_start3A_36 = tpu.memref_slice %arg3[%arg0, %dma_start3A, %dma_start3A_35] : memref<2x10240x16xf32, #tpu.memory_space<hbm>> -> memref<1x10240x16xf32, #tpu.memory_space<hbm>>
      %dma_start3A_37 = tpu.memref_squeeze %dma_start3A_36 : memref<1x10240x16xf32, #tpu.memory_space<hbm>> -> memref<10240x16xf32, #tpu.memory_space<hbm>>
      %dma_start3A_38 = arith.constant 0 : i32
      %dma_start3A_39 = tpu.memref_slice %dma_start3A_37[%mul3A_34, %dma_start3A_38] : memref<10240x16xf32, #tpu.memory_space<hbm>> -> memref<640x16xf32, #tpu.memory_space<hbm>>
      %dma_start3A_40 = arith.constant 0 : i32
      %dma_start3A_41 = tpu.memref_slice %arg6[%mul3A_32, %dma_start3A_40] : memref<10240x16xf32, #tpu.memory_space<vmem_shared>> -> memref<640x16xf32, #tpu.memory_space<vmem_shared>>
      tpu.enqueue_dma source(%dma_start3A_41 : memref<640x16xf32, #tpu.memory_space<vmem_shared>>) target(%dma_start3A_39 : memref<640x16xf32, #tpu.memory_space<hbm>>) target_semaphore(%run_scoped3A : memref<!tpu.dma_semaphore, #tpu.memory_space<semaphore_mem>>)
      %dma_wait3A = arith.constant 0 : i32
      %dma_wait3A_42 = arith.constant 0 : i32
      %dma_wait3A_43 = tpu.memref_slice %arg3[%arg0, %dma_wait3A, %dma_wait3A_42] : memref<2x10240x16xf32, #tpu.memory_space<hbm>> -> memref<1x10240x16xf32, #tpu.memory_space<hbm>>
      %dma_wait3A_44 = tpu.memref_squeeze %dma_wait3A_43 : memref<1x10240x16xf32, #tpu.memory_space<hbm>> -> memref<10240x16xf32, #tpu.memory_space<hbm>>
      %dma_wait3A_45 = arith.constant 0 : i32
      %dma_wait3A_46 = tpu.memref_slice %dma_wait3A_44[%mul3A_34, %dma_wait3A_45] : memref<10240x16xf32, #tpu.memory_space<hbm>> -> memref<640x16xf32, #tpu.memory_space<hbm>>
      %dma_wait3A_47 = arith.constant 0 : i32
      %dma_wait3A_48 = tpu.memref_slice %arg6[%mul3A_32, %dma_wait3A_47] : memref<10240x16xf32, #tpu.memory_space<vmem_shared>> -> memref<640x16xf32, #tpu.memory_space<vmem_shared>>
      tpu.wait_dma2 semaphore(%run_scoped3A : memref<!tpu.dma_semaphore, #tpu.memory_space<semaphore_mem>>) src(%dma_wait3A_48 : memref<640x16xf32, #tpu.memory_space<vmem_shared>>) dst(%dma_wait3A_46 : memref<640x16xf32, #tpu.memory_space<hbm>>)
      tpu.yield
    }) : () -> ()
    return
  }
}

#map = affine_map<(d0, d1) -> (0, 0)>
#map1 = affine_map<(d0, d1) -> (0, 0, 0)>
module attributes {stable_mosaic.version = 14 : i64} {
  func.func @k(%arg0: i32, %arg1: i32, %arg2: memref<10240x128xf32, #tpu.memory_space<hbm>>, %arg3: memref<2560x128xi32, #tpu.memory_space<hbm>>, %arg4: memref<2560x128xi32, #tpu.memory_space<hbm>>, %arg5: memref<2x10240x128xf32, #tpu.memory_space<hbm>>, %arg6: memref<40x128xi32, #tpu.memory_space<vmem>>, %arg7: memref<40x128xi32, #tpu.memory_space<vmem>>, %arg8: memref<128x128xf32, #tpu.memory_space<vmem>>, %arg9: memref<128x128xf32, #tpu.memory_space<vmem>>, %arg10: memref<10240x128xf32, #tpu.memory_space<vmem_shared>>, %arg11: memref<!tpu.dma_semaphore, #tpu.memory_space<semaphore_mem>>, %arg12: memref<!tpu.dma_semaphore, #tpu.memory_space<semaphore_mem>>) attributes {dimension_semantics = [#tpu.dimension_semantics<core_parallel>, #tpu.dimension_semantics<subcore_parallel>], iteration_bounds = array<i64: 2, 16>, scalar_prefetch = 0 : i64, scratch_operands = 7 : i64, tpu.core_type = #tpu.core_type<sc_vector_subcore>, window_params = [{transform_indices = #map}, {transform_indices = #map}, {transform_indices = #map}, {transform_indices = #map1}]} {
    %scan3A = arith.constant 0 : i32
    %scan3A_0 = arith.constant 0 : i32
    %scan3A_1 = arith.constant 128 : i32
    %scan3A_2 = arith.addi %scan3A_0, %scan3A_1 : i32
    %scan3A_3 = arith.constant 1 : i32
    %scan3A_4 = scf.for %scan3A_24 = %scan3A_0 to %scan3A_2 step %scan3A_3 iter_args(%scan3A_25 = %scan3A) -> (i32)  : i32 {
      %scan3A_26 = arith.constant 0 : i32
      %scan3A_27 = arith.constant 0 : i32
      %scan3A_28 = arith.constant 8 : i32
      %scan3A_29 = arith.addi %scan3A_27, %scan3A_28 : i32
      %scan3A_30 = arith.constant 1 : i32
      %scan3A_31 = scf.for %scan3A_33 = %scan3A_27 to %scan3A_29 step %scan3A_30 iter_args(%scan3A_34 = %scan3A_26) -> (i32)  : i32 {
        %broadcast_in_dim3A = arith.constant 0.000000e+00 : f32
        %broadcast_in_dim3A_35 = vector.broadcast %broadcast_in_dim3A : f32 to vector<16xf32>
        %mul3A_36 = arith.constant 16 : i32
        %mul3A_37 = arith.muli %scan3A_33, %mul3A_36 : i32
        %swap3A = arith.index_cast %scan3A_24 : i32 to index
        %swap3A_38 = arith.index_cast %mul3A_37 : i32 to index
        %swap3A_39 = tpu.vector_load %arg8[%swap3A, %swap3A_38] {strides = array<i32>} : memref<128x128xf32, #tpu.memory_space<vmem>>, vector<1x16xf32>,
        %swap3A_40 = vector.shape_cast %swap3A_39 : vector<1x16xf32> to vector<16xf32>
        %swap3A_41 = vector.shape_cast %broadcast_in_dim3A_35 : vector<16xf32> to vector<1x16xf32>
        tpu.vector_store %arg8[%swap3A, %swap3A_38], %swap3A_41 {strides = array<i32>} : memref<128x128xf32, #tpu.memory_space<vmem>>, vector<1x16xf32>,
        %scan3A_42 = arith.constant 0 : i32
        scf.yield %scan3A_42 : i32
      }
      %scan3A_32 = arith.constant 8 : i32
      scf.yield %scan3A_31 : i32
    }
    %scan3A_5 = arith.constant 128 : i32
    %scan3A_6 = arith.constant 0 : i32
    %scan3A_7 = arith.constant 0 : i32
    %scan3A_8 = arith.constant 8 : i32
    %scan3A_9 = arith.addi %scan3A_7, %scan3A_8 : i32
    %scan3A_10 = arith.constant 1 : i32
    %scan3A_11 = scf.for %scan3A_24 = %scan3A_7 to %scan3A_9 step %scan3A_10 iter_args(%scan3A_25 = %scan3A_6) -> (i32)  : i32 {
      %mul3A_26 = arith.constant 640 : i32
      %mul3A_27 = arith.muli %arg1, %mul3A_26 : i32
      %mul3A_28 = arith.constant 80 : i32
      %mul3A_29 = arith.muli %scan3A_24, %mul3A_28 : i32
      %add3A = arith.addi %mul3A_27, %mul3A_29 : i32
      "tpu.region"() ({
        %run_scoped3A = tpu.sem_alloc : memref<!tpu.dma_semaphore, #tpu.memory_space<semaphore_mem>>
        %dma_start3A = arith.constant 0 : i32
        %dma_start3A_31 = arith.constant 0 : i32
        %dma_start3A_32 = tpu.memref_slice %arg8[%dma_start3A, %dma_start3A_31] : memref<128x128xf32, #tpu.memory_space<vmem>> -> memref<80x128xf32, #tpu.memory_space<vmem>>
        %dma_start3A_33 = arith.constant 0 : i32
        %dma_start3A_34 = tpu.memref_slice %arg10[%add3A, %dma_start3A_33] : memref<10240x128xf32, #tpu.memory_space<vmem_shared>> -> memref<80x128xf32, #tpu.memory_space<vmem_shared>>
        %dma_start3A_35 = arith.constant 0 : i32
        %dma_start3A_36 = tpu.memref_slice %arg10[%add3A, %dma_start3A_35] : memref<10240x128xf32, #tpu.memory_space<vmem_shared>> -> memref<80x128xf32, #tpu.memory_space<vmem_shared>>
        %dma_start3A_37 = arith.constant 0 : i32
        %dma_start3A_38 = arith.constant 0 : i32
        %dma_start3A_39 = tpu.memref_slice %arg8[%dma_start3A_37, %dma_start3A_38] : memref<128x128xf32, #tpu.memory_space<vmem>> -> memref<80x128xf32, #tpu.memory_space<vmem>>
        tpu.enqueue_dma source(%dma_start3A_39 : memref<80x128xf32, #tpu.memory_space<vmem>>) target(%dma_start3A_36 : memref<80x128xf32, #tpu.memory_space<vmem_shared>>) target_semaphore(%run_scoped3A : memref<!tpu.dma_semaphore, #tpu.memory_space<semaphore_mem>>)
        %dma_wait3A = arith.constant 0 : i32
        %dma_wait3A_40 = arith.constant 0 : i32
        %dma_wait3A_41 = tpu.memref_slice %arg8[%dma_wait3A, %dma_wait3A_40] : memref<128x128xf32, #tpu.memory_space<vmem>> -> memref<80x128xf32, #tpu.memory_space<vmem>>
        %dma_wait3A_42 = arith.constant 0 : i32
        %dma_wait3A_43 = tpu.memref_slice %arg10[%add3A, %dma_wait3A_42] : memref<10240x128xf32, #tpu.memory_space<vmem_shared>> -> memref<80x128xf32, #tpu.memory_space<vmem_shared>>
        %dma_wait3A_44 = arith.constant 0 : i32
        %dma_wait3A_45 = tpu.memref_slice %arg10[%add3A, %dma_wait3A_44] : memref<10240x128xf32, #tpu.memory_space<vmem_shared>> -> memref<80x128xf32, #tpu.memory_space<vmem_shared>>
        %dma_wait3A_46 = arith.constant 0 : i32
        %dma_wait3A_47 = arith.constant 0 : i32
        %dma_wait3A_48 = tpu.memref_slice %arg8[%dma_wait3A_46, %dma_wait3A_47] : memref<128x128xf32, #tpu.memory_space<vmem>> -> memref<80x128xf32, #tpu.memory_space<vmem>>
        tpu.wait_dma2 semaphore(%run_scoped3A : memref<!tpu.dma_semaphore, #tpu.memory_space<semaphore_mem>>) src(%dma_wait3A_48 : memref<80x128xf32, #tpu.memory_space<vmem>>) dst(%dma_wait3A_45 : memref<80x128xf32, #tpu.memory_space<vmem_shared>>)
        tpu.yield
      }) : () -> ()
      %scan3A_30 = arith.constant 0 : i32
      scf.yield %scan3A_30 : i32
    }
    %scan3A_12 = arith.constant 8 : i32
    %barrier3A = arith.constant 0 : index
    tpu.barrier barrier_id(%barrier3A)
    %eq3A = arith.constant 0 : i32
    %eq3A_13 = arith.cmpi eq, %arg0, %eq3A : i32
    %convert_element_type3A = arith.extui %eq3A_13 : i1 to i32
    %cond3A = arith.constant 0 : i32
    %cond3A_14 = arith.cmpi ne, %convert_element_type3A, %cond3A : i32
    scf.if %cond3A_14 {
      %mul3A_24 = arith.constant 80 : i32
      %mul3A_25 = arith.muli %arg1, %mul3A_24 : i32
      %add3A = arith.constant 0 : i32
      %add3A_26 = arith.addi %mul3A_25, %add3A : i32
      "tpu.region"() ({
        %run_scoped3A_100 = tpu.sem_alloc : memref<!tpu.dma_semaphore, #tpu.memory_space<semaphore_mem>>
        %dma_start3A_101 = arith.constant 0 : i32
        %dma_start3A_102 = tpu.memref_slice %arg3[%add3A_26, %dma_start3A_101] : memref<2560x128xi32, #tpu.memory_space<hbm>> -> memref<40x128xi32, #tpu.memory_space<hbm>>
        %dma_start3A_103 = arith.constant 0 : i32
        %dma_start3A_104 = tpu.memref_slice %arg3[%add3A_26, %dma_start3A_103] : memref<2560x128xi32, #tpu.memory_space<hbm>> -> memref<40x128xi32, #tpu.memory_space<hbm>>
        tpu.enqueue_dma source(%dma_start3A_104 : memref<40x128xi32, #tpu.memory_space<hbm>>) target(%arg6 : memref<40x128xi32, #tpu.memory_space<vmem>>) target_semaphore(%run_scoped3A_100 : memref<!tpu.dma_semaphore, #tpu.memory_space<semaphore_mem>>)
        %dma_wait3A_105 = arith.constant 0 : i32
        %dma_wait3A_106 = tpu.memref_slice %arg3[%add3A_26, %dma_wait3A_105] : memref<2560x128xi32, #tpu.memory_space<hbm>> -> memref<40x128xi32, #tpu.memory_space<hbm>>
        %dma_wait3A_107 = arith.constant 0 : i32
        %dma_wait3A_108 = tpu.memref_slice %arg3[%add3A_26, %dma_wait3A_107] : memref<2560x128xi32, #tpu.memory_space<hbm>> -> memref<40x128xi32, #tpu.memory_space<hbm>>
        tpu.wait_dma2 semaphore(%run_scoped3A_100 : memref<!tpu.dma_semaphore, #tpu.memory_space<semaphore_mem>>) src(%dma_wait3A_108 : memref<40x128xi32, #tpu.memory_space<hbm>>) dst(%arg6 : memref<40x128xi32, #tpu.memory_space<vmem>>)
        tpu.yield
      }) : () -> ()
      "tpu.region"() ({
        %run_scoped3A_100 = tpu.sem_alloc : memref<!tpu.dma_semaphore, #tpu.memory_space<semaphore_mem>>
        %dma_start3A_101 = arith.constant 0 : i32
        %dma_start3A_102 = tpu.memref_slice %arg4[%add3A_26, %dma_start3A_101] : memref<2560x128xi32, #tpu.memory_space<hbm>> -> memref<40x128xi32, #tpu.memory_space<hbm>>
        %dma_start3A_103 = arith.constant 0 : i32
        %dma_start3A_104 = tpu.memref_slice %arg4[%add3A_26, %dma_start3A_103] : memref<2560x128xi32, #tpu.memory_space<hbm>> -> memref<40x128xi32, #tpu.memory_space<hbm>>
        tpu.enqueue_dma source(%dma_start3A_104 : memref<40x128xi32, #tpu.memory_space<hbm>>) target(%arg7 : memref<40x128xi32, #tpu.memory_space<vmem>>) target_semaphore(%run_scoped3A_100 : memref<!tpu.dma_semaphore, #tpu.memory_space<semaphore_mem>>)
        %dma_wait3A_105 = arith.constant 0 : i32
        %dma_wait3A_106 = tpu.memref_slice %arg4[%add3A_26, %dma_wait3A_105] : memref<2560x128xi32, #tpu.memory_space<hbm>> -> memref<40x128xi32, #tpu.memory_space<hbm>>
        %dma_wait3A_107 = arith.constant 0 : i32
        %dma_wait3A_108 = tpu.memref_slice %arg4[%add3A_26, %dma_wait3A_107] : memref<2560x128xi32, #tpu.memory_space<hbm>> -> memref<40x128xi32, #tpu.memory_space<hbm>>
        tpu.wait_dma2 semaphore(%run_scoped3A_100 : memref<!tpu.dma_semaphore, #tpu.memory_space<semaphore_mem>>) src(%dma_wait3A_108 : memref<40x128xi32, #tpu.memory_space<hbm>>) dst(%arg7 : memref<40x128xi32, #tpu.memory_space<vmem>>)
        tpu.yield
      }) : () -> ()
      %dma_start3A = arith.constant 0 : i32
      %dma_start3A_27 = arith.constant 0 : i32
      %dma_start3A_28 = tpu.memref_slice %arg6[%dma_start3A, %dma_start3A_27] : memref<40x128xi32, #tpu.memory_space<vmem>> -> memref<1x128xi32, #tpu.memory_space<vmem>>
      %dma_start3A_29 = tpu.memref_squeeze %dma_start3A_28 : memref<1x128xi32, #tpu.memory_space<vmem>> -> memref<128xi32, #tpu.memory_space<vmem>>
      %dma_start3A_30 = arith.constant 0 : i32
      %dma_start3A_31 = arith.constant 0 : i32
      %dma_start3A_32 = tpu.memref_slice %arg2[%dma_start3A_30, %dma_start3A_31] : memref<10240x128xf32, #tpu.memory_space<hbm>> -> memref<10240x128xf32, #tpu.memory_space<hbm>>
      tpu.enqueue_indirect_dma source(%dma_start3A_32 : memref<10240x128xf32, #tpu.memory_space<hbm>>) target(%arg8 : memref<128x128xf32, #tpu.memory_space<vmem>>) offsets(%dma_start3A_29 : memref<128xi32, #tpu.memory_space<vmem>>) semaphore(%arg11 : memref<!tpu.dma_semaphore, #tpu.memory_space<semaphore_mem>>)
      %dma_start3A_33 = arith.constant 1 : i32
      %dma_start3A_34 = arith.constant 0 : i32
      %dma_start3A_35 = tpu.memref_slice %arg6[%dma_start3A_33, %dma_start3A_34] : memref<40x128xi32, #tpu.memory_space<vmem>> -> memref<1x128xi32, #tpu.memory_space<vmem>>
      %dma_start3A_36 = tpu.memref_squeeze %dma_start3A_35 : memref<1x128xi32, #tpu.memory_space<vmem>> -> memref<128xi32, #tpu.memory_space<vmem>>
      %dma_start3A_37 = arith.constant 0 : i32
      %dma_start3A_38 = arith.constant 0 : i32
      %dma_start3A_39 = tpu.memref_slice %arg2[%dma_start3A_37, %dma_start3A_38] : memref<10240x128xf32, #tpu.memory_space<hbm>> -> memref<10240x128xf32, #tpu.memory_space<hbm>>
      tpu.enqueue_indirect_dma source(%dma_start3A_39 : memref<10240x128xf32, #tpu.memory_space<hbm>>) target(%arg9 : memref<128x128xf32, #tpu.memory_space<vmem>>) offsets(%dma_start3A_36 : memref<128xi32, #tpu.memory_space<vmem>>) semaphore(%arg12 : memref<!tpu.dma_semaphore, #tpu.memory_space<semaphore_mem>>)
      %scan3A_40 = arith.constant 0 : i32
      %scan3A_41 = arith.constant 0 : i32
      %scan3A_42 = arith.constant 19 : i32
      %scan3A_43 = arith.addi %scan3A_41, %scan3A_42 : i32
      %scan3A_44 = arith.constant 1 : i32
      %scan3A_45 = scf.for %scan3A_100 = %scan3A_41 to %scan3A_43 step %scan3A_44 iter_args(%scan3A_101 = %scan3A_40) -> (i32)  : i32 {
        %mul3A_102 = arith.constant 2 : i32
        %mul3A_103 = arith.muli %mul3A_102, %scan3A_100 : i32
        %dma_wait3A_104 = arith.constant 0 : i32
        %dma_wait3A_105 = tpu.memref_slice %arg6[%mul3A_103, %dma_wait3A_104] : memref<40x128xi32, #tpu.memory_space<vmem>> -> memref<1x128xi32, #tpu.memory_space<vmem>>
        %dma_wait3A_106 = tpu.memref_squeeze %dma_wait3A_105 : memref<1x128xi32, #tpu.memory_space<vmem>> -> memref<128xi32, #tpu.memory_space<vmem>>
        %dma_wait3A_107 = arith.constant 0 : i32
        %dma_wait3A_108 = arith.constant 0 : i32
        %dma_wait3A_109 = tpu.memref_slice %arg2[%dma_wait3A_107, %dma_wait3A_108] : memref<10240x128xf32, #tpu.memory_space<hbm>> -> memref<10240x128xf32, #tpu.memory_space<hbm>>
        tpu.wait_indirect_dma semaphore(%arg11 : memref<!tpu.dma_semaphore, #tpu.memory_space<semaphore_mem>>) src(%dma_wait3A_109 : memref<10240x128xf32, #tpu.memory_space<hbm>>) dst(%arg8 : memref<128x128xf32, #tpu.memory_space<vmem>>)
        "tpu.region"() ({
          %run_scoped3A_137 = tpu.sem_alloc : memref<!tpu.dma_semaphore, #tpu.memory_space<semaphore_mem>>
          %dma_start3A_138 = arith.constant 0 : i32
          %dma_start3A_139 = tpu.memref_slice %arg7[%mul3A_103, %dma_start3A_138] : memref<40x128xi32, #tpu.memory_space<vmem>> -> memref<1x128xi32, #tpu.memory_space<vmem>>
          %dma_start3A_140 = tpu.memref_squeeze %dma_start3A_139 : memref<1x128xi32, #tpu.memory_space<vmem>> -> memref<128xi32, #tpu.memory_space<vmem>>
          %dma_start3A_141 = arith.constant 0 : i32
          %dma_start3A_142 = arith.constant 0 : i32
          %dma_start3A_143 = tpu.memref_slice %arg10[%dma_start3A_141, %dma_start3A_142] : memref<10240x128xf32, #tpu.memory_space<vmem_shared>> -> memref<10240x128xf32, #tpu.memory_space<vmem_shared>>
          tpu.enqueue_indirect_dma source(%arg8 : memref<128x128xf32, #tpu.memory_space<vmem>>) target(%dma_start3A_143 : memref<10240x128xf32, #tpu.memory_space<vmem_shared>>) offsets(%dma_start3A_140 : memref<128xi32, #tpu.memory_space<vmem>>) semaphore(%run_scoped3A_137 : memref<!tpu.dma_semaphore, #tpu.memory_space<semaphore_mem>>) {add = true}
          %dma_wait3A_144 = arith.constant 0 : i32
          %dma_wait3A_145 = tpu.memref_slice %arg7[%mul3A_103, %dma_wait3A_144] : memref<40x128xi32, #tpu.memory_space<vmem>> -> memref<1x128xi32, #tpu.memory_space<vmem>>
          %dma_wait3A_146 = tpu.memref_squeeze %dma_wait3A_145 : memref<1x128xi32, #tpu.memory_space<vmem>> -> memref<128xi32, #tpu.memory_space<vmem>>
          %dma_wait3A_147 = arith.constant 0 : i32
          %dma_wait3A_148 = arith.constant 0 : i32
          %dma_wait3A_149 = tpu.memref_slice %arg10[%dma_wait3A_147, %dma_wait3A_148] : memref<10240x128xf32, #tpu.memory_space<vmem_shared>> -> memref<10240x128xf32, #tpu.memory_space<vmem_shared>>
          tpu.wait_indirect_dma semaphore(%run_scoped3A_137 : memref<!tpu.dma_semaphore, #tpu.memory_space<semaphore_mem>>) src(%arg8 : memref<128x128xf32, #tpu.memory_space<vmem>>) dst(%dma_wait3A_149 : memref<10240x128xf32, #tpu.memory_space<vmem_shared>>)
          tpu.yield
        }) : () -> ()
        %add3A_110 = arith.constant 2 : i32
        %add3A_111 = arith.addi %mul3A_103, %add3A_110 : i32
        %dma_start3A_112 = arith.constant 0 : i32
        %dma_start3A_113 = tpu.memref_slice %arg6[%add3A_111, %dma_start3A_112] : memref<40x128xi32, #tpu.memory_space<vmem>> -> memref<1x128xi32, #tpu.memory_space<vmem>>
        %dma_start3A_114 = tpu.memref_squeeze %dma_start3A_113 : memref<1x128xi32, #tpu.memory_space<vmem>> -> memref<128xi32, #tpu.memory_space<vmem>>
        %dma_start3A_115 = arith.constant 0 : i32
        %dma_start3A_116 = arith.constant 0 : i32
        %dma_start3A_117 = tpu.memref_slice %arg2[%dma_start3A_115, %dma_start3A_116] : memref<10240x128xf32, #tpu.memory_space<hbm>> -> memref<10240x128xf32, #tpu.memory_space<hbm>>
        tpu.enqueue_indirect_dma source(%dma_start3A_117 : memref<10240x128xf32, #tpu.memory_space<hbm>>) target(%arg8 : memref<128x128xf32, #tpu.memory_space<vmem>>) offsets(%dma_start3A_114 : memref<128xi32, #tpu.memory_space<vmem>>) semaphore(%arg11 : memref<!tpu.dma_semaphore, #tpu.memory_space<semaphore_mem>>)
        %add3A_118 = arith.constant 1 : i32
        %add3A_119 = arith.addi %mul3A_103, %add3A_118 : i32
        %dma_wait3A_120 = arith.constant 0 : i32
        %dma_wait3A_121 = tpu.memref_slice %arg6[%add3A_119, %dma_wait3A_120] : memref<40x128xi32, #tpu.memory_space<vmem>> -> memref<1x128xi32, #tpu.memory_space<vmem>>
        %dma_wait3A_122 = tpu.memref_squeeze %dma_wait3A_121 : memref<1x128xi32, #tpu.memory_space<vmem>> -> memref<128xi32, #tpu.memory_space<vmem>>
        %dma_wait3A_123 = arith.constant 0 : i32
        %dma_wait3A_124 = arith.constant 0 : i32
        %dma_wait3A_125 = tpu.memref_slice %arg2[%dma_wait3A_123, %dma_wait3A_124] : memref<10240x128xf32, #tpu.memory_space<hbm>> -> memref<10240x128xf32, #tpu.memory_space<hbm>>
        tpu.wait_indirect_dma semaphore(%arg12 : memref<!tpu.dma_semaphore, #tpu.memory_space<semaphore_mem>>) src(%dma_wait3A_125 : memref<10240x128xf32, #tpu.memory_space<hbm>>) dst(%arg9 : memref<128x128xf32, #tpu.memory_space<vmem>>)
        %add3A_126 = arith.constant 1 : i32
        %add3A_127 = arith.addi %mul3A_103, %add3A_126 : i32
        "tpu.region"() ({
          %run_scoped3A_137 = tpu.sem_alloc : memref<!tpu.dma_semaphore, #tpu.memory_space<semaphore_mem>>
          %dma_start3A_138 = arith.constant 0 : i32
          %dma_start3A_139 = tpu.memref_slice %arg7[%add3A_127, %dma_start3A_138] : memref<40x128xi32, #tpu.memory_space<vmem>> -> memref<1x128xi32, #tpu.memory_space<vmem>>
          %dma_start3A_140 = tpu.memref_squeeze %dma_start3A_139 : memref<1x128xi32, #tpu.memory_space<vmem>> -> memref<128xi32, #tpu.memory_space<vmem>>
          %dma_start3A_141 = arith.constant 0 : i32
          %dma_start3A_142 = arith.constant 0 : i32
          %dma_start3A_143 = tpu.memref_slice %arg10[%dma_start3A_141, %dma_start3A_142] : memref<10240x128xf32, #tpu.memory_space<vmem_shared>> -> memref<10240x128xf32, #tpu.memory_space<vmem_shared>>
          tpu.enqueue_indirect_dma source(%arg9 : memref<128x128xf32, #tpu.memory_space<vmem>>) target(%dma_start3A_143 : memref<10240x128xf32, #tpu.memory_space<vmem_shared>>) offsets(%dma_start3A_140 : memref<128xi32, #tpu.memory_space<vmem>>) semaphore(%run_scoped3A_137 : memref<!tpu.dma_semaphore, #tpu.memory_space<semaphore_mem>>) {add = true}
          %dma_wait3A_144 = arith.constant 0 : i32
          %dma_wait3A_145 = tpu.memref_slice %arg7[%add3A_127, %dma_wait3A_144] : memref<40x128xi32, #tpu.memory_space<vmem>> -> memref<1x128xi32, #tpu.memory_space<vmem>>
          %dma_wait3A_146 = tpu.memref_squeeze %dma_wait3A_145 : memref<1x128xi32, #tpu.memory_space<vmem>> -> memref<128xi32, #tpu.memory_space<vmem>>
          %dma_wait3A_147 = arith.constant 0 : i32
          %dma_wait3A_148 = arith.constant 0 : i32
          %dma_wait3A_149 = tpu.memref_slice %arg10[%dma_wait3A_147, %dma_wait3A_148] : memref<10240x128xf32, #tpu.memory_space<vmem_shared>> -> memref<10240x128xf32, #tpu.memory_space<vmem_shared>>
          tpu.wait_indirect_dma semaphore(%run_scoped3A_137 : memref<!tpu.dma_semaphore, #tpu.memory_space<semaphore_mem>>) src(%arg9 : memref<128x128xf32, #tpu.memory_space<vmem>>) dst(%dma_wait3A_149 : memref<10240x128xf32, #tpu.memory_space<vmem_shared>>)
          tpu.yield
        }) : () -> ()
        %add3A_128 = arith.constant 3 : i32
        %add3A_129 = arith.addi %mul3A_103, %add3A_128 : i32
        %dma_start3A_130 = arith.constant 0 : i32
        %dma_start3A_131 = tpu.memref_slice %arg6[%add3A_129, %dma_start3A_130] : memref<40x128xi32, #tpu.memory_space<vmem>> -> memref<1x128xi32, #tpu.memory_space<vmem>>
        %dma_start3A_132 = tpu.memref_squeeze %dma_start3A_131 : memref<1x128xi32, #tpu.memory_space<vmem>> -> memref<128xi32, #tpu.memory_space<vmem>>
        %dma_start3A_133 = arith.constant 0 : i32
        %dma_start3A_134 = arith.constant 0 : i32
        %dma_start3A_135 = tpu.memref_slice %arg2[%dma_start3A_133, %dma_start3A_134] : memref<10240x128xf32, #tpu.memory_space<hbm>> -> memref<10240x128xf32, #tpu.memory_space<hbm>>
        tpu.enqueue_indirect_dma source(%dma_start3A_135 : memref<10240x128xf32, #tpu.memory_space<hbm>>) target(%arg9 : memref<128x128xf32, #tpu.memory_space<vmem>>) offsets(%dma_start3A_132 : memref<128xi32, #tpu.memory_space<vmem>>) semaphore(%arg12 : memref<!tpu.dma_semaphore, #tpu.memory_space<semaphore_mem>>)
        %scan3A_136 = arith.constant 0 : i32
        scf.yield %scan3A_136 : i32
      }
      %scan3A_46 = arith.constant 19 : i32
      %dma_wait3A = arith.constant 0 : i32
      %dma_wait3A_47 = arith.constant 0 : i32
      %dma_wait3A_48 = tpu.memref_slice %arg6[%dma_wait3A, %dma_wait3A_47] : memref<40x128xi32, #tpu.memory_space<vmem>> -> memref<1x128xi32, #tpu.memory_space<vmem>>
      %dma_wait3A_49 = tpu.memref_squeeze %dma_wait3A_48 : memref<1x128xi32, #tpu.memory_space<vmem>> -> memref<128xi32, #tpu.memory_space<vmem>>
      %dma_wait3A_50 = arith.constant 0 : i32
      %dma_wait3A_51 = arith.constant 0 : i32
      %dma_wait3A_52 = tpu.memref_slice %arg2[%dma_wait3A_50, %dma_wait3A_51] : memref<10240x128xf32, #tpu.memory_space<hbm>> -> memref<10240x128xf32, #tpu.memory_space<hbm>>
      tpu.wait_indirect_dma semaphore(%arg11 : memref<!tpu.dma_semaphore, #tpu.memory_space<semaphore_mem>>) src(%dma_wait3A_52 : memref<10240x128xf32, #tpu.memory_space<hbm>>) dst(%arg8 : memref<128x128xf32, #tpu.memory_space<vmem>>)
      %run_scoped3A = arith.constant 38 : i32
      "tpu.region"() ({
        %run_scoped3A_100 = tpu.sem_alloc : memref<!tpu.dma_semaphore, #tpu.memory_space<semaphore_mem>>
        %dma_start3A_101 = arith.constant 0 : i32
        %dma_start3A_102 = tpu.memref_slice %arg7[%run_scoped3A, %dma_start3A_101] : memref<40x128xi32, #tpu.memory_space<vmem>> -> memref<1x128xi32, #tpu.memory_space<vmem>>
        %dma_start3A_103 = tpu.memref_squeeze %dma_start3A_102 : memref<1x128xi32, #tpu.memory_space<vmem>> -> memref<128xi32, #tpu.memory_space<vmem>>
        %dma_start3A_104 = arith.constant 0 : i32
        %dma_start3A_105 = arith.constant 0 : i32
        %dma_start3A_106 = tpu.memref_slice %arg10[%dma_start3A_104, %dma_start3A_105] : memref<10240x128xf32, #tpu.memory_space<vmem_shared>> -> memref<10240x128xf32, #tpu.memory_space<vmem_shared>>
        tpu.enqueue_indirect_dma source(%arg8 : memref<128x128xf32, #tpu.memory_space<vmem>>) target(%dma_start3A_106 : memref<10240x128xf32, #tpu.memory_space<vmem_shared>>) offsets(%dma_start3A_103 : memref<128xi32, #tpu.memory_space<vmem>>) semaphore(%run_scoped3A_100 : memref<!tpu.dma_semaphore, #tpu.memory_space<semaphore_mem>>) {add = true}
        %dma_wait3A_107 = arith.constant 0 : i32
        %dma_wait3A_108 = tpu.memref_slice %arg7[%run_scoped3A, %dma_wait3A_107] : memref<40x128xi32, #tpu.memory_space<vmem>> -> memref<1x128xi32, #tpu.memory_space<vmem>>
        %dma_wait3A_109 = tpu.memref_squeeze %dma_wait3A_108 : memref<1x128xi32, #tpu.memory_space<vmem>> -> memref<128xi32, #tpu.memory_space<vmem>>
        %dma_wait3A_110 = arith.constant 0 : i32
        %dma_wait3A_111 = arith.constant 0 : i32
        %dma_wait3A_112 = tpu.memref_slice %arg10[%dma_wait3A_110, %dma_wait3A_111] : memref<10240x128xf32, #tpu.memory_space<vmem_shared>> -> memref<10240x128xf32, #tpu.memory_space<vmem_shared>>
        tpu.wait_indirect_dma semaphore(%run_scoped3A_100 : memref<!tpu.dma_semaphore, #tpu.memory_space<semaphore_mem>>) src(%arg8 : memref<128x128xf32, #tpu.memory_space<vmem>>) dst(%dma_wait3A_112 : memref<10240x128xf32, #tpu.memory_space<vmem_shared>>)
        tpu.yield
      }) : () -> ()
      %dma_wait3A_53 = arith.constant 0 : i32
      %dma_wait3A_54 = arith.constant 0 : i32
      %dma_wait3A_55 = tpu.memref_slice %arg6[%dma_wait3A_53, %dma_wait3A_54] : memref<40x128xi32, #tpu.memory_space<vmem>> -> memref<1x128xi32, #tpu.memory_space<vmem>>
      %dma_wait3A_56 = tpu.memref_squeeze %dma_wait3A_55 : memref<1x128xi32, #tpu.memory_space<vmem>> -> memref<128xi32, #tpu.memory_space<vmem>>
      %dma_wait3A_57 = arith.constant 0 : i32
      %dma_wait3A_58 = arith.constant 0 : i32
      %dma_wait3A_59 = tpu.memref_slice %arg2[%dma_wait3A_57, %dma_wait3A_58] : memref<10240x128xf32, #tpu.memory_space<hbm>> -> memref<10240x128xf32, #tpu.memory_space<hbm>>
      tpu.wait_indirect_dma semaphore(%arg12 : memref<!tpu.dma_semaphore, #tpu.memory_space<semaphore_mem>>) src(%dma_wait3A_59 : memref<10240x128xf32, #tpu.memory_space<hbm>>) dst(%arg9 : memref<128x128xf32, #tpu.memory_space<vmem>>)
      %run_scoped3A_60 = arith.constant 39 : i32
      "tpu.region"() ({
        %run_scoped3A_100 = tpu.sem_alloc : memref<!tpu.dma_semaphore, #tpu.memory_space<semaphore_mem>>
        %dma_start3A_101 = arith.constant 0 : i32
        %dma_start3A_102 = tpu.memref_slice %arg7[%run_scoped3A_60, %dma_start3A_101] : memref<40x128xi32, #tpu.memory_space<vmem>> -> memref<1x128xi32, #tpu.memory_space<vmem>>
        %dma_start3A_103 = tpu.memref_squeeze %dma_start3A_102 : memref<1x128xi32, #tpu.memory_space<vmem>> -> memref<128xi32, #tpu.memory_space<vmem>>
        %dma_start3A_104 = arith.constant 0 : i32
        %dma_start3A_105 = arith.constant 0 : i32
        %dma_start3A_106 = tpu.memref_slice %arg10[%dma_start3A_104, %dma_start3A_105] : memref<10240x128xf32, #tpu.memory_space<vmem_shared>> -> memref<10240x128xf32, #tpu.memory_space<vmem_shared>>
        tpu.enqueue_indirect_dma source(%arg9 : memref<128x128xf32, #tpu.memory_space<vmem>>) target(%dma_start3A_106 : memref<10240x128xf32, #tpu.memory_space<vmem_shared>>) offsets(%dma_start3A_103 : memref<128xi32, #tpu.memory_space<vmem>>) semaphore(%run_scoped3A_100 : memref<!tpu.dma_semaphore, #tpu.memory_space<semaphore_mem>>) {add = true}
        %dma_wait3A_107 = arith.constant 0 : i32
        %dma_wait3A_108 = tpu.memref_slice %arg7[%run_scoped3A_60, %dma_wait3A_107] : memref<40x128xi32, #tpu.memory_space<vmem>> -> memref<1x128xi32, #tpu.memory_space<vmem>>
        %dma_wait3A_109 = tpu.memref_squeeze %dma_wait3A_108 : memref<1x128xi32, #tpu.memory_space<vmem>> -> memref<128xi32, #tpu.memory_space<vmem>>
        %dma_wait3A_110 = arith.constant 0 : i32
        %dma_wait3A_111 = arith.constant 0 : i32
        %dma_wait3A_112 = tpu.memref_slice %arg10[%dma_wait3A_110, %dma_wait3A_111] : memref<10240x128xf32, #tpu.memory_space<vmem_shared>> -> memref<10240x128xf32, #tpu.memory_space<vmem_shared>>
        tpu.wait_indirect_dma semaphore(%run_scoped3A_100 : memref<!tpu.dma_semaphore, #tpu.memory_space<semaphore_mem>>) src(%arg9 : memref<128x128xf32, #tpu.memory_space<vmem>>) dst(%dma_wait3A_112 : memref<10240x128xf32, #tpu.memory_space<vmem_shared>>)
        tpu.yield
      }) : () -> ()
      %add3A_61 = arith.constant 40 : i32
      %add3A_62 = arith.addi %mul3A_25, %add3A_61 : i32
      "tpu.region"() ({
        %run_scoped3A_100 = tpu.sem_alloc : memref<!tpu.dma_semaphore, #tpu.memory_space<semaphore_mem>>
        %dma_start3A_101 = arith.constant 0 : i32
        %dma_start3A_102 = tpu.memref_slice %arg3[%add3A_62, %dma_start3A_101] : memref<2560x128xi32, #tpu.memory_space<hbm>> -> memref<40x128xi32, #tpu.memory_space<hbm>>
        %dma_start3A_103 = arith.constant 0 : i32
        %dma_start3A_104 = tpu.memref_slice %arg3[%add3A_62, %dma_start3A_103] : memref<2560x128xi32, #tpu.memory_space<hbm>> -> memref<40x128xi32, #tpu.memory_space<hbm>>
        tpu.enqueue_dma source(%dma_start3A_104 : memref<40x128xi32, #tpu.memory_space<hbm>>) target(%arg6 : memref<40x128xi32, #tpu.memory_space<vmem>>) target_semaphore(%run_scoped3A_100 : memref<!tpu.dma_semaphore, #tpu.memory_space<semaphore_mem>>)
        %dma_wait3A_105 = arith.constant 0 : i32
        %dma_wait3A_106 = tpu.memref_slice %arg3[%add3A_62, %dma_wait3A_105] : memref<2560x128xi32, #tpu.memory_space<hbm>> -> memref<40x128xi32, #tpu.memory_space<hbm>>
        %dma_wait3A_107 = arith.constant 0 : i32
        %dma_wait3A_108 = tpu.memref_slice %arg3[%add3A_62, %dma_wait3A_107] : memref<2560x128xi32, #tpu.memory_space<hbm>> -> memref<40x128xi32, #tpu.memory_space<hbm>>
        tpu.wait_dma2 semaphore(%run_scoped3A_100 : memref<!tpu.dma_semaphore, #tpu.memory_space<semaphore_mem>>) src(%dma_wait3A_108 : memref<40x128xi32, #tpu.memory_space<hbm>>) dst(%arg6 : memref<40x128xi32, #tpu.memory_space<vmem>>)
        tpu.yield
      }) : () -> ()
      "tpu.region"() ({
        %run_scoped3A_100 = tpu.sem_alloc : memref<!tpu.dma_semaphore, #tpu.memory_space<semaphore_mem>>
        %dma_start3A_101 = arith.constant 0 : i32
        %dma_start3A_102 = tpu.memref_slice %arg4[%add3A_62, %dma_start3A_101] : memref<2560x128xi32, #tpu.memory_space<hbm>> -> memref<40x128xi32, #tpu.memory_space<hbm>>
        %dma_start3A_103 = arith.constant 0 : i32
        %dma_start3A_104 = tpu.memref_slice %arg4[%add3A_62, %dma_start3A_103] : memref<2560x128xi32, #tpu.memory_space<hbm>> -> memref<40x128xi32, #tpu.memory_space<hbm>>
        tpu.enqueue_dma source(%dma_start3A_104 : memref<40x128xi32, #tpu.memory_space<hbm>>) target(%arg7 : memref<40x128xi32, #tpu.memory_space<vmem>>) target_semaphore(%run_scoped3A_100 : memref<!tpu.dma_semaphore, #tpu.memory_space<semaphore_mem>>)
        %dma_wait3A_105 = arith.constant 0 : i32
        %dma_wait3A_106 = tpu.memref_slice %arg4[%add3A_62, %dma_wait3A_105] : memref<2560x128xi32, #tpu.memory_space<hbm>> -> memref<40x128xi32, #tpu.memory_space<hbm>>
        %dma_wait3A_107 = arith.constant 0 : i32
        %dma_wait3A_108 = tpu.memref_slice %arg4[%add3A_62, %dma_wait3A_107] : memref<2560x128xi32, #tpu.memory_space<hbm>> -> memref<40x128xi32, #tpu.memory_space<hbm>>
        tpu.wait_dma2 semaphore(%run_scoped3A_100 : memref<!tpu.dma_semaphore, #tpu.memory_space<semaphore_mem>>) src(%dma_wait3A_108 : memref<40x128xi32, #tpu.memory_space<hbm>>) dst(%arg7 : memref<40x128xi32, #tpu.memory_space<vmem>>)
        tpu.yield
      }) : () -> ()
      %dma_start3A_63 = arith.constant 0 : i32
      %dma_start3A_64 = arith.constant 0 : i32
      %dma_start3A_65 = tpu.memref_slice %arg6[%dma_start3A_63, %dma_start3A_64] : memref<40x128xi32, #tpu.memory_space<vmem>> -> memref<1x128xi32, #tpu.memory_space<vmem>>
      %dma_start3A_66 = tpu.memref_squeeze %dma_start3A_65 : memref<1x128xi32, #tpu.memory_space<vmem>> -> memref<128xi32, #tpu.memory_space<vmem>>
      %dma_start3A_67 = arith.constant 0 : i32
      %dma_start3A_68 = arith.constant 0 : i32
      %dma_start3A_69 = tpu.memref_slice %arg2[%dma_start3A_67, %dma_start3A_68] : memref<10240x128xf32, #tpu.memory_space<hbm>> -> memref<10240x128xf32, #tpu.memory_space<hbm>>
      tpu.enqueue_indirect_dma source(%dma_start3A_69 : memref<10240x128xf32, #tpu.memory_space<hbm>>) target(%arg8 : memref<128x128xf32, #tpu.memory_space<vmem>>) offsets(%dma_start3A_66 : memref<128xi32, #tpu.memory_space<vmem>>) semaphore(%arg11 : memref<!tpu.dma_semaphore, #tpu.memory_space<semaphore_mem>>)
      %dma_start3A_70 = arith.constant 1 : i32
      %dma_start3A_71 = arith.constant 0 : i32
      %dma_start3A_72 = tpu.memref_slice %arg6[%dma_start3A_70, %dma_start3A_71] : memref<40x128xi32, #tpu.memory_space<vmem>> -> memref<1x128xi32, #tpu.memory_space<vmem>>
      %dma_start3A_73 = tpu.memref_squeeze %dma_start3A_72 : memref<1x128xi32, #tpu.memory_space<vmem>> -> memref<128xi32, #tpu.memory_space<vmem>>
      %dma_start3A_74 = arith.constant 0 : i32
      %dma_start3A_75 = arith.constant 0 : i32
      %dma_start3A_76 = tpu.memref_slice %arg2[%dma_start3A_74, %dma_start3A_75] : memref<10240x128xf32, #tpu.memory_space<hbm>> -> memref<10240x128xf32, #tpu.memory_space<hbm>>
      tpu.enqueue_indirect_dma source(%dma_start3A_76 : memref<10240x128xf32, #tpu.memory_space<hbm>>) target(%arg9 : memref<128x128xf32, #tpu.memory_space<vmem>>) offsets(%dma_start3A_73 : memref<128xi32, #tpu.memory_space<vmem>>) semaphore(%arg12 : memref<!tpu.dma_semaphore, #tpu.memory_space<semaphore_mem>>)
      %scan3A_77 = arith.constant 0 : i32
      %scan3A_78 = arith.constant 0 : i32
      %scan3A_79 = arith.constant 19 : i32
      %scan3A_80 = arith.addi %scan3A_78, %scan3A_79 : i32
      %scan3A_81 = arith.constant 1 : i32
      %scan3A_82 = scf.for %scan3A_100 = %scan3A_78 to %scan3A_80 step %scan3A_81 iter_args(%scan3A_101 = %scan3A_77) -> (i32)  : i32 {
        %mul3A_102 = arith.constant 2 : i32
        %mul3A_103 = arith.muli %mul3A_102, %scan3A_100 : i32
        %dma_wait3A_104 = arith.constant 0 : i32
        %dma_wait3A_105 = tpu.memref_slice %arg6[%mul3A_103, %dma_wait3A_104] : memref<40x128xi32, #tpu.memory_space<vmem>> -> memref<1x128xi32, #tpu.memory_space<vmem>>
        %dma_wait3A_106 = tpu.memref_squeeze %dma_wait3A_105 : memref<1x128xi32, #tpu.memory_space<vmem>> -> memref<128xi32, #tpu.memory_space<vmem>>
        %dma_wait3A_107 = arith.constant 0 : i32
        %dma_wait3A_108 = arith.constant 0 : i32
        %dma_wait3A_109 = tpu.memref_slice %arg2[%dma_wait3A_107, %dma_wait3A_108] : memref<10240x128xf32, #tpu.memory_space<hbm>> -> memref<10240x128xf32, #tpu.memory_space<hbm>>
        tpu.wait_indirect_dma semaphore(%arg11 : memref<!tpu.dma_semaphore, #tpu.memory_space<semaphore_mem>>) src(%dma_wait3A_109 : memref<10240x128xf32, #tpu.memory_space<hbm>>) dst(%arg8 : memref<128x128xf32, #tpu.memory_space<vmem>>)
        "tpu.region"() ({
          %run_scoped3A_137 = tpu.sem_alloc : memref<!tpu.dma_semaphore, #tpu.memory_space<semaphore_mem>>
          %dma_start3A_138 = arith.constant 0 : i32
          %dma_start3A_139 = tpu.memref_slice %arg7[%mul3A_103, %dma_start3A_138] : memref<40x128xi32, #tpu.memory_space<vmem>> -> memref<1x128xi32, #tpu.memory_space<vmem>>
          %dma_start3A_140 = tpu.memref_squeeze %dma_start3A_139 : memref<1x128xi32, #tpu.memory_space<vmem>> -> memref<128xi32, #tpu.memory_space<vmem>>
          %dma_start3A_141 = arith.constant 0 : i32
          %dma_start3A_142 = arith.constant 0 : i32
          %dma_start3A_143 = tpu.memref_slice %arg10[%dma_start3A_141, %dma_start3A_142] : memref<10240x128xf32, #tpu.memory_space<vmem_shared>> -> memref<10240x128xf32, #tpu.memory_space<vmem_shared>>
          tpu.enqueue_indirect_dma source(%arg8 : memref<128x128xf32, #tpu.memory_space<vmem>>) target(%dma_start3A_143 : memref<10240x128xf32, #tpu.memory_space<vmem_shared>>) offsets(%dma_start3A_140 : memref<128xi32, #tpu.memory_space<vmem>>) semaphore(%run_scoped3A_137 : memref<!tpu.dma_semaphore, #tpu.memory_space<semaphore_mem>>) {add = true}
          %dma_wait3A_144 = arith.constant 0 : i32
          %dma_wait3A_145 = tpu.memref_slice %arg7[%mul3A_103, %dma_wait3A_144] : memref<40x128xi32, #tpu.memory_space<vmem>> -> memref<1x128xi32, #tpu.memory_space<vmem>>
          %dma_wait3A_146 = tpu.memref_squeeze %dma_wait3A_145 : memref<1x128xi32, #tpu.memory_space<vmem>> -> memref<128xi32, #tpu.memory_space<vmem>>
          %dma_wait3A_147 = arith.constant 0 : i32
          %dma_wait3A_148 = arith.constant 0 : i32
          %dma_wait3A_149 = tpu.memref_slice %arg10[%dma_wait3A_147, %dma_wait3A_148] : memref<10240x128xf32, #tpu.memory_space<vmem_shared>> -> memref<10240x128xf32, #tpu.memory_space<vmem_shared>>
          tpu.wait_indirect_dma semaphore(%run_scoped3A_137 : memref<!tpu.dma_semaphore, #tpu.memory_space<semaphore_mem>>) src(%arg8 : memref<128x128xf32, #tpu.memory_space<vmem>>) dst(%dma_wait3A_149 : memref<10240x128xf32, #tpu.memory_space<vmem_shared>>)
          tpu.yield
        }) : () -> ()
        %add3A_110 = arith.constant 2 : i32
        %add3A_111 = arith.addi %mul3A_103, %add3A_110 : i32
        %dma_start3A_112 = arith.constant 0 : i32
        %dma_start3A_113 = tpu.memref_slice %arg6[%add3A_111, %dma_start3A_112] : memref<40x128xi32, #tpu.memory_space<vmem>> -> memref<1x128xi32, #tpu.memory_space<vmem>>
        %dma_start3A_114 = tpu.memref_squeeze %dma_start3A_113 : memref<1x128xi32, #tpu.memory_space<vmem>> -> memref<128xi32, #tpu.memory_space<vmem>>
        %dma_start3A_115 = arith.constant 0 : i32
        %dma_start3A_116 = arith.constant 0 : i32
        %dma_start3A_117 = tpu.memref_slice %arg2[%dma_start3A_115, %dma_start3A_116] : memref<10240x128xf32, #tpu.memory_space<hbm>> -> memref<10240x128xf32, #tpu.memory_space<hbm>>
        tpu.enqueue_indirect_dma source(%dma_start3A_117 : memref<10240x128xf32, #tpu.memory_space<hbm>>) target(%arg8 : memref<128x128xf32, #tpu.memory_space<vmem>>) offsets(%dma_start3A_114 : memref<128xi32, #tpu.memory_space<vmem>>) semaphore(%arg11 : memref<!tpu.dma_semaphore, #tpu.memory_space<semaphore_mem>>)
        %add3A_118 = arith.constant 1 : i32
        %add3A_119 = arith.addi %mul3A_103, %add3A_118 : i32
        %dma_wait3A_120 = arith.constant 0 : i32
        %dma_wait3A_121 = tpu.memref_slice %arg6[%add3A_119, %dma_wait3A_120] : memref<40x128xi32, #tpu.memory_space<vmem>> -> memref<1x128xi32, #tpu.memory_space<vmem>>
        %dma_wait3A_122 = tpu.memref_squeeze %dma_wait3A_121 : memref<1x128xi32, #tpu.memory_space<vmem>> -> memref<128xi32, #tpu.memory_space<vmem>>
        %dma_wait3A_123 = arith.constant 0 : i32
        %dma_wait3A_124 = arith.constant 0 : i32
        %dma_wait3A_125 = tpu.memref_slice %arg2[%dma_wait3A_123, %dma_wait3A_124] : memref<10240x128xf32, #tpu.memory_space<hbm>> -> memref<10240x128xf32, #tpu.memory_space<hbm>>
        tpu.wait_indirect_dma semaphore(%arg12 : memref<!tpu.dma_semaphore, #tpu.memory_space<semaphore_mem>>) src(%dma_wait3A_125 : memref<10240x128xf32, #tpu.memory_space<hbm>>) dst(%arg9 : memref<128x128xf32, #tpu.memory_space<vmem>>)
        %add3A_126 = arith.constant 1 : i32
        %add3A_127 = arith.addi %mul3A_103, %add3A_126 : i32
        "tpu.region"() ({
          %run_scoped3A_137 = tpu.sem_alloc : memref<!tpu.dma_semaphore, #tpu.memory_space<semaphore_mem>>
          %dma_start3A_138 = arith.constant 0 : i32
          %dma_start3A_139 = tpu.memref_slice %arg7[%add3A_127, %dma_start3A_138] : memref<40x128xi32, #tpu.memory_space<vmem>> -> memref<1x128xi32, #tpu.memory_space<vmem>>
          %dma_start3A_140 = tpu.memref_squeeze %dma_start3A_139 : memref<1x128xi32, #tpu.memory_space<vmem>> -> memref<128xi32, #tpu.memory_space<vmem>>
          %dma_start3A_141 = arith.constant 0 : i32
          %dma_start3A_142 = arith.constant 0 : i32
          %dma_start3A_143 = tpu.memref_slice %arg10[%dma_start3A_141, %dma_start3A_142] : memref<10240x128xf32, #tpu.memory_space<vmem_shared>> -> memref<10240x128xf32, #tpu.memory_space<vmem_shared>>
          tpu.enqueue_indirect_dma source(%arg9 : memref<128x128xf32, #tpu.memory_space<vmem>>) target(%dma_start3A_143 : memref<10240x128xf32, #tpu.memory_space<vmem_shared>>) offsets(%dma_start3A_140 : memref<128xi32, #tpu.memory_space<vmem>>) semaphore(%run_scoped3A_137 : memref<!tpu.dma_semaphore, #tpu.memory_space<semaphore_mem>>) {add = true}
          %dma_wait3A_144 = arith.constant 0 : i32
          %dma_wait3A_145 = tpu.memref_slice %arg7[%add3A_127, %dma_wait3A_144] : memref<40x128xi32, #tpu.memory_space<vmem>> -> memref<1x128xi32, #tpu.memory_space<vmem>>
          %dma_wait3A_146 = tpu.memref_squeeze %dma_wait3A_145 : memref<1x128xi32, #tpu.memory_space<vmem>> -> memref<128xi32, #tpu.memory_space<vmem>>
          %dma_wait3A_147 = arith.constant 0 : i32
          %dma_wait3A_148 = arith.constant 0 : i32
          %dma_wait3A_149 = tpu.memref_slice %arg10[%dma_wait3A_147, %dma_wait3A_148] : memref<10240x128xf32, #tpu.memory_space<vmem_shared>> -> memref<10240x128xf32, #tpu.memory_space<vmem_shared>>
          tpu.wait_indirect_dma semaphore(%run_scoped3A_137 : memref<!tpu.dma_semaphore, #tpu.memory_space<semaphore_mem>>) src(%arg9 : memref<128x128xf32, #tpu.memory_space<vmem>>) dst(%dma_wait3A_149 : memref<10240x128xf32, #tpu.memory_space<vmem_shared>>)
          tpu.yield
        }) : () -> ()
        %add3A_128 = arith.constant 3 : i32
        %add3A_129 = arith.addi %mul3A_103, %add3A_128 : i32
        %dma_start3A_130 = arith.constant 0 : i32
        %dma_start3A_131 = tpu.memref_slice %arg6[%add3A_129, %dma_start3A_130] : memref<40x128xi32, #tpu.memory_space<vmem>> -> memref<1x128xi32, #tpu.memory_space<vmem>>
        %dma_start3A_132 = tpu.memref_squeeze %dma_start3A_131 : memref<1x128xi32, #tpu.memory_space<vmem>> -> memref<128xi32, #tpu.memory_space<vmem>>
        %dma_start3A_133 = arith.constant 0 : i32
        %dma_start3A_134 = arith.constant 0 : i32
        %dma_start3A_135 = tpu.memref_slice %arg2[%dma_start3A_133, %dma_start3A_134] : memref<10240x128xf32, #tpu.memory_space<hbm>> -> memref<10240x128xf32, #tpu.memory_space<hbm>>
        tpu.enqueue_indirect_dma source(%dma_start3A_135 : memref<10240x128xf32, #tpu.memory_space<hbm>>) target(%arg9 : memref<128x128xf32, #tpu.memory_space<vmem>>) offsets(%dma_start3A_132 : memref<128xi32, #tpu.memory_space<vmem>>) semaphore(%arg12 : memref<!tpu.dma_semaphore, #tpu.memory_space<semaphore_mem>>)
        %scan3A_136 = arith.constant 0 : i32
        scf.yield %scan3A_136 : i32
      }
      %scan3A_83 = arith.constant 19 : i32
      %dma_wait3A_84 = arith.constant 0 : i32
      %dma_wait3A_85 = arith.constant 0 : i32
      %dma_wait3A_86 = tpu.memref_slice %arg6[%dma_wait3A_84, %dma_wait3A_85] : memref<40x128xi32, #tpu.memory_space<vmem>> -> memref<1x128xi32, #tpu.memory_space<vmem>>
      %dma_wait3A_87 = tpu.memref_squeeze %dma_wait3A_86 : memref<1x128xi32, #tpu.memory_space<vmem>> -> memref<128xi32, #tpu.memory_space<vmem>>
      %dma_wait3A_88 = arith.constant 0 : i32
      %dma_wait3A_89 = arith.constant 0 : i32
      %dma_wait3A_90 = tpu.memref_slice %arg2[%dma_wait3A_88, %dma_wait3A_89] : memref<10240x128xf32, #tpu.memory_space<hbm>> -> memref<10240x128xf32, #tpu.memory_space<hbm>>
      tpu.wait_indirect_dma semaphore(%arg11 : memref<!tpu.dma_semaphore, #tpu.memory_space<semaphore_mem>>) src(%dma_wait3A_90 : memref<10240x128xf32, #tpu.memory_space<hbm>>) dst(%arg8 : memref<128x128xf32, #tpu.memory_space<vmem>>)
      %run_scoped3A_91 = arith.constant 38 : i32
      "tpu.region"() ({
        %run_scoped3A_100 = tpu.sem_alloc : memref<!tpu.dma_semaphore, #tpu.memory_space<semaphore_mem>>
        %dma_start3A_101 = arith.constant 0 : i32
        %dma_start3A_102 = tpu.memref_slice %arg7[%run_scoped3A_91, %dma_start3A_101] : memref<40x128xi32, #tpu.memory_space<vmem>> -> memref<1x128xi32, #tpu.memory_space<vmem>>
        %dma_start3A_103 = tpu.memref_squeeze %dma_start3A_102 : memref<1x128xi32, #tpu.memory_space<vmem>> -> memref<128xi32, #tpu.memory_space<vmem>>
        %dma_start3A_104 = arith.constant 0 : i32
        %dma_start3A_105 = arith.constant 0 : i32
        %dma_start3A_106 = tpu.memref_slice %arg10[%dma_start3A_104, %dma_start3A_105] : memref<10240x128xf32, #tpu.memory_space<vmem_shared>> -> memref<10240x128xf32, #tpu.memory_space<vmem_shared>>
        tpu.enqueue_indirect_dma source(%arg8 : memref<128x128xf32, #tpu.memory_space<vmem>>) target(%dma_start3A_106 : memref<10240x128xf32, #tpu.memory_space<vmem_shared>>) offsets(%dma_start3A_103 : memref<128xi32, #tpu.memory_space<vmem>>) semaphore(%run_scoped3A_100 : memref<!tpu.dma_semaphore, #tpu.memory_space<semaphore_mem>>) {add = true}
        %dma_wait3A_107 = arith.constant 0 : i32
        %dma_wait3A_108 = tpu.memref_slice %arg7[%run_scoped3A_91, %dma_wait3A_107] : memref<40x128xi32, #tpu.memory_space<vmem>> -> memref<1x128xi32, #tpu.memory_space<vmem>>
        %dma_wait3A_109 = tpu.memref_squeeze %dma_wait3A_108 : memref<1x128xi32, #tpu.memory_space<vmem>> -> memref<128xi32, #tpu.memory_space<vmem>>
        %dma_wait3A_110 = arith.constant 0 : i32
        %dma_wait3A_111 = arith.constant 0 : i32
        %dma_wait3A_112 = tpu.memref_slice %arg10[%dma_wait3A_110, %dma_wait3A_111] : memref<10240x128xf32, #tpu.memory_space<vmem_shared>> -> memref<10240x128xf32, #tpu.memory_space<vmem_shared>>
        tpu.wait_indirect_dma semaphore(%run_scoped3A_100 : memref<!tpu.dma_semaphore, #tpu.memory_space<semaphore_mem>>) src(%arg8 : memref<128x128xf32, #tpu.memory_space<vmem>>) dst(%dma_wait3A_112 : memref<10240x128xf32, #tpu.memory_space<vmem_shared>>)
        tpu.yield
      }) : () -> ()
      %dma_wait3A_92 = arith.constant 0 : i32
      %dma_wait3A_93 = arith.constant 0 : i32
      %dma_wait3A_94 = tpu.memref_slice %arg6[%dma_wait3A_92, %dma_wait3A_93] : memref<40x128xi32, #tpu.memory_space<vmem>> -> memref<1x128xi32, #tpu.memory_space<vmem>>
      %dma_wait3A_95 = tpu.memref_squeeze %dma_wait3A_94 : memref<1x128xi32, #tpu.memory_space<vmem>> -> memref<128xi32, #tpu.memory_space<vmem>>
      %dma_wait3A_96 = arith.constant 0 : i32
      %dma_wait3A_97 = arith.constant 0 : i32
      %dma_wait3A_98 = tpu.memref_slice %arg2[%dma_wait3A_96, %dma_wait3A_97] : memref<10240x128xf32, #tpu.memory_space<hbm>> -> memref<10240x128xf32, #tpu.memory_space<hbm>>
      tpu.wait_indirect_dma semaphore(%arg12 : memref<!tpu.dma_semaphore, #tpu.memory_space<semaphore_mem>>) src(%dma_wait3A_98 : memref<10240x128xf32, #tpu.memory_space<hbm>>) dst(%arg9 : memref<128x128xf32, #tpu.memory_space<vmem>>)
      %run_scoped3A_99 = arith.constant 39 : i32
      "tpu.region"() ({
        %run_scoped3A_100 = tpu.sem_alloc : memref<!tpu.dma_semaphore, #tpu.memory_space<semaphore_mem>>
        %dma_start3A_101 = arith.constant 0 : i32
        %dma_start3A_102 = tpu.memref_slice %arg7[%run_scoped3A_99, %dma_start3A_101] : memref<40x128xi32, #tpu.memory_space<vmem>> -> memref<1x128xi32, #tpu.memory_space<vmem>>
        %dma_start3A_103 = tpu.memref_squeeze %dma_start3A_102 : memref<1x128xi32, #tpu.memory_space<vmem>> -> memref<128xi32, #tpu.memory_space<vmem>>
        %dma_start3A_104 = arith.constant 0 : i32
        %dma_start3A_105 = arith.constant 0 : i32
        %dma_start3A_106 = tpu.memref_slice %arg10[%dma_start3A_104, %dma_start3A_105] : memref<10240x128xf32, #tpu.memory_space<vmem_shared>> -> memref<10240x128xf32, #tpu.memory_space<vmem_shared>>
        tpu.enqueue_indirect_dma source(%arg9 : memref<128x128xf32, #tpu.memory_space<vmem>>) target(%dma_start3A_106 : memref<10240x128xf32, #tpu.memory_space<vmem_shared>>) offsets(%dma_start3A_103 : memref<128xi32, #tpu.memory_space<vmem>>) semaphore(%run_scoped3A_100 : memref<!tpu.dma_semaphore, #tpu.memory_space<semaphore_mem>>) {add = true}
        %dma_wait3A_107 = arith.constant 0 : i32
        %dma_wait3A_108 = tpu.memref_slice %arg7[%run_scoped3A_99, %dma_wait3A_107] : memref<40x128xi32, #tpu.memory_space<vmem>> -> memref<1x128xi32, #tpu.memory_space<vmem>>
        %dma_wait3A_109 = tpu.memref_squeeze %dma_wait3A_108 : memref<1x128xi32, #tpu.memory_space<vmem>> -> memref<128xi32, #tpu.memory_space<vmem>>
        %dma_wait3A_110 = arith.constant 0 : i32
        %dma_wait3A_111 = arith.constant 0 : i32
        %dma_wait3A_112 = tpu.memref_slice %arg10[%dma_wait3A_110, %dma_wait3A_111] : memref<10240x128xf32, #tpu.memory_space<vmem_shared>> -> memref<10240x128xf32, #tpu.memory_space<vmem_shared>>
        tpu.wait_indirect_dma semaphore(%run_scoped3A_100 : memref<!tpu.dma_semaphore, #tpu.memory_space<semaphore_mem>>) src(%arg9 : memref<128x128xf32, #tpu.memory_space<vmem>>) dst(%dma_wait3A_112 : memref<10240x128xf32, #tpu.memory_space<vmem_shared>>)
        tpu.yield
      }) : () -> ()
    } else {
    }
    %eq3A_15 = arith.constant 1 : i32
    %eq3A_16 = arith.cmpi eq, %arg0, %eq3A_15 : i32
    %convert_element_type3A_17 = arith.extui %eq3A_16 : i1 to i32
    %cond3A_18 = arith.constant 0 : i32
    %cond3A_19 = arith.cmpi ne, %convert_element_type3A_17, %cond3A_18 : i32
    scf.if %cond3A_19 {
      %mul3A_24 = arith.constant 80 : i32
      %mul3A_25 = arith.muli %arg1, %mul3A_24 : i32
      %add3A = arith.constant 1280 : i32
      %add3A_26 = arith.addi %add3A, %mul3A_25 : i32
      %add3A_27 = arith.constant 0 : i32
      %add3A_28 = arith.addi %add3A_26, %add3A_27 : i32
      "tpu.region"() ({
        %run_scoped3A_102 = tpu.sem_alloc : memref<!tpu.dma_semaphore, #tpu.memory_space<semaphore_mem>>
        %dma_start3A_103 = arith.constant 0 : i32
        %dma_start3A_104 = tpu.memref_slice %arg3[%add3A_28, %dma_start3A_103] : memref<2560x128xi32, #tpu.memory_space<hbm>> -> memref<40x128xi32, #tpu.memory_space<hbm>>
        %dma_start3A_105 = arith.constant 0 : i32
        %dma_start3A_106 = tpu.memref_slice %arg3[%add3A_28, %dma_start3A_105] : memref<2560x128xi32, #tpu.memory_space<hbm>> -> memref<40x128xi32, #tpu.memory_space<hbm>>
        tpu.enqueue_dma source(%dma_start3A_106 : memref<40x128xi32, #tpu.memory_space<hbm>>) target(%arg6 : memref<40x128xi32, #tpu.memory_space<vmem>>) target_semaphore(%run_scoped3A_102 : memref<!tpu.dma_semaphore, #tpu.memory_space<semaphore_mem>>)
        %dma_wait3A_107 = arith.constant 0 : i32
        %dma_wait3A_108 = tpu.memref_slice %arg3[%add3A_28, %dma_wait3A_107] : memref<2560x128xi32, #tpu.memory_space<hbm>> -> memref<40x128xi32, #tpu.memory_space<hbm>>
        %dma_wait3A_109 = arith.constant 0 : i32
        %dma_wait3A_110 = tpu.memref_slice %arg3[%add3A_28, %dma_wait3A_109] : memref<2560x128xi32, #tpu.memory_space<hbm>> -> memref<40x128xi32, #tpu.memory_space<hbm>>
        tpu.wait_dma2 semaphore(%run_scoped3A_102 : memref<!tpu.dma_semaphore, #tpu.memory_space<semaphore_mem>>) src(%dma_wait3A_110 : memref<40x128xi32, #tpu.memory_space<hbm>>) dst(%arg6 : memref<40x128xi32, #tpu.memory_space<vmem>>)
        tpu.yield
      }) : () -> ()
      "tpu.region"() ({
        %run_scoped3A_102 = tpu.sem_alloc : memref<!tpu.dma_semaphore, #tpu.memory_space<semaphore_mem>>
        %dma_start3A_103 = arith.constant 0 : i32
        %dma_start3A_104 = tpu.memref_slice %arg4[%add3A_28, %dma_start3A_103] : memref<2560x128xi32, #tpu.memory_space<hbm>> -> memref<40x128xi32, #tpu.memory_space<hbm>>
        %dma_start3A_105 = arith.constant 0 : i32
        %dma_start3A_106 = tpu.memref_slice %arg4[%add3A_28, %dma_start3A_105] : memref<2560x128xi32, #tpu.memory_space<hbm>> -> memref<40x128xi32, #tpu.memory_space<hbm>>
        tpu.enqueue_dma source(%dma_start3A_106 : memref<40x128xi32, #tpu.memory_space<hbm>>) target(%arg7 : memref<40x128xi32, #tpu.memory_space<vmem>>) target_semaphore(%run_scoped3A_102 : memref<!tpu.dma_semaphore, #tpu.memory_space<semaphore_mem>>)
        %dma_wait3A_107 = arith.constant 0 : i32
        %dma_wait3A_108 = tpu.memref_slice %arg4[%add3A_28, %dma_wait3A_107] : memref<2560x128xi32, #tpu.memory_space<hbm>> -> memref<40x128xi32, #tpu.memory_space<hbm>>
        %dma_wait3A_109 = arith.constant 0 : i32
        %dma_wait3A_110 = tpu.memref_slice %arg4[%add3A_28, %dma_wait3A_109] : memref<2560x128xi32, #tpu.memory_space<hbm>> -> memref<40x128xi32, #tpu.memory_space<hbm>>
        tpu.wait_dma2 semaphore(%run_scoped3A_102 : memref<!tpu.dma_semaphore, #tpu.memory_space<semaphore_mem>>) src(%dma_wait3A_110 : memref<40x128xi32, #tpu.memory_space<hbm>>) dst(%arg7 : memref<40x128xi32, #tpu.memory_space<vmem>>)
        tpu.yield
      }) : () -> ()
      %dma_start3A = arith.constant 0 : i32
      %dma_start3A_29 = arith.constant 0 : i32
      %dma_start3A_30 = tpu.memref_slice %arg6[%dma_start3A, %dma_start3A_29] : memref<40x128xi32, #tpu.memory_space<vmem>> -> memref<1x128xi32, #tpu.memory_space<vmem>>
      %dma_start3A_31 = tpu.memref_squeeze %dma_start3A_30 : memref<1x128xi32, #tpu.memory_space<vmem>> -> memref<128xi32, #tpu.memory_space<vmem>>
      %dma_start3A_32 = arith.constant 0 : i32
      %dma_start3A_33 = arith.constant 0 : i32
      %dma_start3A_34 = tpu.memref_slice %arg2[%dma_start3A_32, %dma_start3A_33] : memref<10240x128xf32, #tpu.memory_space<hbm>> -> memref<10240x128xf32, #tpu.memory_space<hbm>>
      tpu.enqueue_indirect_dma source(%dma_start3A_34 : memref<10240x128xf32, #tpu.memory_space<hbm>>) target(%arg8 : memref<128x128xf32, #tpu.memory_space<vmem>>) offsets(%dma_start3A_31 : memref<128xi32, #tpu.memory_space<vmem>>) semaphore(%arg11 : memref<!tpu.dma_semaphore, #tpu.memory_space<semaphore_mem>>)
      %dma_start3A_35 = arith.constant 1 : i32
      %dma_start3A_36 = arith.constant 0 : i32
      %dma_start3A_37 = tpu.memref_slice %arg6[%dma_start3A_35, %dma_start3A_36] : memref<40x128xi32, #tpu.memory_space<vmem>> -> memref<1x128xi32, #tpu.memory_space<vmem>>
      %dma_start3A_38 = tpu.memref_squeeze %dma_start3A_37 : memref<1x128xi32, #tpu.memory_space<vmem>> -> memref<128xi32, #tpu.memory_space<vmem>>
      %dma_start3A_39 = arith.constant 0 : i32
      %dma_start3A_40 = arith.constant 0 : i32
      %dma_start3A_41 = tpu.memref_slice %arg2[%dma_start3A_39, %dma_start3A_40] : memref<10240x128xf32, #tpu.memory_space<hbm>> -> memref<10240x128xf32, #tpu.memory_space<hbm>>
      tpu.enqueue_indirect_dma source(%dma_start3A_41 : memref<10240x128xf32, #tpu.memory_space<hbm>>) target(%arg9 : memref<128x128xf32, #tpu.memory_space<vmem>>) offsets(%dma_start3A_38 : memref<128xi32, #tpu.memory_space<vmem>>) semaphore(%arg12 : memref<!tpu.dma_semaphore, #tpu.memory_space<semaphore_mem>>)
      %scan3A_42 = arith.constant 0 : i32
      %scan3A_43 = arith.constant 0 : i32
      %scan3A_44 = arith.constant 19 : i32
      %scan3A_45 = arith.addi %scan3A_43, %scan3A_44 : i32
      %scan3A_46 = arith.constant 1 : i32
      %scan3A_47 = scf.for %scan3A_102 = %scan3A_43 to %scan3A_45 step %scan3A_46 iter_args(%scan3A_103 = %scan3A_42) -> (i32)  : i32 {
        %mul3A_104 = arith.constant 2 : i32
        %mul3A_105 = arith.muli %mul3A_104, %scan3A_102 : i32
        %dma_wait3A_106 = arith.constant 0 : i32
        %dma_wait3A_107 = tpu.memref_slice %arg6[%mul3A_105, %dma_wait3A_106] : memref<40x128xi32, #tpu.memory_space<vmem>> -> memref<1x128xi32, #tpu.memory_space<vmem>>
        %dma_wait3A_108 = tpu.memref_squeeze %dma_wait3A_107 : memref<1x128xi32, #tpu.memory_space<vmem>> -> memref<128xi32, #tpu.memory_space<vmem>>
        %dma_wait3A_109 = arith.constant 0 : i32
        %dma_wait3A_110 = arith.constant 0 : i32
        %dma_wait3A_111 = tpu.memref_slice %arg2[%dma_wait3A_109, %dma_wait3A_110] : memref<10240x128xf32, #tpu.memory_space<hbm>> -> memref<10240x128xf32, #tpu.memory_space<hbm>>
        tpu.wait_indirect_dma semaphore(%arg11 : memref<!tpu.dma_semaphore, #tpu.memory_space<semaphore_mem>>) src(%dma_wait3A_111 : memref<10240x128xf32, #tpu.memory_space<hbm>>) dst(%arg8 : memref<128x128xf32, #tpu.memory_space<vmem>>)
        "tpu.region"() ({
          %run_scoped3A_139 = tpu.sem_alloc : memref<!tpu.dma_semaphore, #tpu.memory_space<semaphore_mem>>
          %dma_start3A_140 = arith.constant 0 : i32
          %dma_start3A_141 = tpu.memref_slice %arg7[%mul3A_105, %dma_start3A_140] : memref<40x128xi32, #tpu.memory_space<vmem>> -> memref<1x128xi32, #tpu.memory_space<vmem>>
          %dma_start3A_142 = tpu.memref_squeeze %dma_start3A_141 : memref<1x128xi32, #tpu.memory_space<vmem>> -> memref<128xi32, #tpu.memory_space<vmem>>
          %dma_start3A_143 = arith.constant 0 : i32
          %dma_start3A_144 = arith.constant 0 : i32
          %dma_start3A_145 = tpu.memref_slice %arg10[%dma_start3A_143, %dma_start3A_144] : memref<10240x128xf32, #tpu.memory_space<vmem_shared>> -> memref<10240x128xf32, #tpu.memory_space<vmem_shared>>
          tpu.enqueue_indirect_dma source(%arg8 : memref<128x128xf32, #tpu.memory_space<vmem>>) target(%dma_start3A_145 : memref<10240x128xf32, #tpu.memory_space<vmem_shared>>) offsets(%dma_start3A_142 : memref<128xi32, #tpu.memory_space<vmem>>) semaphore(%run_scoped3A_139 : memref<!tpu.dma_semaphore, #tpu.memory_space<semaphore_mem>>) {add = true}
          %dma_wait3A_146 = arith.constant 0 : i32
          %dma_wait3A_147 = tpu.memref_slice %arg7[%mul3A_105, %dma_wait3A_146] : memref<40x128xi32, #tpu.memory_space<vmem>> -> memref<1x128xi32, #tpu.memory_space<vmem>>
          %dma_wait3A_148 = tpu.memref_squeeze %dma_wait3A_147 : memref<1x128xi32, #tpu.memory_space<vmem>> -> memref<128xi32, #tpu.memory_space<vmem>>
          %dma_wait3A_149 = arith.constant 0 : i32
          %dma_wait3A_150 = arith.constant 0 : i32
          %dma_wait3A_151 = tpu.memref_slice %arg10[%dma_wait3A_149, %dma_wait3A_150] : memref<10240x128xf32, #tpu.memory_space<vmem_shared>> -> memref<10240x128xf32, #tpu.memory_space<vmem_shared>>
          tpu.wait_indirect_dma semaphore(%run_scoped3A_139 : memref<!tpu.dma_semaphore, #tpu.memory_space<semaphore_mem>>) src(%arg8 : memref<128x128xf32, #tpu.memory_space<vmem>>) dst(%dma_wait3A_151 : memref<10240x128xf32, #tpu.memory_space<vmem_shared>>)
          tpu.yield
        }) : () -> ()
        %add3A_112 = arith.constant 2 : i32
        %add3A_113 = arith.addi %mul3A_105, %add3A_112 : i32
        %dma_start3A_114 = arith.constant 0 : i32
        %dma_start3A_115 = tpu.memref_slice %arg6[%add3A_113, %dma_start3A_114] : memref<40x128xi32, #tpu.memory_space<vmem>> -> memref<1x128xi32, #tpu.memory_space<vmem>>
        %dma_start3A_116 = tpu.memref_squeeze %dma_start3A_115 : memref<1x128xi32, #tpu.memory_space<vmem>> -> memref<128xi32, #tpu.memory_space<vmem>>
        %dma_start3A_117 = arith.constant 0 : i32
        %dma_start3A_118 = arith.constant 0 : i32
        %dma_start3A_119 = tpu.memref_slice %arg2[%dma_start3A_117, %dma_start3A_118] : memref<10240x128xf32, #tpu.memory_space<hbm>> -> memref<10240x128xf32, #tpu.memory_space<hbm>>
        tpu.enqueue_indirect_dma source(%dma_start3A_119 : memref<10240x128xf32, #tpu.memory_space<hbm>>) target(%arg8 : memref<128x128xf32, #tpu.memory_space<vmem>>) offsets(%dma_start3A_116 : memref<128xi32, #tpu.memory_space<vmem>>) semaphore(%arg11 : memref<!tpu.dma_semaphore, #tpu.memory_space<semaphore_mem>>)
        %add3A_120 = arith.constant 1 : i32
        %add3A_121 = arith.addi %mul3A_105, %add3A_120 : i32
        %dma_wait3A_122 = arith.constant 0 : i32
        %dma_wait3A_123 = tpu.memref_slice %arg6[%add3A_121, %dma_wait3A_122] : memref<40x128xi32, #tpu.memory_space<vmem>> -> memref<1x128xi32, #tpu.memory_space<vmem>>
        %dma_wait3A_124 = tpu.memref_squeeze %dma_wait3A_123 : memref<1x128xi32, #tpu.memory_space<vmem>> -> memref<128xi32, #tpu.memory_space<vmem>>
        %dma_wait3A_125 = arith.constant 0 : i32
        %dma_wait3A_126 = arith.constant 0 : i32
        %dma_wait3A_127 = tpu.memref_slice %arg2[%dma_wait3A_125, %dma_wait3A_126] : memref<10240x128xf32, #tpu.memory_space<hbm>> -> memref<10240x128xf32, #tpu.memory_space<hbm>>
        tpu.wait_indirect_dma semaphore(%arg12 : memref<!tpu.dma_semaphore, #tpu.memory_space<semaphore_mem>>) src(%dma_wait3A_127 : memref<10240x128xf32, #tpu.memory_space<hbm>>) dst(%arg9 : memref<128x128xf32, #tpu.memory_space<vmem>>)
        %add3A_128 = arith.constant 1 : i32
        %add3A_129 = arith.addi %mul3A_105, %add3A_128 : i32
        "tpu.region"() ({
          %run_scoped3A_139 = tpu.sem_alloc : memref<!tpu.dma_semaphore, #tpu.memory_space<semaphore_mem>>
          %dma_start3A_140 = arith.constant 0 : i32
          %dma_start3A_141 = tpu.memref_slice %arg7[%add3A_129, %dma_start3A_140] : memref<40x128xi32, #tpu.memory_space<vmem>> -> memref<1x128xi32, #tpu.memory_space<vmem>>
          %dma_start3A_142 = tpu.memref_squeeze %dma_start3A_141 : memref<1x128xi32, #tpu.memory_space<vmem>> -> memref<128xi32, #tpu.memory_space<vmem>>
          %dma_start3A_143 = arith.constant 0 : i32
          %dma_start3A_144 = arith.constant 0 : i32
          %dma_start3A_145 = tpu.memref_slice %arg10[%dma_start3A_143, %dma_start3A_144] : memref<10240x128xf32, #tpu.memory_space<vmem_shared>> -> memref<10240x128xf32, #tpu.memory_space<vmem_shared>>
          tpu.enqueue_indirect_dma source(%arg9 : memref<128x128xf32, #tpu.memory_space<vmem>>) target(%dma_start3A_145 : memref<10240x128xf32, #tpu.memory_space<vmem_shared>>) offsets(%dma_start3A_142 : memref<128xi32, #tpu.memory_space<vmem>>) semaphore(%run_scoped3A_139 : memref<!tpu.dma_semaphore, #tpu.memory_space<semaphore_mem>>) {add = true}
          %dma_wait3A_146 = arith.constant 0 : i32
          %dma_wait3A_147 = tpu.memref_slice %arg7[%add3A_129, %dma_wait3A_146] : memref<40x128xi32, #tpu.memory_space<vmem>> -> memref<1x128xi32, #tpu.memory_space<vmem>>
          %dma_wait3A_148 = tpu.memref_squeeze %dma_wait3A_147 : memref<1x128xi32, #tpu.memory_space<vmem>> -> memref<128xi32, #tpu.memory_space<vmem>>
          %dma_wait3A_149 = arith.constant 0 : i32
          %dma_wait3A_150 = arith.constant 0 : i32
          %dma_wait3A_151 = tpu.memref_slice %arg10[%dma_wait3A_149, %dma_wait3A_150] : memref<10240x128xf32, #tpu.memory_space<vmem_shared>> -> memref<10240x128xf32, #tpu.memory_space<vmem_shared>>
          tpu.wait_indirect_dma semaphore(%run_scoped3A_139 : memref<!tpu.dma_semaphore, #tpu.memory_space<semaphore_mem>>) src(%arg9 : memref<128x128xf32, #tpu.memory_space<vmem>>) dst(%dma_wait3A_151 : memref<10240x128xf32, #tpu.memory_space<vmem_shared>>)
          tpu.yield
        }) : () -> ()
        %add3A_130 = arith.constant 3 : i32
        %add3A_131 = arith.addi %mul3A_105, %add3A_130 : i32
        %dma_start3A_132 = arith.constant 0 : i32
        %dma_start3A_133 = tpu.memref_slice %arg6[%add3A_131, %dma_start3A_132] : memref<40x128xi32, #tpu.memory_space<vmem>> -> memref<1x128xi32, #tpu.memory_space<vmem>>
        %dma_start3A_134 = tpu.memref_squeeze %dma_start3A_133 : memref<1x128xi32, #tpu.memory_space<vmem>> -> memref<128xi32, #tpu.memory_space<vmem>>
        %dma_start3A_135 = arith.constant 0 : i32
        %dma_start3A_136 = arith.constant 0 : i32
        %dma_start3A_137 = tpu.memref_slice %arg2[%dma_start3A_135, %dma_start3A_136] : memref<10240x128xf32, #tpu.memory_space<hbm>> -> memref<10240x128xf32, #tpu.memory_space<hbm>>
        tpu.enqueue_indirect_dma source(%dma_start3A_137 : memref<10240x128xf32, #tpu.memory_space<hbm>>) target(%arg9 : memref<128x128xf32, #tpu.memory_space<vmem>>) offsets(%dma_start3A_134 : memref<128xi32, #tpu.memory_space<vmem>>) semaphore(%arg12 : memref<!tpu.dma_semaphore, #tpu.memory_space<semaphore_mem>>)
        %scan3A_138 = arith.constant 0 : i32
        scf.yield %scan3A_138 : i32
      }
      %scan3A_48 = arith.constant 19 : i32
      %dma_wait3A = arith.constant 0 : i32
      %dma_wait3A_49 = arith.constant 0 : i32
      %dma_wait3A_50 = tpu.memref_slice %arg6[%dma_wait3A, %dma_wait3A_49] : memref<40x128xi32, #tpu.memory_space<vmem>> -> memref<1x128xi32, #tpu.memory_space<vmem>>
      %dma_wait3A_51 = tpu.memref_squeeze %dma_wait3A_50 : memref<1x128xi32, #tpu.memory_space<vmem>> -> memref<128xi32, #tpu.memory_space<vmem>>
      %dma_wait3A_52 = arith.constant 0 : i32
      %dma_wait3A_53 = arith.constant 0 : i32
      %dma_wait3A_54 = tpu.memref_slice %arg2[%dma_wait3A_52, %dma_wait3A_53] : memref<10240x128xf32, #tpu.memory_space<hbm>> -> memref<10240x128xf32, #tpu.memory_space<hbm>>
      tpu.wait_indirect_dma semaphore(%arg11 : memref<!tpu.dma_semaphore, #tpu.memory_space<semaphore_mem>>) src(%dma_wait3A_54 : memref<10240x128xf32, #tpu.memory_space<hbm>>) dst(%arg8 : memref<128x128xf32, #tpu.memory_space<vmem>>)
      %run_scoped3A = arith.constant 38 : i32
      "tpu.region"() ({
        %run_scoped3A_102 = tpu.sem_alloc : memref<!tpu.dma_semaphore, #tpu.memory_space<semaphore_mem>>
        %dma_start3A_103 = arith.constant 0 : i32
        %dma_start3A_104 = tpu.memref_slice %arg7[%run_scoped3A, %dma_start3A_103] : memref<40x128xi32, #tpu.memory_space<vmem>> -> memref<1x128xi32, #tpu.memory_space<vmem>>
        %dma_start3A_105 = tpu.memref_squeeze %dma_start3A_104 : memref<1x128xi32, #tpu.memory_space<vmem>> -> memref<128xi32, #tpu.memory_space<vmem>>
        %dma_start3A_106 = arith.constant 0 : i32
        %dma_start3A_107 = arith.constant 0 : i32
        %dma_start3A_108 = tpu.memref_slice %arg10[%dma_start3A_106, %dma_start3A_107] : memref<10240x128xf32, #tpu.memory_space<vmem_shared>> -> memref<10240x128xf32, #tpu.memory_space<vmem_shared>>
        tpu.enqueue_indirect_dma source(%arg8 : memref<128x128xf32, #tpu.memory_space<vmem>>) target(%dma_start3A_108 : memref<10240x128xf32, #tpu.memory_space<vmem_shared>>) offsets(%dma_start3A_105 : memref<128xi32, #tpu.memory_space<vmem>>) semaphore(%run_scoped3A_102 : memref<!tpu.dma_semaphore, #tpu.memory_space<semaphore_mem>>) {add = true}
        %dma_wait3A_109 = arith.constant 0 : i32
        %dma_wait3A_110 = tpu.memref_slice %arg7[%run_scoped3A, %dma_wait3A_109] : memref<40x128xi32, #tpu.memory_space<vmem>> -> memref<1x128xi32, #tpu.memory_space<vmem>>
        %dma_wait3A_111 = tpu.memref_squeeze %dma_wait3A_110 : memref<1x128xi32, #tpu.memory_space<vmem>> -> memref<128xi32, #tpu.memory_space<vmem>>
        %dma_wait3A_112 = arith.constant 0 : i32
        %dma_wait3A_113 = arith.constant 0 : i32
        %dma_wait3A_114 = tpu.memref_slice %arg10[%dma_wait3A_112, %dma_wait3A_113] : memref<10240x128xf32, #tpu.memory_space<vmem_shared>> -> memref<10240x128xf32, #tpu.memory_space<vmem_shared>>
        tpu.wait_indirect_dma semaphore(%run_scoped3A_102 : memref<!tpu.dma_semaphore, #tpu.memory_space<semaphore_mem>>) src(%arg8 : memref<128x128xf32, #tpu.memory_space<vmem>>) dst(%dma_wait3A_114 : memref<10240x128xf32, #tpu.memory_space<vmem_shared>>)
        tpu.yield
      }) : () -> ()
      %dma_wait3A_55 = arith.constant 0 : i32
      %dma_wait3A_56 = arith.constant 0 : i32
      %dma_wait3A_57 = tpu.memref_slice %arg6[%dma_wait3A_55, %dma_wait3A_56] : memref<40x128xi32, #tpu.memory_space<vmem>> -> memref<1x128xi32, #tpu.memory_space<vmem>>
      %dma_wait3A_58 = tpu.memref_squeeze %dma_wait3A_57 : memref<1x128xi32, #tpu.memory_space<vmem>> -> memref<128xi32, #tpu.memory_space<vmem>>
      %dma_wait3A_59 = arith.constant 0 : i32
      %dma_wait3A_60 = arith.constant 0 : i32
      %dma_wait3A_61 = tpu.memref_slice %arg2[%dma_wait3A_59, %dma_wait3A_60] : memref<10240x128xf32, #tpu.memory_space<hbm>> -> memref<10240x128xf32, #tpu.memory_space<hbm>>
      tpu.wait_indirect_dma semaphore(%arg12 : memref<!tpu.dma_semaphore, #tpu.memory_space<semaphore_mem>>) src(%dma_wait3A_61 : memref<10240x128xf32, #tpu.memory_space<hbm>>) dst(%arg9 : memref<128x128xf32, #tpu.memory_space<vmem>>)
      %run_scoped3A_62 = arith.constant 39 : i32
      "tpu.region"() ({
        %run_scoped3A_102 = tpu.sem_alloc : memref<!tpu.dma_semaphore, #tpu.memory_space<semaphore_mem>>
        %dma_start3A_103 = arith.constant 0 : i32
        %dma_start3A_104 = tpu.memref_slice %arg7[%run_scoped3A_62, %dma_start3A_103] : memref<40x128xi32, #tpu.memory_space<vmem>> -> memref<1x128xi32, #tpu.memory_space<vmem>>
        %dma_start3A_105 = tpu.memref_squeeze %dma_start3A_104 : memref<1x128xi32, #tpu.memory_space<vmem>> -> memref<128xi32, #tpu.memory_space<vmem>>
        %dma_start3A_106 = arith.constant 0 : i32
        %dma_start3A_107 = arith.constant 0 : i32
        %dma_start3A_108 = tpu.memref_slice %arg10[%dma_start3A_106, %dma_start3A_107] : memref<10240x128xf32, #tpu.memory_space<vmem_shared>> -> memref<10240x128xf32, #tpu.memory_space<vmem_shared>>
        tpu.enqueue_indirect_dma source(%arg9 : memref<128x128xf32, #tpu.memory_space<vmem>>) target(%dma_start3A_108 : memref<10240x128xf32, #tpu.memory_space<vmem_shared>>) offsets(%dma_start3A_105 : memref<128xi32, #tpu.memory_space<vmem>>) semaphore(%run_scoped3A_102 : memref<!tpu.dma_semaphore, #tpu.memory_space<semaphore_mem>>) {add = true}
        %dma_wait3A_109 = arith.constant 0 : i32
        %dma_wait3A_110 = tpu.memref_slice %arg7[%run_scoped3A_62, %dma_wait3A_109] : memref<40x128xi32, #tpu.memory_space<vmem>> -> memref<1x128xi32, #tpu.memory_space<vmem>>
        %dma_wait3A_111 = tpu.memref_squeeze %dma_wait3A_110 : memref<1x128xi32, #tpu.memory_space<vmem>> -> memref<128xi32, #tpu.memory_space<vmem>>
        %dma_wait3A_112 = arith.constant 0 : i32
        %dma_wait3A_113 = arith.constant 0 : i32
        %dma_wait3A_114 = tpu.memref_slice %arg10[%dma_wait3A_112, %dma_wait3A_113] : memref<10240x128xf32, #tpu.memory_space<vmem_shared>> -> memref<10240x128xf32, #tpu.memory_space<vmem_shared>>
        tpu.wait_indirect_dma semaphore(%run_scoped3A_102 : memref<!tpu.dma_semaphore, #tpu.memory_space<semaphore_mem>>) src(%arg9 : memref<128x128xf32, #tpu.memory_space<vmem>>) dst(%dma_wait3A_114 : memref<10240x128xf32, #tpu.memory_space<vmem_shared>>)
        tpu.yield
      }) : () -> ()
      %add3A_63 = arith.constant 40 : i32
      %add3A_64 = arith.addi %add3A_26, %add3A_63 : i32
      "tpu.region"() ({
        %run_scoped3A_102 = tpu.sem_alloc : memref<!tpu.dma_semaphore, #tpu.memory_space<semaphore_mem>>
        %dma_start3A_103 = arith.constant 0 : i32
        %dma_start3A_104 = tpu.memref_slice %arg3[%add3A_64, %dma_start3A_103] : memref<2560x128xi32, #tpu.memory_space<hbm>> -> memref<40x128xi32, #tpu.memory_space<hbm>>
        %dma_start3A_105 = arith.constant 0 : i32
        %dma_start3A_106 = tpu.memref_slice %arg3[%add3A_64, %dma_start3A_105] : memref<2560x128xi32, #tpu.memory_space<hbm>> -> memref<40x128xi32, #tpu.memory_space<hbm>>
        tpu.enqueue_dma source(%dma_start3A_106 : memref<40x128xi32, #tpu.memory_space<hbm>>) target(%arg6 : memref<40x128xi32, #tpu.memory_space<vmem>>) target_semaphore(%run_scoped3A_102 : memref<!tpu.dma_semaphore, #tpu.memory_space<semaphore_mem>>)
        %dma_wait3A_107 = arith.constant 0 : i32
        %dma_wait3A_108 = tpu.memref_slice %arg3[%add3A_64, %dma_wait3A_107] : memref<2560x128xi32, #tpu.memory_space<hbm>> -> memref<40x128xi32, #tpu.memory_space<hbm>>
        %dma_wait3A_109 = arith.constant 0 : i32
        %dma_wait3A_110 = tpu.memref_slice %arg3[%add3A_64, %dma_wait3A_109] : memref<2560x128xi32, #tpu.memory_space<hbm>> -> memref<40x128xi32, #tpu.memory_space<hbm>>
        tpu.wait_dma2 semaphore(%run_scoped3A_102 : memref<!tpu.dma_semaphore, #tpu.memory_space<semaphore_mem>>) src(%dma_wait3A_110 : memref<40x128xi32, #tpu.memory_space<hbm>>) dst(%arg6 : memref<40x128xi32, #tpu.memory_space<vmem>>)
        tpu.yield
      }) : () -> ()
      "tpu.region"() ({
        %run_scoped3A_102 = tpu.sem_alloc : memref<!tpu.dma_semaphore, #tpu.memory_space<semaphore_mem>>
        %dma_start3A_103 = arith.constant 0 : i32
        %dma_start3A_104 = tpu.memref_slice %arg4[%add3A_64, %dma_start3A_103] : memref<2560x128xi32, #tpu.memory_space<hbm>> -> memref<40x128xi32, #tpu.memory_space<hbm>>
        %dma_start3A_105 = arith.constant 0 : i32
        %dma_start3A_106 = tpu.memref_slice %arg4[%add3A_64, %dma_start3A_105] : memref<2560x128xi32, #tpu.memory_space<hbm>> -> memref<40x128xi32, #tpu.memory_space<hbm>>
        tpu.enqueue_dma source(%dma_start3A_106 : memref<40x128xi32, #tpu.memory_space<hbm>>) target(%arg7 : memref<40x128xi32, #tpu.memory_space<vmem>>) target_semaphore(%run_scoped3A_102 : memref<!tpu.dma_semaphore, #tpu.memory_space<semaphore_mem>>)
        %dma_wait3A_107 = arith.constant 0 : i32
        %dma_wait3A_108 = tpu.memref_slice %arg4[%add3A_64, %dma_wait3A_107] : memref<2560x128xi32, #tpu.memory_space<hbm>> -> memref<40x128xi32, #tpu.memory_space<hbm>>
        %dma_wait3A_109 = arith.constant 0 : i32
        %dma_wait3A_110 = tpu.memref_slice %arg4[%add3A_64, %dma_wait3A_109] : memref<2560x128xi32, #tpu.memory_space<hbm>> -> memref<40x128xi32, #tpu.memory_space<hbm>>
        tpu.wait_dma2 semaphore(%run_scoped3A_102 : memref<!tpu.dma_semaphore, #tpu.memory_space<semaphore_mem>>) src(%dma_wait3A_110 : memref<40x128xi32, #tpu.memory_space<hbm>>) dst(%arg7 : memref<40x128xi32, #tpu.memory_space<vmem>>)
        tpu.yield
      }) : () -> ()
      %dma_start3A_65 = arith.constant 0 : i32
      %dma_start3A_66 = arith.constant 0 : i32
      %dma_start3A_67 = tpu.memref_slice %arg6[%dma_start3A_65, %dma_start3A_66] : memref<40x128xi32, #tpu.memory_space<vmem>> -> memref<1x128xi32, #tpu.memory_space<vmem>>
      %dma_start3A_68 = tpu.memref_squeeze %dma_start3A_67 : memref<1x128xi32, #tpu.memory_space<vmem>> -> memref<128xi32, #tpu.memory_space<vmem>>
      %dma_start3A_69 = arith.constant 0 : i32
      %dma_start3A_70 = arith.constant 0 : i32
      %dma_start3A_71 = tpu.memref_slice %arg2[%dma_start3A_69, %dma_start3A_70] : memref<10240x128xf32, #tpu.memory_space<hbm>> -> memref<10240x128xf32, #tpu.memory_space<hbm>>
      tpu.enqueue_indirect_dma source(%dma_start3A_71 : memref<10240x128xf32, #tpu.memory_space<hbm>>) target(%arg8 : memref<128x128xf32, #tpu.memory_space<vmem>>) offsets(%dma_start3A_68 : memref<128xi32, #tpu.memory_space<vmem>>) semaphore(%arg11 : memref<!tpu.dma_semaphore, #tpu.memory_space<semaphore_mem>>)
      %dma_start3A_72 = arith.constant 1 : i32
      %dma_start3A_73 = arith.constant 0 : i32
      %dma_start3A_74 = tpu.memref_slice %arg6[%dma_start3A_72, %dma_start3A_73] : memref<40x128xi32, #tpu.memory_space<vmem>> -> memref<1x128xi32, #tpu.memory_space<vmem>>
      %dma_start3A_75 = tpu.memref_squeeze %dma_start3A_74 : memref<1x128xi32, #tpu.memory_space<vmem>> -> memref<128xi32, #tpu.memory_space<vmem>>
      %dma_start3A_76 = arith.constant 0 : i32
      %dma_start3A_77 = arith.constant 0 : i32
      %dma_start3A_78 = tpu.memref_slice %arg2[%dma_start3A_76, %dma_start3A_77] : memref<10240x128xf32, #tpu.memory_space<hbm>> -> memref<10240x128xf32, #tpu.memory_space<hbm>>
      tpu.enqueue_indirect_dma source(%dma_start3A_78 : memref<10240x128xf32, #tpu.memory_space<hbm>>) target(%arg9 : memref<128x128xf32, #tpu.memory_space<vmem>>) offsets(%dma_start3A_75 : memref<128xi32, #tpu.memory_space<vmem>>) semaphore(%arg12 : memref<!tpu.dma_semaphore, #tpu.memory_space<semaphore_mem>>)
      %scan3A_79 = arith.constant 0 : i32
      %scan3A_80 = arith.constant 0 : i32
      %scan3A_81 = arith.constant 19 : i32
      %scan3A_82 = arith.addi %scan3A_80, %scan3A_81 : i32
      %scan3A_83 = arith.constant 1 : i32
      %scan3A_84 = scf.for %scan3A_102 = %scan3A_80 to %scan3A_82 step %scan3A_83 iter_args(%scan3A_103 = %scan3A_79) -> (i32)  : i32 {
        %mul3A_104 = arith.constant 2 : i32
        %mul3A_105 = arith.muli %mul3A_104, %scan3A_102 : i32
        %dma_wait3A_106 = arith.constant 0 : i32
        %dma_wait3A_107 = tpu.memref_slice %arg6[%mul3A_105, %dma_wait3A_106] : memref<40x128xi32, #tpu.memory_space<vmem>> -> memref<1x128xi32, #tpu.memory_space<vmem>>
        %dma_wait3A_108 = tpu.memref_squeeze %dma_wait3A_107 : memref<1x128xi32, #tpu.memory_space<vmem>> -> memref<128xi32, #tpu.memory_space<vmem>>
        %dma_wait3A_109 = arith.constant 0 : i32
        %dma_wait3A_110 = arith.constant 0 : i32
        %dma_wait3A_111 = tpu.memref_slice %arg2[%dma_wait3A_109, %dma_wait3A_110] : memref<10240x128xf32, #tpu.memory_space<hbm>> -> memref<10240x128xf32, #tpu.memory_space<hbm>>
        tpu.wait_indirect_dma semaphore(%arg11 : memref<!tpu.dma_semaphore, #tpu.memory_space<semaphore_mem>>) src(%dma_wait3A_111 : memref<10240x128xf32, #tpu.memory_space<hbm>>) dst(%arg8 : memref<128x128xf32, #tpu.memory_space<vmem>>)
        "tpu.region"() ({
          %run_scoped3A_139 = tpu.sem_alloc : memref<!tpu.dma_semaphore, #tpu.memory_space<semaphore_mem>>
          %dma_start3A_140 = arith.constant 0 : i32
          %dma_start3A_141 = tpu.memref_slice %arg7[%mul3A_105, %dma_start3A_140] : memref<40x128xi32, #tpu.memory_space<vmem>> -> memref<1x128xi32, #tpu.memory_space<vmem>>
          %dma_start3A_142 = tpu.memref_squeeze %dma_start3A_141 : memref<1x128xi32, #tpu.memory_space<vmem>> -> memref<128xi32, #tpu.memory_space<vmem>>
          %dma_start3A_143 = arith.constant 0 : i32
          %dma_start3A_144 = arith.constant 0 : i32
          %dma_start3A_145 = tpu.memref_slice %arg10[%dma_start3A_143, %dma_start3A_144] : memref<10240x128xf32, #tpu.memory_space<vmem_shared>> -> memref<10240x128xf32, #tpu.memory_space<vmem_shared>>
          tpu.enqueue_indirect_dma source(%arg8 : memref<128x128xf32, #tpu.memory_space<vmem>>) target(%dma_start3A_145 : memref<10240x128xf32, #tpu.memory_space<vmem_shared>>) offsets(%dma_start3A_142 : memref<128xi32, #tpu.memory_space<vmem>>) semaphore(%run_scoped3A_139 : memref<!tpu.dma_semaphore, #tpu.memory_space<semaphore_mem>>) {add = true}
          %dma_wait3A_146 = arith.constant 0 : i32
          %dma_wait3A_147 = tpu.memref_slice %arg7[%mul3A_105, %dma_wait3A_146] : memref<40x128xi32, #tpu.memory_space<vmem>> -> memref<1x128xi32, #tpu.memory_space<vmem>>
          %dma_wait3A_148 = tpu.memref_squeeze %dma_wait3A_147 : memref<1x128xi32, #tpu.memory_space<vmem>> -> memref<128xi32, #tpu.memory_space<vmem>>
          %dma_wait3A_149 = arith.constant 0 : i32
          %dma_wait3A_150 = arith.constant 0 : i32
          %dma_wait3A_151 = tpu.memref_slice %arg10[%dma_wait3A_149, %dma_wait3A_150] : memref<10240x128xf32, #tpu.memory_space<vmem_shared>> -> memref<10240x128xf32, #tpu.memory_space<vmem_shared>>
          tpu.wait_indirect_dma semaphore(%run_scoped3A_139 : memref<!tpu.dma_semaphore, #tpu.memory_space<semaphore_mem>>) src(%arg8 : memref<128x128xf32, #tpu.memory_space<vmem>>) dst(%dma_wait3A_151 : memref<10240x128xf32, #tpu.memory_space<vmem_shared>>)
          tpu.yield
        }) : () -> ()
        %add3A_112 = arith.constant 2 : i32
        %add3A_113 = arith.addi %mul3A_105, %add3A_112 : i32
        %dma_start3A_114 = arith.constant 0 : i32
        %dma_start3A_115 = tpu.memref_slice %arg6[%add3A_113, %dma_start3A_114] : memref<40x128xi32, #tpu.memory_space<vmem>> -> memref<1x128xi32, #tpu.memory_space<vmem>>
        %dma_start3A_116 = tpu.memref_squeeze %dma_start3A_115 : memref<1x128xi32, #tpu.memory_space<vmem>> -> memref<128xi32, #tpu.memory_space<vmem>>
        %dma_start3A_117 = arith.constant 0 : i32
        %dma_start3A_118 = arith.constant 0 : i32
        %dma_start3A_119 = tpu.memref_slice %arg2[%dma_start3A_117, %dma_start3A_118] : memref<10240x128xf32, #tpu.memory_space<hbm>> -> memref<10240x128xf32, #tpu.memory_space<hbm>>
        tpu.enqueue_indirect_dma source(%dma_start3A_119 : memref<10240x128xf32, #tpu.memory_space<hbm>>) target(%arg8 : memref<128x128xf32, #tpu.memory_space<vmem>>) offsets(%dma_start3A_116 : memref<128xi32, #tpu.memory_space<vmem>>) semaphore(%arg11 : memref<!tpu.dma_semaphore, #tpu.memory_space<semaphore_mem>>)
        %add3A_120 = arith.constant 1 : i32
        %add3A_121 = arith.addi %mul3A_105, %add3A_120 : i32
        %dma_wait3A_122 = arith.constant 0 : i32
        %dma_wait3A_123 = tpu.memref_slice %arg6[%add3A_121, %dma_wait3A_122] : memref<40x128xi32, #tpu.memory_space<vmem>> -> memref<1x128xi32, #tpu.memory_space<vmem>>
        %dma_wait3A_124 = tpu.memref_squeeze %dma_wait3A_123 : memref<1x128xi32, #tpu.memory_space<vmem>> -> memref<128xi32, #tpu.memory_space<vmem>>
        %dma_wait3A_125 = arith.constant 0 : i32
        %dma_wait3A_126 = arith.constant 0 : i32
        %dma_wait3A_127 = tpu.memref_slice %arg2[%dma_wait3A_125, %dma_wait3A_126] : memref<10240x128xf32, #tpu.memory_space<hbm>> -> memref<10240x128xf32, #tpu.memory_space<hbm>>
        tpu.wait_indirect_dma semaphore(%arg12 : memref<!tpu.dma_semaphore, #tpu.memory_space<semaphore_mem>>) src(%dma_wait3A_127 : memref<10240x128xf32, #tpu.memory_space<hbm>>) dst(%arg9 : memref<128x128xf32, #tpu.memory_space<vmem>>)
        %add3A_128 = arith.constant 1 : i32
        %add3A_129 = arith.addi %mul3A_105, %add3A_128 : i32
        "tpu.region"() ({
          %run_scoped3A_139 = tpu.sem_alloc : memref<!tpu.dma_semaphore, #tpu.memory_space<semaphore_mem>>
          %dma_start3A_140 = arith.constant 0 : i32
          %dma_start3A_141 = tpu.memref_slice %arg7[%add3A_129, %dma_start3A_140] : memref<40x128xi32, #tpu.memory_space<vmem>> -> memref<1x128xi32, #tpu.memory_space<vmem>>
          %dma_start3A_142 = tpu.memref_squeeze %dma_start3A_141 : memref<1x128xi32, #tpu.memory_space<vmem>> -> memref<128xi32, #tpu.memory_space<vmem>>
          %dma_start3A_143 = arith.constant 0 : i32
          %dma_start3A_144 = arith.constant 0 : i32
          %dma_start3A_145 = tpu.memref_slice %arg10[%dma_start3A_143, %dma_start3A_144] : memref<10240x128xf32, #tpu.memory_space<vmem_shared>> -> memref<10240x128xf32, #tpu.memory_space<vmem_shared>>
          tpu.enqueue_indirect_dma source(%arg9 : memref<128x128xf32, #tpu.memory_space<vmem>>) target(%dma_start3A_145 : memref<10240x128xf32, #tpu.memory_space<vmem_shared>>) offsets(%dma_start3A_142 : memref<128xi32, #tpu.memory_space<vmem>>) semaphore(%run_scoped3A_139 : memref<!tpu.dma_semaphore, #tpu.memory_space<semaphore_mem>>) {add = true}
          %dma_wait3A_146 = arith.constant 0 : i32
          %dma_wait3A_147 = tpu.memref_slice %arg7[%add3A_129, %dma_wait3A_146] : memref<40x128xi32, #tpu.memory_space<vmem>> -> memref<1x128xi32, #tpu.memory_space<vmem>>
          %dma_wait3A_148 = tpu.memref_squeeze %dma_wait3A_147 : memref<1x128xi32, #tpu.memory_space<vmem>> -> memref<128xi32, #tpu.memory_space<vmem>>
          %dma_wait3A_149 = arith.constant 0 : i32
          %dma_wait3A_150 = arith.constant 0 : i32
          %dma_wait3A_151 = tpu.memref_slice %arg10[%dma_wait3A_149, %dma_wait3A_150] : memref<10240x128xf32, #tpu.memory_space<vmem_shared>> -> memref<10240x128xf32, #tpu.memory_space<vmem_shared>>
          tpu.wait_indirect_dma semaphore(%run_scoped3A_139 : memref<!tpu.dma_semaphore, #tpu.memory_space<semaphore_mem>>) src(%arg9 : memref<128x128xf32, #tpu.memory_space<vmem>>) dst(%dma_wait3A_151 : memref<10240x128xf32, #tpu.memory_space<vmem_shared>>)
          tpu.yield
        }) : () -> ()
        %add3A_130 = arith.constant 3 : i32
        %add3A_131 = arith.addi %mul3A_105, %add3A_130 : i32
        %dma_start3A_132 = arith.constant 0 : i32
        %dma_start3A_133 = tpu.memref_slice %arg6[%add3A_131, %dma_start3A_132] : memref<40x128xi32, #tpu.memory_space<vmem>> -> memref<1x128xi32, #tpu.memory_space<vmem>>
        %dma_start3A_134 = tpu.memref_squeeze %dma_start3A_133 : memref<1x128xi32, #tpu.memory_space<vmem>> -> memref<128xi32, #tpu.memory_space<vmem>>
        %dma_start3A_135 = arith.constant 0 : i32
        %dma_start3A_136 = arith.constant 0 : i32
        %dma_start3A_137 = tpu.memref_slice %arg2[%dma_start3A_135, %dma_start3A_136] : memref<10240x128xf32, #tpu.memory_space<hbm>> -> memref<10240x128xf32, #tpu.memory_space<hbm>>
        tpu.enqueue_indirect_dma source(%dma_start3A_137 : memref<10240x128xf32, #tpu.memory_space<hbm>>) target(%arg9 : memref<128x128xf32, #tpu.memory_space<vmem>>) offsets(%dma_start3A_134 : memref<128xi32, #tpu.memory_space<vmem>>) semaphore(%arg12 : memref<!tpu.dma_semaphore, #tpu.memory_space<semaphore_mem>>)
        %scan3A_138 = arith.constant 0 : i32
        scf.yield %scan3A_138 : i32
      }
      %scan3A_85 = arith.constant 19 : i32
      %dma_wait3A_86 = arith.constant 0 : i32
      %dma_wait3A_87 = arith.constant 0 : i32
      %dma_wait3A_88 = tpu.memref_slice %arg6[%dma_wait3A_86, %dma_wait3A_87] : memref<40x128xi32, #tpu.memory_space<vmem>> -> memref<1x128xi32, #tpu.memory_space<vmem>>
      %dma_wait3A_89 = tpu.memref_squeeze %dma_wait3A_88 : memref<1x128xi32, #tpu.memory_space<vmem>> -> memref<128xi32, #tpu.memory_space<vmem>>
      %dma_wait3A_90 = arith.constant 0 : i32
      %dma_wait3A_91 = arith.constant 0 : i32
      %dma_wait3A_92 = tpu.memref_slice %arg2[%dma_wait3A_90, %dma_wait3A_91] : memref<10240x128xf32, #tpu.memory_space<hbm>> -> memref<10240x128xf32, #tpu.memory_space<hbm>>
      tpu.wait_indirect_dma semaphore(%arg11 : memref<!tpu.dma_semaphore, #tpu.memory_space<semaphore_mem>>) src(%dma_wait3A_92 : memref<10240x128xf32, #tpu.memory_space<hbm>>) dst(%arg8 : memref<128x128xf32, #tpu.memory_space<vmem>>)
      %run_scoped3A_93 = arith.constant 38 : i32
      "tpu.region"() ({
        %run_scoped3A_102 = tpu.sem_alloc : memref<!tpu.dma_semaphore, #tpu.memory_space<semaphore_mem>>
        %dma_start3A_103 = arith.constant 0 : i32
        %dma_start3A_104 = tpu.memref_slice %arg7[%run_scoped3A_93, %dma_start3A_103] : memref<40x128xi32, #tpu.memory_space<vmem>> -> memref<1x128xi32, #tpu.memory_space<vmem>>
        %dma_start3A_105 = tpu.memref_squeeze %dma_start3A_104 : memref<1x128xi32, #tpu.memory_space<vmem>> -> memref<128xi32, #tpu.memory_space<vmem>>
        %dma_start3A_106 = arith.constant 0 : i32
        %dma_start3A_107 = arith.constant 0 : i32
        %dma_start3A_108 = tpu.memref_slice %arg10[%dma_start3A_106, %dma_start3A_107] : memref<10240x128xf32, #tpu.memory_space<vmem_shared>> -> memref<10240x128xf32, #tpu.memory_space<vmem_shared>>
        tpu.enqueue_indirect_dma source(%arg8 : memref<128x128xf32, #tpu.memory_space<vmem>>) target(%dma_start3A_108 : memref<10240x128xf32, #tpu.memory_space<vmem_shared>>) offsets(%dma_start3A_105 : memref<128xi32, #tpu.memory_space<vmem>>) semaphore(%run_scoped3A_102 : memref<!tpu.dma_semaphore, #tpu.memory_space<semaphore_mem>>) {add = true}
        %dma_wait3A_109 = arith.constant 0 : i32
        %dma_wait3A_110 = tpu.memref_slice %arg7[%run_scoped3A_93, %dma_wait3A_109] : memref<40x128xi32, #tpu.memory_space<vmem>> -> memref<1x128xi32, #tpu.memory_space<vmem>>
        %dma_wait3A_111 = tpu.memref_squeeze %dma_wait3A_110 : memref<1x128xi32, #tpu.memory_space<vmem>> -> memref<128xi32, #tpu.memory_space<vmem>>
        %dma_wait3A_112 = arith.constant 0 : i32
        %dma_wait3A_113 = arith.constant 0 : i32
        %dma_wait3A_114 = tpu.memref_slice %arg10[%dma_wait3A_112, %dma_wait3A_113] : memref<10240x128xf32, #tpu.memory_space<vmem_shared>> -> memref<10240x128xf32, #tpu.memory_space<vmem_shared>>
        tpu.wait_indirect_dma semaphore(%run_scoped3A_102 : memref<!tpu.dma_semaphore, #tpu.memory_space<semaphore_mem>>) src(%arg8 : memref<128x128xf32, #tpu.memory_space<vmem>>) dst(%dma_wait3A_114 : memref<10240x128xf32, #tpu.memory_space<vmem_shared>>)
        tpu.yield
      }) : () -> ()
      %dma_wait3A_94 = arith.constant 0 : i32
      %dma_wait3A_95 = arith.constant 0 : i32
      %dma_wait3A_96 = tpu.memref_slice %arg6[%dma_wait3A_94, %dma_wait3A_95] : memref<40x128xi32, #tpu.memory_space<vmem>> -> memref<1x128xi32, #tpu.memory_space<vmem>>
      %dma_wait3A_97 = tpu.memref_squeeze %dma_wait3A_96 : memref<1x128xi32, #tpu.memory_space<vmem>> -> memref<128xi32, #tpu.memory_space<vmem>>
      %dma_wait3A_98 = arith.constant 0 : i32
      %dma_wait3A_99 = arith.constant 0 : i32
      %dma_wait3A_100 = tpu.memref_slice %arg2[%dma_wait3A_98, %dma_wait3A_99] : memref<10240x128xf32, #tpu.memory_space<hbm>> -> memref<10240x128xf32, #tpu.memory_space<hbm>>
      tpu.wait_indirect_dma semaphore(%arg12 : memref<!tpu.dma_semaphore, #tpu.memory_space<semaphore_mem>>) src(%dma_wait3A_100 : memref<10240x128xf32, #tpu.memory_space<hbm>>) dst(%arg9 : memref<128x128xf32, #tpu.memory_space<vmem>>)
      %run_scoped3A_101 = arith.constant 39 : i32
      "tpu.region"() ({
        %run_scoped3A_102 = tpu.sem_alloc : memref<!tpu.dma_semaphore, #tpu.memory_space<semaphore_mem>>
        %dma_start3A_103 = arith.constant 0 : i32
        %dma_start3A_104 = tpu.memref_slice %arg7[%run_scoped3A_101, %dma_start3A_103] : memref<40x128xi32, #tpu.memory_space<vmem>> -> memref<1x128xi32, #tpu.memory_space<vmem>>
        %dma_start3A_105 = tpu.memref_squeeze %dma_start3A_104 : memref<1x128xi32, #tpu.memory_space<vmem>> -> memref<128xi32, #tpu.memory_space<vmem>>
        %dma_start3A_106 = arith.constant 0 : i32
        %dma_start3A_107 = arith.constant 0 : i32
        %dma_start3A_108 = tpu.memref_slice %arg10[%dma_start3A_106, %dma_start3A_107] : memref<10240x128xf32, #tpu.memory_space<vmem_shared>> -> memref<10240x128xf32, #tpu.memory_space<vmem_shared>>
        tpu.enqueue_indirect_dma source(%arg9 : memref<128x128xf32, #tpu.memory_space<vmem>>) target(%dma_start3A_108 : memref<10240x128xf32, #tpu.memory_space<vmem_shared>>) offsets(%dma_start3A_105 : memref<128xi32, #tpu.memory_space<vmem>>) semaphore(%run_scoped3A_102 : memref<!tpu.dma_semaphore, #tpu.memory_space<semaphore_mem>>) {add = true}
        %dma_wait3A_109 = arith.constant 0 : i32
        %dma_wait3A_110 = tpu.memref_slice %arg7[%run_scoped3A_101, %dma_wait3A_109] : memref<40x128xi32, #tpu.memory_space<vmem>> -> memref<1x128xi32, #tpu.memory_space<vmem>>
        %dma_wait3A_111 = tpu.memref_squeeze %dma_wait3A_110 : memref<1x128xi32, #tpu.memory_space<vmem>> -> memref<128xi32, #tpu.memory_space<vmem>>
        %dma_wait3A_112 = arith.constant 0 : i32
        %dma_wait3A_113 = arith.constant 0 : i32
        %dma_wait3A_114 = tpu.memref_slice %arg10[%dma_wait3A_112, %dma_wait3A_113] : memref<10240x128xf32, #tpu.memory_space<vmem_shared>> -> memref<10240x128xf32, #tpu.memory_space<vmem_shared>>
        tpu.wait_indirect_dma semaphore(%run_scoped3A_102 : memref<!tpu.dma_semaphore, #tpu.memory_space<semaphore_mem>>) src(%arg9 : memref<128x128xf32, #tpu.memory_space<vmem>>) dst(%dma_wait3A_114 : memref<10240x128xf32, #tpu.memory_space<vmem_shared>>)
        tpu.yield
      }) : () -> ()
    } else {
    }
    %barrier3A_20 = arith.constant 0 : index
    tpu.barrier barrier_id(%barrier3A_20)
    %mul3A = arith.constant 640 : i32
    %mul3A_21 = arith.muli %arg1, %mul3A : i32
    %mul3A_22 = arith.constant 640 : i32
    %mul3A_23 = arith.muli %arg1, %mul3A_22 : i32
    "tpu.region"() ({
      %run_scoped3A = tpu.sem_alloc : memref<!tpu.dma_semaphore, #tpu.memory_space<semaphore_mem>>
      %dma_start3A = arith.constant 0 : i32
      %dma_start3A_24 = arith.constant 0 : i32
      %dma_start3A_25 = tpu.memref_slice %arg5[%arg0, %dma_start3A, %dma_start3A_24] : memref<2x10240x128xf32, #tpu.memory_space<hbm>> -> memref<1x10240x128xf32, #tpu.memory_space<hbm>>
      %dma_start3A_26 = tpu.memref_squeeze %dma_start3A_25 : memref<1x10240x128xf32, #tpu.memory_space<hbm>> -> memref<10240x128xf32, #tpu.memory_space<hbm>>
      %dma_start3A_27 = arith.constant 0 : i32
      %dma_start3A_28 = tpu.memref_slice %dma_start3A_26[%mul3A_23, %dma_start3A_27] : memref<10240x128xf32, #tpu.memory_space<hbm>> -> memref<640x128xf32, #tpu.memory_space<hbm>>
      %dma_start3A_29 = arith.constant 0 : i32
      %dma_start3A_30 = tpu.memref_slice %arg10[%mul3A_21, %dma_start3A_29] : memref<10240x128xf32, #tpu.memory_space<vmem_shared>> -> memref<640x128xf32, #tpu.memory_space<vmem_shared>>
      tpu.enqueue_dma source(%dma_start3A_30 : memref<640x128xf32, #tpu.memory_space<vmem_shared>>) target(%dma_start3A_28 : memref<640x128xf32, #tpu.memory_space<hbm>>) target_semaphore(%run_scoped3A : memref<!tpu.dma_semaphore, #tpu.memory_space<semaphore_mem>>)
      %dma_wait3A = arith.constant 0 : i32
      %dma_wait3A_31 = arith.constant 0 : i32
      %dma_wait3A_32 = tpu.memref_slice %arg5[%arg0, %dma_wait3A, %dma_wait3A_31] : memref<2x10240x128xf32, #tpu.memory_space<hbm>> -> memref<1x10240x128xf32, #tpu.memory_space<hbm>>
      %dma_wait3A_33 = tpu.memref_squeeze %dma_wait3A_32 : memref<1x10240x128xf32, #tpu.memory_space<hbm>> -> memref<10240x128xf32, #tpu.memory_space<hbm>>
      %dma_wait3A_34 = arith.constant 0 : i32
      %dma_wait3A_35 = tpu.memref_slice %dma_wait3A_33[%mul3A_23, %dma_wait3A_34] : memref<10240x128xf32, #tpu.memory_space<hbm>> -> memref<640x128xf32, #tpu.memory_space<hbm>>
      %dma_wait3A_36 = arith.constant 0 : i32
      %dma_wait3A_37 = tpu.memref_slice %arg10[%mul3A_21, %dma_wait3A_36] : memref<10240x128xf32, #tpu.memory_space<vmem_shared>> -> memref<640x128xf32, #tpu.memory_space<vmem_shared>>
      tpu.wait_dma2 semaphore(%run_scoped3A : memref<!tpu.dma_semaphore, #tpu.memory_space<semaphore_mem>>) src(%dma_wait3A_37 : memref<640x128xf32, #tpu.memory_space<vmem_shared>>) dst(%dma_wait3A_35 : memref<640x128xf32, #tpu.memory_space<hbm>>)
      tpu.yield
    }) : () -> ()
    return
  }
}

module attributes {stable_mosaic.version = 14 : i64} {
  func.func @body(%arg0: i32, %arg1: memref<1024x128xf32, #tpu.memory_space<vmem>>, %arg2: memref<128x128xf32, #tpu.memory_space<vmem>>, %arg3: memref<2x1024x16xf32, #tpu.memory_space<vmem>>, %arg4: memref<1024x128xf32, #tpu.memory_space<vmem>>) attributes {dimension_semantics = [#tpu.dimension_semantics<arbitrary>], iteration_bounds = array<i64: 10>, scalar_prefetch = 0 : i64, scratch_operands = 0 : i64, tpu.core_type = #tpu.core_type<tc>, window_params = [{transform_indices = @transform_0, window_bounds = array<i64: 1024, 128>}, {pipeline_mode = #tpu.pipeline_mode<synchronous>, transform_indices = @transform_1, window_bounds = array<i64: 128, 128>}, {transform_indices = @transform_2, window_bounds = array<i64: 2, 1024, 16>}, {transform_indices = @transform_3, window_bounds = array<i64: 1024, 128>}]} {
    %get3A = arith.constant 0 : index
    %get3A_0 = arith.constant 0 : index
    %get3A_1 = arith.constant 0 : index
    %get3A_2 = vector.load %arg3[%get3A, %get3A_0, %get3A_1] : memref<2x1024x16xf32, #tpu.memory_space<vmem>>, vector<1x1024x1xf32>
    %get3A_3 = vector.shape_cast %get3A_2 : vector<1x1024x1xf32> to vector<1024x1xf32>
    %get3A_4 = arith.constant 1 : index
    %get3A_5 = arith.constant 0 : index
    %get3A_6 = arith.constant 0 : index
    %get3A_7 = vector.load %arg3[%get3A_4, %get3A_5, %get3A_6] : memref<2x1024x16xf32, #tpu.memory_space<vmem>>, vector<1x1024x1xf32>
    %get3A_8 = vector.shape_cast %get3A_7 : vector<1x1024x1xf32> to vector<1024x1xf32>
    %add3A = arith.addf %get3A_3, %get3A_8 : vector<1024x1xf32>
    %add3A_9 = arith.constant 1.000000e+00 : f32
    %add3A_10 = vector.broadcast %add3A_9 : f32 to vector<1024x1xf32>
    %add3A_11 = arith.addf %add3A, %add3A_10 : vector<1024x1xf32>
    %rsqrt3A = math.rsqrt %add3A_11 : vector<1024x1xf32>
    %get3A_12 = arith.constant 0 : index
    %get3A_13 = arith.constant 0 : index
    %get3A_14 = vector.load %arg1[%get3A_12, %get3A_13] : memref<1024x128xf32, #tpu.memory_space<vmem>>, vector<1024x128xf32>
    %get3A_15 = arith.constant 0 : index
    %get3A_16 = arith.constant 0 : index
    %get3A_17 = vector.load %arg2[%get3A_15, %get3A_16] : memref<128x128xf32, #tpu.memory_space<vmem>>, vector<128x128xf32>
    %dot_general3A = arith.constant dense<0.000000e+00> : vector<1024x128xf32>
    %dot_general3A_18 = tpu.matmul %get3A_14, %get3A_17, %dot_general3A {dimension_numbers = #tpu.dot_dimension_numbers<[1], [0], [0], [1], [0, 0, 1, 1], [], []>, transpose_lhs_hint = false} : vector<1024x128xf32>, vector<128x128xf32>, vector<1024x128xf32> -> vector<1024x128xf32>
    %mul3A = vector.broadcast %rsqrt3A : vector<1024x1xf32> to vector<1024x128xf32>
    %mul3A_19 = arith.mulf %dot_general3A_18, %mul3A : vector<1024x128xf32>
    %swap3A = arith.constant 0 : index
    %swap3A_20 = arith.constant 0 : index
    %swap3A_21 = vector.load %arg4[%swap3A, %swap3A_20] : memref<1024x128xf32, #tpu.memory_space<vmem>>, vector<1024x128xf32>
    tpu.vector_store %arg4[%swap3A, %swap3A_20], %mul3A_19 {strides = array<i32>} : memref<1024x128xf32, #tpu.memory_space<vmem>>, vector<1024x128xf32>,
    return
  }
  func.func @transform_0(%arg0: i32) -> (i32, i32) {
    %c0_i32 = arith.constant 0 : i32
    %c0_i32_0 = arith.constant 0 : i32
    return %arg0, %c0_i32 : i32, i32
  }
  func.func @transform_1(%arg0: i32) -> (i32, i32) {
    %c0_i32 = arith.constant 0 : i32
    %c0_i32_0 = arith.constant 0 : i32
    %c0_i32_1 = arith.constant 0 : i32
    return %c0_i32, %c0_i32_0 : i32, i32
  }
  func.func @transform_2(%arg0: i32) -> (i32, i32, i32) {
    %c0_i32 = arith.constant 0 : i32
    %c0_i32_0 = arith.constant 0 : i32
    %c0_i32_1 = arith.constant 0 : i32
    return %c0_i32, %arg0, %c0_i32_0 : i32, i32, i32
  }
  func.func @transform_3(%arg0: i32) -> (i32, i32) {
    %c0_i32 = arith.constant 0 : i32
    %c0_i32_0 = arith.constant 0 : i32
    return %arg0, %c0_i32 : i32, i32
  }
}

module attributes {stable_mosaic.version = 14 : i64} {
  func.func @body(%arg0: i32, %arg1: memref<2x1024x128xf32, #tpu.memory_space<vmem>>, %arg2: memref<1024x128xf32, #tpu.memory_space<vmem>>, %arg3: memref<2x1024x16xf32, #tpu.memory_space<vmem>>, %arg4: memref<128x128xf32, #tpu.memory_space<vmem>>, %arg5: memref<1x128xf32, #tpu.memory_space<vmem>>, %arg6: memref<1024x128xf32, #tpu.memory_space<vmem>>) attributes {dimension_semantics = [#tpu.dimension_semantics<arbitrary>], iteration_bounds = array<i64: 10>, scalar_prefetch = 0 : i64, scratch_operands = 0 : i64, tpu.core_type = #tpu.core_type<tc>, window_params = [{transform_indices = @transform_0, window_bounds = array<i64: 2, 1024, 128>}, {transform_indices = @transform_1, window_bounds = array<i64: 1024, 128>}, {transform_indices = @transform_2, window_bounds = array<i64: 2, 1024, 16>}, {pipeline_mode = #tpu.pipeline_mode<synchronous>, transform_indices = @transform_3, window_bounds = array<i64: 128, 128>}, {pipeline_mode = #tpu.pipeline_mode<synchronous>, transform_indices = @transform_4, window_bounds = array<i64: 1, 128>}, {transform_indices = @transform_5, window_bounds = array<i64: 1024, 128>}]} {
    %get3A = arith.constant 0 : index
    %get3A_0 = arith.constant 0 : index
    %get3A_1 = arith.constant 0 : index
    %get3A_2 = vector.load %arg3[%get3A, %get3A_0, %get3A_1] : memref<2x1024x16xf32, #tpu.memory_space<vmem>>, vector<1x1024x1xf32>
    %get3A_3 = vector.shape_cast %get3A_2 : vector<1x1024x1xf32> to vector<1024x1xf32>
    %get3A_4 = arith.constant 1 : index
    %get3A_5 = arith.constant 0 : index
    %get3A_6 = arith.constant 0 : index
    %get3A_7 = vector.load %arg3[%get3A_4, %get3A_5, %get3A_6] : memref<2x1024x16xf32, #tpu.memory_space<vmem>>, vector<1x1024x1xf32>
    %get3A_8 = vector.shape_cast %get3A_7 : vector<1x1024x1xf32> to vector<1024x1xf32>
    %add3A = arith.addf %get3A_3, %get3A_8 : vector<1024x1xf32>
    %add3A_9 = arith.constant 1.000000e+00 : f32
    %add3A_10 = vector.broadcast %add3A_9 : f32 to vector<1024x1xf32>
    %add3A_11 = arith.addf %add3A, %add3A_10 : vector<1024x1xf32>
    %rsqrt3A = math.rsqrt %add3A_11 : vector<1024x1xf32>
    %get3A_12 = arith.constant 0 : index
    %get3A_13 = arith.constant 0 : index
    %get3A_14 = arith.constant 0 : index
    %get3A_15 = vector.load %arg1[%get3A_12, %get3A_13, %get3A_14] : memref<2x1024x128xf32, #tpu.memory_space<vmem>>, vector<1x1024x128xf32>
    %get3A_16 = vector.shape_cast %get3A_15 : vector<1x1024x128xf32> to vector<1024x128xf32>
    %get3A_17 = arith.constant 1 : index
    %get3A_18 = arith.constant 0 : index
    %get3A_19 = arith.constant 0 : index
    %get3A_20 = vector.load %arg1[%get3A_17, %get3A_18, %get3A_19] : memref<2x1024x128xf32, #tpu.memory_space<vmem>>, vector<1x1024x128xf32>
    %get3A_21 = vector.shape_cast %get3A_20 : vector<1x1024x128xf32> to vector<1024x128xf32>
    %add3A_22 = arith.addf %get3A_16, %get3A_21 : vector<1024x128xf32>
    %get3A_23 = arith.constant 0 : index
    %get3A_24 = arith.constant 0 : index
    %get3A_25 = vector.load %arg2[%get3A_23, %get3A_24] : memref<1024x128xf32, #tpu.memory_space<vmem>>, vector<1024x128xf32>
    %add3A_26 = arith.addf %add3A_22, %get3A_25 : vector<1024x128xf32>
    %mul3A = vector.broadcast %rsqrt3A : vector<1024x1xf32> to vector<1024x128xf32>
    %mul3A_27 = arith.mulf %add3A_26, %mul3A : vector<1024x128xf32>
    %get3A_28 = arith.constant 0 : index
    %get3A_29 = arith.constant 0 : index
    %get3A_30 = vector.load %arg5[%get3A_28, %get3A_29] : memref<1x128xf32, #tpu.memory_space<vmem>>, vector<1x128xf32>
    %add3A_31 = vector.broadcast %get3A_30 : vector<1x128xf32> to vector<1024x128xf32>
    %add3A_32 = arith.addf %mul3A_27, %add3A_31 : vector<1024x128xf32>
    %max3A = arith.constant 0.000000e+00 : f32
    %max3A_33 = vector.broadcast %max3A : f32 to vector<1024x128xf32>
    %max3A_34 = arith.maximumf %add3A_32, %max3A_33 : vector<1024x128xf32>
    %get3A_35 = arith.constant 0 : index
    %get3A_36 = arith.constant 0 : index
    %get3A_37 = vector.load %arg4[%get3A_35, %get3A_36] : memref<128x128xf32, #tpu.memory_space<vmem>>, vector<128x128xf32>
    %dot_general3A = arith.constant dense<0.000000e+00> : vector<1024x128xf32>
    %dot_general3A_38 = tpu.matmul %max3A_34, %get3A_37, %dot_general3A {dimension_numbers = #tpu.dot_dimension_numbers<[1], [0], [0], [1], [0, 0, 1, 1], [], []>, transpose_lhs_hint = false} : vector<1024x128xf32>, vector<128x128xf32>, vector<1024x128xf32> -> vector<1024x128xf32>
    %mul3A_39 = vector.broadcast %rsqrt3A : vector<1024x1xf32> to vector<1024x128xf32>
    %mul3A_40 = arith.mulf %dot_general3A_38, %mul3A_39 : vector<1024x128xf32>
    %swap3A = arith.constant 0 : index
    %swap3A_41 = arith.constant 0 : index
    %swap3A_42 = vector.load %arg6[%swap3A, %swap3A_41] : memref<1024x128xf32, #tpu.memory_space<vmem>>, vector<1024x128xf32>
    tpu.vector_store %arg6[%swap3A, %swap3A_41], %mul3A_40 {strides = array<i32>} : memref<1024x128xf32, #tpu.memory_space<vmem>>, vector<1024x128xf32>,
    return
  }
  func.func @transform_0(%arg0: i32) -> (i32, i32, i32) {
    %c0_i32 = arith.constant 0 : i32
    %c0_i32_0 = arith.constant 0 : i32
    %c0_i32_1 = arith.constant 0 : i32
    return %c0_i32, %arg0, %c0_i32_0 : i32, i32, i32
  }
  func.func @transform_1(%arg0: i32) -> (i32, i32) {
    %c0_i32 = arith.constant 0 : i32
    %c0_i32_0 = arith.constant 0 : i32
    return %arg0, %c0_i32 : i32, i32
  }
  func.func @transform_2(%arg0: i32) -> (i32, i32, i32) {
    %c0_i32 = arith.constant 0 : i32
    %c0_i32_0 = arith.constant 0 : i32
    %c0_i32_1 = arith.constant 0 : i32
    return %c0_i32, %arg0, %c0_i32_0 : i32, i32, i32
  }
  func.func @transform_3(%arg0: i32) -> (i32, i32) {
    %c0_i32 = arith.constant 0 : i32
    %c0_i32_0 = arith.constant 0 : i32
    %c0_i32_1 = arith.constant 0 : i32
    return %c0_i32, %c0_i32_0 : i32, i32
  }
  func.func @transform_4(%arg0: i32) -> (i32, i32) {
    %c0_i32 = arith.constant 0 : i32
    %c0_i32_0 = arith.constant 0 : i32
    %c0_i32_1 = arith.constant 0 : i32
    return %c0_i32, %c0_i32_0 : i32, i32
  }
  func.func @transform_5(%arg0: i32) -> (i32, i32) {
    %c0_i32 = arith.constant 0 : i32
    %c0_i32_0 = arith.constant 0 : i32
    return %arg0, %c0_i32 : i32, i32
  }
}

module attributes {stable_mosaic.version = 14 : i64} {
  func.func @body(%arg0: i32, %arg1: memref<2x1024x128xf32, #tpu.memory_space<vmem>>, %arg2: memref<1024x128xf32, #tpu.memory_space<vmem>>, %arg3: memref<2x1024x16xf32, #tpu.memory_space<vmem>>, %arg4: memref<1x128xf32, #tpu.memory_space<vmem>>, %arg5: memref<1024x128xf32, #tpu.memory_space<vmem>>) attributes {dimension_semantics = [#tpu.dimension_semantics<arbitrary>], iteration_bounds = array<i64: 10>, scalar_prefetch = 0 : i64, scratch_operands = 0 : i64, tpu.core_type = #tpu.core_type<tc>, window_params = [{transform_indices = @transform_0, window_bounds = array<i64: 2, 1024, 128>}, {transform_indices = @transform_1, window_bounds = array<i64: 1024, 128>}, {transform_indices = @transform_2, window_bounds = array<i64: 2, 1024, 16>}, {pipeline_mode = #tpu.pipeline_mode<synchronous>, transform_indices = @transform_3, window_bounds = array<i64: 1, 128>}, {transform_indices = @transform_4, window_bounds = array<i64: 1024, 128>}]} {
    %get3A = arith.constant 0 : index
    %get3A_0 = arith.constant 0 : index
    %get3A_1 = arith.constant 0 : index
    %get3A_2 = vector.load %arg3[%get3A, %get3A_0, %get3A_1] : memref<2x1024x16xf32, #tpu.memory_space<vmem>>, vector<1x1024x1xf32>
    %get3A_3 = vector.shape_cast %get3A_2 : vector<1x1024x1xf32> to vector<1024x1xf32>
    %get3A_4 = arith.constant 1 : index
    %get3A_5 = arith.constant 0 : index
    %get3A_6 = arith.constant 0 : index
    %get3A_7 = vector.load %arg3[%get3A_4, %get3A_5, %get3A_6] : memref<2x1024x16xf32, #tpu.memory_space<vmem>>, vector<1x1024x1xf32>
    %get3A_8 = vector.shape_cast %get3A_7 : vector<1x1024x1xf32> to vector<1024x1xf32>
    %add3A = arith.addf %get3A_3, %get3A_8 : vector<1024x1xf32>
    %add3A_9 = arith.constant 1.000000e+00 : f32
    %add3A_10 = vector.broadcast %add3A_9 : f32 to vector<1024x1xf32>
    %add3A_11 = arith.addf %add3A, %add3A_10 : vector<1024x1xf32>
    %rsqrt3A = math.rsqrt %add3A_11 : vector<1024x1xf32>
    %get3A_12 = arith.constant 0 : index
    %get3A_13 = arith.constant 0 : index
    %get3A_14 = arith.constant 0 : index
    %get3A_15 = vector.load %arg1[%get3A_12, %get3A_13, %get3A_14] : memref<2x1024x128xf32, #tpu.memory_space<vmem>>, vector<1x1024x128xf32>
    %get3A_16 = vector.shape_cast %get3A_15 : vector<1x1024x128xf32> to vector<1024x128xf32>
    %get3A_17 = arith.constant 1 : index
    %get3A_18 = arith.constant 0 : index
    %get3A_19 = arith.constant 0 : index
    %get3A_20 = vector.load %arg1[%get3A_17, %get3A_18, %get3A_19] : memref<2x1024x128xf32, #tpu.memory_space<vmem>>, vector<1x1024x128xf32>
    %get3A_21 = vector.shape_cast %get3A_20 : vector<1x1024x128xf32> to vector<1024x128xf32>
    %add3A_22 = arith.addf %get3A_16, %get3A_21 : vector<1024x128xf32>
    %get3A_23 = arith.constant 0 : index
    %get3A_24 = arith.constant 0 : index
    %get3A_25 = vector.load %arg2[%get3A_23, %get3A_24] : memref<1024x128xf32, #tpu.memory_space<vmem>>, vector<1024x128xf32>
    %add3A_26 = arith.addf %add3A_22, %get3A_25 : vector<1024x128xf32>
    %mul3A = vector.broadcast %rsqrt3A : vector<1024x1xf32> to vector<1024x128xf32>
    %mul3A_27 = arith.mulf %add3A_26, %mul3A : vector<1024x128xf32>
    %get3A_28 = arith.constant 0 : index
    %get3A_29 = arith.constant 0 : index
    %get3A_30 = vector.load %arg4[%get3A_28, %get3A_29] : memref<1x128xf32, #tpu.memory_space<vmem>>, vector<1x128xf32>
    %add3A_31 = vector.broadcast %get3A_30 : vector<1x128xf32> to vector<1024x128xf32>
    %add3A_32 = arith.addf %mul3A_27, %add3A_31 : vector<1024x128xf32>
    %swap3A = arith.constant 0 : index
    %swap3A_33 = arith.constant 0 : index
    %swap3A_34 = vector.load %arg5[%swap3A, %swap3A_33] : memref<1024x128xf32, #tpu.memory_space<vmem>>, vector<1024x128xf32>
    tpu.vector_store %arg5[%swap3A, %swap3A_33], %add3A_32 {strides = array<i32>} : memref<1024x128xf32, #tpu.memory_space<vmem>>, vector<1024x128xf32>,
    return
  }
  func.func @transform_0(%arg0: i32) -> (i32, i32, i32) {
    %c0_i32 = arith.constant 0 : i32
    %c0_i32_0 = arith.constant 0 : i32
    %c0_i32_1 = arith.constant 0 : i32
    return %c0_i32, %arg0, %c0_i32_0 : i32, i32, i32
  }
  func.func @transform_1(%arg0: i32) -> (i32, i32) {
    %c0_i32 = arith.constant 0 : i32
    %c0_i32_0 = arith.constant 0 : i32
    return %arg0, %c0_i32 : i32, i32
  }
  func.func @transform_2(%arg0: i32) -> (i32, i32, i32) {
    %c0_i32 = arith.constant 0 : i32
    %c0_i32_0 = arith.constant 0 : i32
    %c0_i32_1 = arith.constant 0 : i32
    return %c0_i32, %arg0, %c0_i32_0 : i32, i32, i32
  }
  func.func @transform_3(%arg0: i32) -> (i32, i32) {
    %c0_i32 = arith.constant 0 : i32
    %c0_i32_0 = arith.constant 0 : i32
    %c0_i32_1 = arith.constant 0 : i32
    return %c0_i32, %c0_i32_0 : i32, i32
  }
  func.func @transform_4(%arg0: i32) -> (i32, i32) {
    %c0_i32 = arith.constant 0 : i32
    %c0_i32_0 = arith.constant 0 : i32
    return %arg0, %c0_i32 : i32, i32
  }
}

</mosaic_0001>

<sc_bundles>
// kernel: kernel.11.cloned.1.call-start
scs
__scs_entry_jumppad:
0x0: {  	(pc) =	sbr.rel $0x88, $3  }
0x1: {  	(tag) =	ssettag $0x0;
	lr =	simm.s32 $0x1  }
0x2: {  	[smem:$0x3F9B] =	sst lr;
	_ =	strace $0xD0000000  }
0x3: {  	_ = 	snop  }
0x4: {  	_ = 	snop  }
0x5: {  	_ = 	snop  }
0x6: {  	_ = 	snop  }
0x7: {  	_ = 	snop  }
__scs_overlays_trampoline_lowered:
0x8: {  	[smem:$0x3FAA] =	sst s0  }
0x9: {  	[smem:$0x3FAB] =	sst s1  }
0xa: {  	[smem:$0x3FAC] =	sst s2  }
0xb: {  	[smem:$0x3FAD] =	sst s3  }
0xc: {  	[smem:$0x3FAE] =	sst s4  }
0xd: {  	[smem:$0x3FAF] =	sst s5  }
0xe: {  	[smem:$0x3FB0] =	sst s6  }
0xf: {  	[smem:$0x3FB1] =	sst s7  }
0x10: {  	[smem:$0x3FB2] =	sst s8  }
0x11: {  	[smem:$0x3FB3] =	sst s9;
	s0 =	simm.s32 @!p0 $0x0  }
0x12: {  	s1 =	sld [smem:$0x3F99];
	s0 =	simm.s32 @p0 $0x1  }
0x13: {  	[smem:$0x3FB4] =	sst s0;
	s0 =	simm.s32 @!p1 $0x0  }
0x14: {  	s2 =	sld [smem:$0x3F98];
	s0 =	simm.s32 @p1 $0x1  }
0x15: {  	[smem:$0x3FB5] =	sst s0;
	s0 =	simm.s32 @!p2 $0x0  }
0x16: {  	s3 =	sld [smem:$0x3FDB];
	s0 =	simm.s32 @p2 $0x1  }
0x17: {  	s4 =	simm.s32 $0x1BF5;
	[smem:$0x3FB7] =	sst s0  }
0x18: {  	s0 =	sld [smem:$0x3F9A];
	_ =	swait.ge [sflag:s4], $0x0  }
0x19: {  	s7 =	sld [smem:$0x3F9B]  }
0x1a: {  	s8 =	sadd.s32 $0xFFFFE003, lr  }
0x1b: {  	s9 =	sadd.s32 $0xFFFFFEF7, lr;
	s5 =	simm.s32 $0xFFFFFFFF;
	p2 =	slt.u32 s8, $0xFFFFF086  }
0x1c: {  	p1 =	slt.u32 s9, $0xF7A;
	s5 =	simm.s32 @!p2 $0x0  }
0x1d: {  	s5 =	simm.s32 @p1 $0x1;
	p0 =	seq.s32 s7, s2  }
0x1e: {  	s7 =	smul.u32 @!p0 $0xF7A, s2;
	p2 =	seq.s32 @!p0 s5, $0x0  }
0x1f: {  	s9 =	smul.u32 $0xF7A, s1;
	s8 =	simm.s32 @!p0 $0x1BF5;
	p2 =	por !p2, p0  }
0x20: {  	[sflag:s8] =	ssyncset.s32 @!p0 $0xFFFFF086;
	s6 =	sadd.s32 @!p0 s3, s7;
	s7 =	simm.s32 @!p0 $0x108  }
0x21: {  	s3 =	sadd.s32 s3, s9;
	s6 =	sadd.s32 @!p0 $0x88, s6;
	s7 =	simm.s32 @p2 $0x1082  }
0x22: {  	[simem:s7], [sflag:s8] =	dma.local @!p0 [hbm:s6], $0xF7A  }
0x23: {  	s9 =	sor.u32 $0xD0000000, s2;
	s6 =	simm.s32 $0x108;
	_ =	swait.ge @!p0 [sflag:s8], $0x0  }
0x24: {  	s3 =	sadd.s32 $0x88, s3;
	s6 =	simm.s32 @!p1 $0x1082;
	[sflag:s4] =	ssyncset.s32 $0xFFFFF086  }
0x25: {  	[simem:s6], [sflag:s4] =	dma.local [hbm:s3], $0xF7A  }
0x26: {  	[smem:$0x3F9B] =	sst s1;
	(tag) =	ssettag s2;
	_ =	strace s9  }
0x27: {  	s1 =	sld [smem:$0x3FAB]  }
0x28: {  	s2 =	sld [smem:$0x3FAC]  }
0x29: {  	s4 =	sld [smem:$0x3FAE]  }
0x2a: {  	p0 =	seq.s32 s5, $0x0;
	s5 =	sld [smem:$0x3FAF]  }
0x2b: {  	s6 =	sld [smem:$0x3FB0]  }
0x2c: {  	s7 =	sld [smem:$0x3FB1]  }
0x2d: {  	s3 =	simm.s32 $0x108;
	s8 =	sld [smem:$0x3FB2]  }
0x2e: {  	s3 =	simm.s32 @!p0 $0x1082;
	s9 =	sld [smem:$0x3FB3]  }
0x2f: {  	lr =	sadd.s32 s0, s3;
	s0 =	sld [smem:$0x3FAA]  }
0x30: {  	s3 =	sld [smem:$0x3FAD]  }
0x31: {  	[smem:$0x3FB6] =	sst s10  }
0x32: {  	s10 =	sld [smem:$0x3FB4];
	_ =	sdelay $0x3  }
0x33: {  	p0 =	seq.s32 s10, $0x1;
	s10 =	sld [smem:$0x3FB6];
	_ =	sdelay $0x3  }
0x34: {  	[smem:$0x3FB6] =	sst s10  }
0x35: {  	s10 =	sld [smem:$0x3FB5];
	_ =	sdelay $0x3  }
0x36: {  	p1 =	seq.s32 s10, $0x1;
	s10 =	sld [smem:$0x3FB6];
	_ =	sdelay $0x3  }
0x37: {  	[smem:$0x3FB6] =	sst s10  }
0x38: {  	s10 =	sld [smem:$0x3FB7]  }
0x39: {  	_ = 	snop;
	(pc) =	sbr.ind lr, $3  }
0x3a: {  	_ = 	snop  }
0x3b: {  	_ = 	snop  }
0x3c: {  	p2 =	seq.s32 s10, $0x1;
	s10 =	sld [smem:$0x3FB6]  }
0x3d: {  	_ =	shalt  }
0x3e: {  	_ =	shalt  }
0x3f: {  	_ =	shalt  }
0x40: {  	_ =	shalt  }
0x41: {  	_ =	shalt  }
0x42: {  	_ =	shalt  }
0x43: {  	_ =	shalt  }
0x44: {  	_ =	shalt  }
0x45: {  	_ =	shalt  }
0x46: {  	_ =	shalt  }
0x47: {  	_ =	shalt  }
0x48: {  	_ =	shalt  }
0x49: {  	_ =	shalt  }
0x4a: {  	_ =	shalt  }
0x4b: {  	_ =	shalt  }
0x4c: {  	_ =	shalt  }
0x4d: {  	_ =	shalt  }
0x4e: {  	_ =	shalt  }
0x4f: {  	_ =	shalt  }
0x50: {  	_ =	shalt  }
0x51: {  	_ =	shalt  }
0x52: {  	_ =	shalt  }
0x53: {  	_ =	shalt  }
0x54: {  	_ =	shalt  }
0x55: {  	_ =	shalt  }
0x56: {  	_ =	shalt  }
0x57: {  	_ =	shalt  }
0x58: {  	_ =	shalt  }
0x59: {  	_ =	shalt  }
0x5a: {  	_ =	shalt  }
0x5b: {  	_ =	shalt  }
0x5c: {  	_ =	shalt  }
0x5d: {  	_ =	shalt  }
0x5e: {  	_ =	shalt  }
0x5f: {  	_ =	shalt  }
0x60: {  	_ =	shalt  }
0x61: {  	_ =	shalt  }
0x62: {  	_ =	shalt  }
0x63: {  	_ =	shalt  }
0x64: {  	_ =	shalt  }
0x65: {  	_ =	shalt  }
0x66: {  	_ =	shalt  }
0x67: {  	_ =	shalt  }
0x68: {  	_ =	shalt  }
0x69: {  	_ =	shalt  }
0x6a: {  	_ =	shalt  }
0x6b: {  	_ =	shalt  }
0x6c: {  	_ =	shalt  }
0x6d: {  	_ =	shalt  }
0x6e: {  	_ =	shalt  }
0x6f: {  	_ =	shalt  }
0x70: {  	_ =	shalt  }
0x71: {  	_ =	shalt  }
0x72: {  	_ =	shalt  }
0x73: {  	_ =	shalt  }
0x74: {  	_ =	shalt  }
0x75: {  	_ =	shalt  }
0x76: {  	_ =	shalt  }
0x77: {  	_ =	shalt  }
0x78: {  	_ =	shalt  }
0x79: {  	_ =	shalt  }
0x7a: {  	_ =	shalt  }
0x7b: {  	_ =	shalt  }
0x7c: {  	_ =	shalt  }
0x7d: {  	_ =	shalt  }
0x7e: {  	_ =	shalt  }
0x7f: {  	_ =	shalt  }
0x80: {  	_ =	shalt  }
0x81: {  	_ =	shalt  }
0x82: {  	_ =	shalt  }
0x83: {  	_ =	shalt  }
0x84: {  	_ =	shalt  }
0x85: {  	_ =	shalt  }
0x86: {  	_ =	shalt  }
0x87: {  	_ =	shalt  }
.Lfunc_end0:
.L_simem_size_0:
called_computation.1_lowered:
.L_overlay_start_0:
0x88: {  	s2 =	sld [smem:$0x3FD9]  }
0x89: {  	s3 =	sld [smem:$0x3FFE];
	_ =	sdelay $0x1  }
0x8a: {  	s1 =	srdreg.scid  }
0x8b: {  	s0 =	sand.u32 $0x1, s1  }
0x8c: {  	s17 =	sshll.u32 s0, $0xA;
	s2 =	sadd.s32 s3, s2  }
0x8d: {  	s2 =	sadd.s32 s2, s17  }
0x8e: {  	[smem:$0x3FC2] =	sst s2  }
0x8f: {  	_ = 	snop  }
0x90: {  	s2 =	sld [smem:$0x3FD0];
	(tm) =	ssettm $0x1  }
0x91: {  	s18 =	sld [smem:$0x3FFB];
	_ =	sdelay $0x3  }
0x92: {  	_ =	strace s18  }
0x93: {  	s3 =	sld [smem:$0x3FFC];
	_ =	sdelay $0x3  }
0x94: {  	_ =	strace s3  }
0x95: {  	s3 =	sld [smem:$0x3FFD];
	_ =	sdelay $0x3  }
0x96: {  	_ =	strace s3  }
0x97: {  	_ =	strace $0x8FFFFFFF  }
0x98: {  	s19 =	sld [smem:$0x3FDB];
	_ =	sdelay $0x1  }
0x99: {  	s4 =	simm.s32 $_scs_section_size  }
0x9a: {  	s5 =	simm.s32 $_size__tile_overlayer_lowered;
	s6 =	simm.s32 $_tile_overlayer_lowered  }
0x9b: {  	s22 =	simm.s32 $0x1BFF;
	s21 =	sshll.u32 s6, $0x1;
	s3 =	sadd.s32 s4, s19  }
0x9c: {  	s7 =	simm.s32 $0x0;
	s20 =	sshll.u32 s5, $0x1;
	s5 =	sadd.s32 s21, s3  }
0x9d: {  	[timem:s7], [sflag:s22] =	dma.local [hbm:s5], s20  }
0x9e: {  	_ =	swait.ge [sflag:s22], s20  }
0x9f: {  	s4 =	ssub.s32 $0x0, s20;
	[sflag:s22] =	ssyncset.done $0x0  }
0xa0: {  	[sflag:s22] =	ssyncadd.s32 s4;
	_ =	sdelay $0x1  }
0xa1: {  	s23 =	simm.s32 $0x1B8B  }
0xa2: {  	_ =	swait.ge [sflag:s23], $0x1  }
0xa3: {  	[sflag:s23] =	ssyncset.done $0x0  }
0xa4: {  	s25 =	simm.s32 $0x1B8E;
	s24 =	sld [smem:$0x3FFE];
	[sflag:s23] =	ssyncadd.s32 $0xFFFFFFFF  }
0xa5: {  	s26 =	simm.s32 $execute0_lowered;
	[smem:$0x3FD2] =	sst s25  }
0xa6: {  	s5 =	sshll.u32 s26, $0x1;
	_ =	strace $0x80000049;
	[dreg:$0x1] =	wrdreg $0xFFFFFFFF  }
0xa7: {  	s28 =	simm.s32 $_size_execute0_lowered;
	s3 =	sadd.s32 s3, s5;
	[dreg:$0x0] =	wrdreg $0x0  }
0xa8: {  	s5 =	sshll.u32 s28, $0x1;
	[dreg:$0x2] =	wrdreg s3  }
0xa9: {  	[dreg:$0x3] =	wrdreg s5  }
0xaa: {  	[dreg:$0x4] =	wrdreg $0xC0  }
0xab: {  	_ =	task [dreg:s7], $0x5FFFF  }
0xac: {  	[dreg:$0x1] =	wrdreg $0xFFFFFFFF  }
0xad: {  	[dreg:$0x0] =	wrdreg $0x60  }
0xae: {  	[dreg:$0x2] =	wrdreg s24  }
0xaf: {  	[dreg:$0x3] =	wrdreg s2  }
0xb0: {  	[dreg:$0x4] =	wrdreg $0xA8000  }
0xb1: {  	[dreg:$0x5] =	wrdreg $0x9  }
0xb2: {  	_ =	task.clear_ibuf [dreg:s7], $0x6FFFF;
	_ =	strace $0x90000049  }
0xb3: {  	s29 =	simm.s32 $0x9;
	_ =	strace $0x8000004B  }
0xb4: {  	_ =	swait.ge [sflag:s29], $0x1  }
0xb5: {  	[sflag:s29] =	ssyncadd.s32 $0xFFFFFFFF  }
0xb6: {  	_ =	strace $0x9000004B  }
0xb7: {  	_ =	sfence  }
0xb8: {  	s30 =	sld [smem:$0x0];
	_ =	sdelay $0x2  }
0xb9: {  	s31 =	sshll.u32 s1, $0xD;
	s1 =	sshrl.u32 s1, $0x2  }
0xba: {  	s3 =	sand.u32 $0x4000, s31;
	s1 =	sadd.s32 s1, s30  }
0xbb: {  	s0 =	sor.u32 s3, s0;
	s1 =	sshll.u32 s1, $0x11  }
0xbc: {  	s0 =	sor.u32 s1, s0  }
0xbd: {  	s0 =	sadd.s32 $0x8F2B, s0  }
0xbe: {  	[sflag:s0] =	ssyncadd.remote.s32 $0x1  }
0xbf: {  	_ =	sfence.sel $0xFFFF  }
0xc0: {  	[dreg:$0x0] =	wrdreg $0xFFFFFFFF;
	(pc) =	sbr.abs _section_cstart, $3  }
0xc1: {  	[dreg:$0x1] =	wrdreg $0xFFFFFFFF  }
0xc2: {  	_ =	task.clear_ibuf [dreg:s7], $0x2FFFF;
	_ =	strace $0x9FFFFFFF  }
0xc3: {  	(tm) =	ssettm $0x7FFFFFFF  }
tec
execute0_lowered:
.L_overlay_start_1:
0x0: {  	(tag) =	ssettag $0x1  }
0x1: {  	s0 =	rddreg [dreg:$0x0]  }
0x2: {  	s5 =	rddreg [dreg:$0x1]  }
0x3: {  	s1 =	rddreg [dreg:$0x2]  }
0x4: {  	s2 =	simm.s32 $0x0;
	s3 =	srdreg.scid;
	s28 =	simm.s32 $0x6800  }
0x5: {  	s29 =	simm.s32 $0x1;
	s30 =	simm.s32 $0x2;
	s6 =	sand.u32 $0x1, s3  }
0x6: {  	s31 =	simm.s32 $0x2700;
	s3 =	stileid.u32;
	s7 =	smul.u32 $0x28000, s6  }
0x7: {  	[smem:$0x7FF] =	sst s2;
	s4 =	sadd.s32 $0x5CA00, s0;
	s24 =	smul.u32 $0x2800, s3  }
0x8: {  	s12 =	sadd.s32 $0x2A00, s0;
	_ =	strace $0x8000004A;
	s9 =	smul.u32 $0x500, s3  }
0x9: {  	s8 =	ssub.s32 $0x2, s6;
	p0 =	seq.s32 s6, $0x1;
	s13 =	smul.u32 $0x50000, s3  }
0xa: {  	s19 =	sshrl.u32 s8, $0x1;
	s0 =	sadd.s32 s7, s0;
	s21 =	sadd.s32 s5, s9  }
0xb: {  	s14 =	ssub.s32 s8, s19;
	s22 =	sadd.s32 s12, s9;
	[dreg:$0x4] =	wrdreg s21  }
0xc: {  	s20 =	sshrl.u32 s24, $0x3;
	s26 =	sshrl.u32 s13, $0x2;
	[dreg:$0x5] =	wrdreg s22  }
0xd: {  	s23 =	sadd.s32 $0x280, s20;
	s10 =	sadd.s32 $0x5000, s20;
	s6 =	sadd.s32 $0x5280, s20  }
0xe: {  	s0 =	sadd.s32 $0x84A00, s0;
	s13 =	sadd.s32 s26, s1;
	s14 =	smax.u32 s14, $0x1  }
0xf: {  	s22 =	simm.s32 $0x2800;
	s26 =	simm.s32 $0x80;
	s25 =	sadd.s32 s5, s23  }
0x10: {  	s8 =	sadd.s32 s12, s23;
	s9 =	sadd.s32 s5, s10;
	s10 =	sadd.s32 s12, s10  }
.Ltmp0:
0x11: {  	s11 =	sadd.s32 s5, s6;
	s12 =	sadd.s32 s12, s6;
	(pc) =	sbr.rel .LBB2_1-.Ltmp0, $4  }
0x12: {  	s15 =	sadd.s32 $0x2800, s13;
	s16 =	sadd.s32 $0x5000, s13;
	s17 =	sadd.s32 $0x7800, s13  }
0x13: {  	s18 =	sadd.s32 $0xA000, s13;
	s19 =	sadd.s32 $0xC800, s13;
	s20 =	sadd.s32 $0xF000, s13  }
0x14: {  	s21 =	sadd.s32 $0x11800, s13;
	s23 =	simm.s32 $0x3;
	s24 =	sadd.s32 s24, s0  }
0x15: {  	v0 =	vimm.f32 $0.0e+00;
	s0 =	simm.s32 $0x2780;
	[dreg:$0x6] =	wrdreg s25;
	s25 =	simm.s32 $0x1400  }
.LBB2_8:
0x16: {  	[tilespmem:s28], [sflag:$0x2] =	stream.indirect.gather [hbm4b:s4+s26], $0x80, s6, s26, $0xb8;
	[tilespmem:$0x1E800] =	vst v63  }
.LBB2_14:
0x17: {  	_ =	swait.ge [sflag:s29], $0x4000  }
0x18: {  	[sflag:s29] =	ssyncset.done $0x0  }
0x19: {  	[sflag:s29] =	ssyncadd.s32 $0xFFFFC000  }
0x1a: {  	[spmem:s1] =	stream.indirect.scatter.add.f32 [tilespmem:s22], [sflag:$0x3], $0x80, s31, s26, $0xb8;
	[tilespmem:$0x1E800] =	vst v63  }
0x1b: {  	_ =	swait.ge [sflag:s23], $0x4000  }
0x1c: {  	[sflag:s23] =	ssyncset.done $0x0  }
0x1d: {  	[sflag:s23] =	ssyncadd.s32 $0xFFFFC000  }
0x1e: {  	_ =	swait.ge [sflag:s30], $0x4000  }
0x1f: {  	[sflag:s30] =	ssyncset.done $0x0  }
0x20: {  	[sflag:s30] =	ssyncadd.s32 $0xFFFFC000  }
0x21: {  	[spmem:s1] =	stream.indirect.scatter.add.f32 [tilespmem:s28], [sflag:$0x3], $0x80, s0, s26, $0xb8;
	[tilespmem:$0x1E800] =	vst v63  }
0x22: {  	_ =	swait.ge [sflag:s23], $0x4000  }
0x23: {  	s5 =	sshll.u32 s3, $0x6;
	s2 =	sadd.s32 $0x1, s2;
	[sflag:s23] =	ssyncset.done $0x0  }
0x24: {  	s6 =	sshrl.u32 s13, $0x3;
	p1 =	sne.s32 s2, s14;
	[sflag:s23] =	ssyncadd.s32 $0xFFFFC000  }
.Ltmp1:
0x25: {  	s5 =	sor.u32 $0x1C03, s5;
	[bflag:$0x0] =	sbarrier.arrive $0xFFFF;
	(pc) =	sbr.rel @!p1 .LBB2_15-.Ltmp1, $4  }
0x26: {  	[hbm:s24], [sflag:s5] =	dma.local [spmem:s6], $0x2800  }
0x27: {  	_ =	swait.ge [sflag:s23], $0x2800  }
0x28: {  	[sflag:s23] =	ssyncset.done $0x0  }
0x29: {  	[sflag:s23] =	ssyncadd.s32 $0xFFFFD800  }
.LBB2_1:
0x2a: {  	s5 =	simm.s32 $0x0;
	s6 =	simm.s32 $0x200  }
.LBB2_2:
0x2b: {  	p1 =	sne.s32 s6, $0xFE00;
	[tilespmem:s5+$0x2870] =	vst v0  }
0x2c: {  	[tilespmem:s5+$0x2800] =	vst v0  }
0x2d: {  	[tilespmem:s5+$0x2810] =	vst v0  }
.Ltmp2:
0x2e: {  	[tilespmem:s5+$0x2820] =	vst v0;
	(pc) =	sbr.rel @p1 .LBB2_2-.Ltmp2, $4  }
0x2f: {  	[tilespmem:s5+$0x2830] =	vst v0  }
0x30: {  	[tilespmem:s5+$0x2840] =	vst v0  }
0x31: {  	[tilespmem:s5+$0x2850] =	vst v0  }
0x32: {  	[tilespmem:s5+$0x2860] =	vst v0;
	s5 =	sshra.s32 s6, $0x2;
	s6 =	sadd.s32 $0x200, s6  }
0x33: {  	[tilespmem:s5+$0x2870] =	vst v0  }
0x34: {  	[tilespmem:s5+$0x2800] =	vst v0  }
0x35: {  	[tilespmem:s5+$0x2810] =	vst v0  }
0x36: {  	[tilespmem:s5+$0x2820] =	vst v0  }
0x37: {  	[tilespmem:s5+$0x2830] =	vst v0  }
0x38: {  	[tilespmem:s5+$0x2840] =	vst v0  }
0x39: {  	[tilespmem:s5+$0x2850] =	vst v0  }
0x3a: {  	[tilespmem:s5+$0x2860] =	vst v0  }
0x3b: {  	[spmem:s13] =	stream.linear.scatter [tilespmem:s22], [sflag:$0x3], $0x2800, $0x38;
	[tilespmem:$0x1E800] =	vst v63  }
0x3c: {  	_ =	swait.ge [sflag:s23], $0x2800  }
0x3d: {  	[sflag:s23] =	ssyncset.done $0x0  }
0x3e: {  	[sflag:s23] =	ssyncadd.s32 $0xFFFFD800  }
0x3f: {  	[spmem:s15] =	stream.linear.scatter [tilespmem:s22], [sflag:$0x3], $0x2800, $0x38;
	[tilespmem:$0x1E800] =	vst v63  }
0x40: {  	_ =	swait.ge [sflag:s23], $0x2800  }
0x41: {  	[sflag:s23] =	ssyncset.done $0x0  }
0x42: {  	[sflag:s23] =	ssyncadd.s32 $0xFFFFD800  }
0x43: {  	[spmem:s16] =	stream.linear.scatter [tilespmem:s22], [sflag:$0x3], $0x2800, $0x38;
	[tilespmem:$0x1E800] =	vst v63  }
0x44: {  	_ =	swait.ge [sflag:s23], $0x2800  }
0x45: {  	[sflag:s23] =	ssyncset.done $0x0  }
0x46: {  	[sflag:s23] =	ssyncadd.s32 $0xFFFFD800  }
0x47: {  	[spmem:s17] =	stream.linear.scatter [tilespmem:s22], [sflag:$0x3], $0x2800, $0x38;
	[tilespmem:$0x1E800] =	vst v63  }
0x48: {  	_ =	swait.ge [sflag:s23], $0x2800  }
0x49: {  	[sflag:s23] =	ssyncset.done $0x0  }
0x4a: {  	[sflag:s23] =	ssyncadd.s32 $0xFFFFD800  }
0x4b: {  	[spmem:s18] =	stream.linear.scatter [tilespmem:s22], [sflag:$0x3], $0x2800, $0x38;
	[tilespmem:$0x1E800] =	vst v63  }
0x4c: {  	_ =	swait.ge [sflag:s23], $0x2800  }
0x4d: {  	[sflag:s23] =	ssyncset.done $0x0  }
0x4e: {  	[sflag:s23] =	ssyncadd.s32 $0xFFFFD800  }
0x4f: {  	[spmem:s19] =	stream.linear.scatter [tilespmem:s22], [sflag:$0x3], $0x2800, $0x38;
	[tilespmem:$0x1E800] =	vst v63  }
0x50: {  	_ =	swait.ge [sflag:s23], $0x2800  }
0x51: {  	[sflag:s23] =	ssyncset.done $0x0  }
0x52: {  	[sflag:s23] =	ssyncadd.s32 $0xFFFFD800  }
0x53: {  	[spmem:s20] =	stream.linear.scatter [tilespmem:s22], [sflag:$0x3], $0x2800, $0x38;
	[tilespmem:$0x1E800] =	vst v63  }
0x54: {  	_ =	swait.ge [sflag:s23], $0x2800  }
0x55: {  	[sflag:s23] =	ssyncset.done $0x0  }
0x56: {  	[sflag:s23] =	ssyncadd.s32 $0xFFFFD800  }
0x57: {  	[spmem:s21] =	stream.linear.scatter [tilespmem:s22], [sflag:$0x3], $0x2800, $0x38;
	[tilespmem:$0x1E800] =	vst v63  }
.Ltmp3:
0x58: {  	_ =	swait.ge [sflag:s23], $0x2800;
	(pc) =	sbr.rel @!p0 .LBB2_4-.Ltmp3, $4  }
0x59: {  	[sflag:s23] =	ssyncset.done $0x0  }
0x5a: {  	[sflag:s23] =	ssyncadd.s32 $0xFFFFD800  }
0x5b: {  	[bflag:$0x0] =	sbarrier.arrive $0xFFFF  }
0x5c: {  	s5 =	simm.s32 $0x0  }
0x5d: {  	[tilespmem:s5], [sflag:$0x3] =	stream.linear.gather [hbm4b:s9+s5], $0x1400, $0x38;
	[tilespmem:$0x1E800] =	vst v63  }
0x5e: {  	_ =	swait.ge [sflag:s23], $0x1400  }
0x5f: {  	[sflag:s23] =	ssyncset.done $0x0  }
0x60: {  	[sflag:s23] =	ssyncadd.s32 $0xFFFFEC00  }
0x61: {  	[tilespmem:s25], [sflag:$0x3] =	stream.linear.gather [hbm4b:s10+s5], $0x1400, $0x38;
	[tilespmem:$0x1E800] =	vst v63  }
0x62: {  	_ =	swait.ge [sflag:s23], $0x1400  }
0x63: {  	[sflag:s23] =	ssyncset.done $0x0  }
0x64: {  	[sflag:s23] =	ssyncadd.s32 $0xFFFFEC00  }
0x65: {  	[tilespmem:s22], [sflag:$0x1] =	stream.indirect.gather [hbm4b:s4+s26], $0x80, s5, s26, $0xb8;
	[tilespmem:$0x1E800] =	vst v63  }
0x66: {  	_ = 	snop  }
0x67: {  	[tilespmem:s28], [sflag:$0x2] =	stream.indirect.gather [hbm4b:s4+s26], $0x80, s26, s26, $0xb8;
	[tilespmem:$0x1E800] =	vst v63  }
0x68: {  	_ =	swait.ge [sflag:s29], $0x4000  }
0x69: {  	[sflag:s29] =	ssyncset.done $0x0  }
0x6a: {  	s7 =	simm.s32 $0x1400;
	[sflag:s29] =	ssyncadd.s32 $0xFFFFC000  }
0x6b: {  	[spmem:s1] =	stream.indirect.scatter.add.f32 [tilespmem:s22], [sflag:$0x3], $0x80, s7, s26, $0xb8;
	[tilespmem:$0x1E800] =	vst v63  }
0x6c: {  	_ =	swait.ge [sflag:s23], $0x4000  }
0x6d: {  	[sflag:s23] =	ssyncset.done $0x0  }
0x6e: {  	s6 =	simm.s32 $0x100;
	[sflag:s23] =	ssyncadd.s32 $0xFFFFC000  }
0x6f: {  	[tilespmem:s22], [sflag:$0x1] =	stream.indirect.gather [hbm4b:s4+s26], $0x80, s6, s26, $0xb8;
	[tilespmem:$0x1E800] =	vst v63  }
0x70: {  	_ =	swait.ge [sflag:s30], $0x4000  }
0x71: {  	[sflag:s30] =	ssyncset.done $0x0  }
0x72: {  	s7 =	simm.s32 $0x1480;
	[sflag:s30] =	ssyncadd.s32 $0xFFFFC000  }
0x73: {  	[spmem:s1] =	stream.indirect.scatter.add.f32 [tilespmem:s28], [sflag:$0x3], $0x80, s7, s26, $0xb8;
	[tilespmem:$0x1E800] =	vst v63  }
0x74: {  	_ =	swait.ge [sflag:s23], $0x4000  }
0x75: {  	[sflag:s23] =	ssyncset.done $0x0  }
0x76: {  	s5 =	simm.s32 $0x400;
	s6 =	simm.s32 $0x180;
	[sflag:s23] =	ssyncadd.s32 $0xFFFFC000  }
.LBB2_10:
0x77: {  	[tilespmem:s28], [sflag:$0x2] =	stream.indirect.gather [hbm4b:s4+s26], $0x80, s6, s26, $0xb8;
	[tilespmem:$0x1E800] =	vst v63  }
0x78: {  	s6 =	smov.u32 s5  }
0x79: {  	p1 =	sne.s32 s5, $0x4800;
	s5 =	sadd.s32 $0x400, s5;
	_ =	swait.ge [sflag:s29], $0x4000  }
0x7a: {  	s6 =	sshra.s32 s6, $0x2;
	[sflag:s29] =	ssyncset.done $0x0  }
0x7b: {  	s7 =	sadd.s32 $0x1400, s6;
	[sflag:s29] =	ssyncadd.s32 $0xFFFFC000  }
0x7c: {  	[spmem:s1] =	stream.indirect.scatter.add.f32 [tilespmem:s22], [sflag:$0x3], $0x80, s7, s26, $0xb8;
	[tilespmem:$0x1E800] =	vst v63  }
0x7d: {  	_ =	swait.ge [sflag:s23], $0x4000  }
0x7e: {  	[sflag:s23] =	ssyncset.done $0x0  }
0x7f: {  	s7 =	sadd.s32 $0x100, s6;
	[sflag:s23] =	ssyncadd.s32 $0xFFFFC000  }
0x80: {  	[tilespmem:s22], [sflag:$0x1] =	stream.indirect.gather [hbm4b:s4+s26], $0x80, s7, s26, $0xb8;
	[tilespmem:$0x1E800] =	vst v63  }
0x81: {  	_ =	swait.ge [sflag:s30], $0x4000  }
0x82: {  	[sflag:s30] =	ssyncset.done $0x0  }
.Ltmp4:
0x83: {  	s7 =	sadd.s32 $0x1480, s6;
	[sflag:s30] =	ssyncadd.s32 $0xFFFFC000;
	(pc) =	sbr.rel @p1 .LBB2_10-.Ltmp4, $4  }
0x84: {  	[spmem:s1] =	stream.indirect.scatter.add.f32 [tilespmem:s28], [sflag:$0x3], $0x80, s7, s26, $0xb8;
	[tilespmem:$0x1E800] =	vst v63  }
0x85: {  	_ =	swait.ge [sflag:s23], $0x4000  }
0x86: {  	[sflag:s23] =	ssyncset.done $0x0  }
0x87: {  	s6 =	sadd.s32 $0x180, s6;
	[sflag:s23] =	ssyncadd.s32 $0xFFFFC000  }
0x88: {  	[tilespmem:s28], [sflag:$0x2] =	stream.indirect.gather [hbm4b:s4+s26], $0x80, s6, s26, $0xb8;
	[tilespmem:$0x1E800] =	vst v63  }
0x89: {  	_ =	swait.ge [sflag:s29], $0x4000  }
0x8a: {  	[sflag:s29] =	ssyncset.done $0x0  }
0x8b: {  	[sflag:s29] =	ssyncadd.s32 $0xFFFFC000  }
0x8c: {  	[spmem:s1] =	stream.indirect.scatter.add.f32 [tilespmem:s22], [sflag:$0x3], $0x80, s31, s26, $0xb8;
	[tilespmem:$0x1E800] =	vst v63  }
0x8d: {  	_ =	swait.ge [sflag:s23], $0x4000  }
0x8e: {  	[sflag:s23] =	ssyncset.done $0x0  }
0x8f: {  	[sflag:s23] =	ssyncadd.s32 $0xFFFFC000  }
0x90: {  	_ =	swait.ge [sflag:s30], $0x4000  }
0x91: {  	[sflag:s30] =	ssyncset.done $0x0  }
0x92: {  	[sflag:s30] =	ssyncadd.s32 $0xFFFFC000  }
0x93: {  	[spmem:s1] =	stream.indirect.scatter.add.f32 [tilespmem:s28], [sflag:$0x3], $0x80, s0, s26, $0xb8;
	[tilespmem:$0x1E800] =	vst v63  }
0x94: {  	_ =	swait.ge [sflag:s23], $0x4000  }
0x95: {  	[sflag:s23] =	ssyncset.done $0x0  }
0x96: {  	s5 =	simm.s32 $0x0;
	[sflag:s23] =	ssyncadd.s32 $0xFFFFC000  }
0x97: {  	[tilespmem:s5], [sflag:$0x3] =	stream.linear.gather [hbm4b:s11+s5], $0x1400, $0x38;
	[tilespmem:$0x1E800] =	vst v63  }
0x98: {  	_ =	swait.ge [sflag:s23], $0x1400  }
0x99: {  	[sflag:s23] =	ssyncset.done $0x0  }
0x9a: {  	[sflag:s23] =	ssyncadd.s32 $0xFFFFEC00  }
0x9b: {  	[tilespmem:s25], [sflag:$0x3] =	stream.linear.gather [hbm4b:s12+s5], $0x1400, $0x38;
	[tilespmem:$0x1E800] =	vst v63  }
0x9c: {  	_ =	swait.ge [sflag:s23], $0x1400  }
0x9d: {  	[sflag:s23] =	ssyncset.done $0x0  }
0x9e: {  	[sflag:s23] =	ssyncadd.s32 $0xFFFFEC00  }
0x9f: {  	[tilespmem:s22], [sflag:$0x1] =	stream.indirect.gather [hbm4b:s4+s26], $0x80, s5, s26, $0xb8;
	[tilespmem:$0x1E800] =	vst v63  }
0xa0: {  	_ = 	snop  }
0xa1: {  	[tilespmem:s28], [sflag:$0x2] =	stream.indirect.gather [hbm4b:s4+s26], $0x80, s26, s26, $0xb8;
	[tilespmem:$0x1E800] =	vst v63  }
0xa2: {  	_ =	swait.ge [sflag:s29], $0x4000  }
0xa3: {  	[sflag:s29] =	ssyncset.done $0x0  }
0xa4: {  	s7 =	simm.s32 $0x1400;
	[sflag:s29] =	ssyncadd.s32 $0xFFFFC000  }
0xa5: {  	[spmem:s1] =	stream.indirect.scatter.add.f32 [tilespmem:s22], [sflag:$0x3], $0x80, s7, s26, $0xb8;
	[tilespmem:$0x1E800] =	vst v63  }
0xa6: {  	_ =	swait.ge [sflag:s23], $0x4000  }
0xa7: {  	[sflag:s23] =	ssyncset.done $0x0  }
0xa8: {  	s6 =	simm.s32 $0x100;
	[sflag:s23] =	ssyncadd.s32 $0xFFFFC000  }
0xa9: {  	[tilespmem:s22], [sflag:$0x1] =	stream.indirect.gather [hbm4b:s4+s26], $0x80, s6, s26, $0xb8;
	[tilespmem:$0x1E800] =	vst v63  }
0xaa: {  	_ =	swait.ge [sflag:s30], $0x4000  }
0xab: {  	[sflag:s30] =	ssyncset.done $0x0  }
0xac: {  	s7 =	simm.s32 $0x1480;
	[sflag:s30] =	ssyncadd.s32 $0xFFFFC000  }
0xad: {  	[spmem:s1] =	stream.indirect.scatter.add.f32 [tilespmem:s28], [sflag:$0x3], $0x80, s7, s26, $0xb8;
	[tilespmem:$0x1E800] =	vst v63  }
0xae: {  	_ =	swait.ge [sflag:s23], $0x4000  }
0xaf: {  	[sflag:s23] =	ssyncset.done $0x0  }
0xb0: {  	s5 =	simm.s32 $0x400;
	s6 =	simm.s32 $0x180;
	[sflag:s23] =	ssyncadd.s32 $0xFFFFC000  }
.LBB2_12:
0xb1: {  	[tilespmem:s28], [sflag:$0x2] =	stream.indirect.gather [hbm4b:s4+s26], $0x80, s6, s26, $0xb8;
	[tilespmem:$0x1E800] =	vst v63  }
0xb2: {  	s6 =	smov.u32 s5  }
0xb3: {  	p1 =	sne.s32 s5, $0x4800;
	s5 =	sadd.s32 $0x400, s5;
	_ =	swait.ge [sflag:s29], $0x4000  }
0xb4: {  	s6 =	sshra.s32 s6, $0x2;
	[sflag:s29] =	ssyncset.done $0x0  }
0xb5: {  	s7 =	sadd.s32 $0x1400, s6;
	[sflag:s29] =	ssyncadd.s32 $0xFFFFC000  }
0xb6: {  	[spmem:s1] =	stream.indirect.scatter.add.f32 [tilespmem:s22], [sflag:$0x3], $0x80, s7, s26, $0xb8;
	[tilespmem:$0x1E800] =	vst v63  }
0xb7: {  	_ =	swait.ge [sflag:s23], $0x4000  }
0xb8: {  	[sflag:s23] =	ssyncset.done $0x0  }
0xb9: {  	s7 =	sadd.s32 $0x100, s6;
	[sflag:s23] =	ssyncadd.s32 $0xFFFFC000  }
0xba: {  	[tilespmem:s22], [sflag:$0x1] =	stream.indirect.gather [hbm4b:s4+s26], $0x80, s7, s26, $0xb8;
	[tilespmem:$0x1E800] =	vst v63  }
0xbb: {  	_ =	swait.ge [sflag:s30], $0x4000  }
0xbc: {  	[sflag:s30] =	ssyncset.done $0x0  }
.Ltmp5:
0xbd: {  	s7 =	sadd.s32 $0x1480, s6;
	[sflag:s30] =	ssyncadd.s32 $0xFFFFC000;
	(pc) =	sbr.rel @p1 .LBB2_12-.Ltmp5, $4  }
0xbe: {  	[spmem:s1] =	stream.indirect.scatter.add.f32 [tilespmem:s28], [sflag:$0x3], $0x80, s7, s26, $0xb8;
	[tilespmem:$0x1E800] =	vst v63  }
0xbf: {  	_ =	swait.ge [sflag:s23], $0x4000  }
0xc0: {  	[sflag:s23] =	ssyncset.done $0x0  }
0xc1: {  	s6 =	sadd.s32 $0x180, s6;
	[sflag:s23] =	ssyncadd.s32 $0xFFFFC000  }
.Ltmp6:
0xc2: {  	(pc) =	sbr.rel .LBB2_14-.Ltmp6, $2  }
0xc3: {  	_ =	sdelay $0x2  }
0xc4: {  	[tilespmem:s28], [sflag:$0x2] =	stream.indirect.gather [hbm4b:s4+s26], $0x80, s6, s26, $0xb8;
	[tilespmem:$0x1E800] =	vst v63  }
.LBB2_4:
0xc5: {  	s6 =	rddreg [dreg:$0x4]  }
0xc6: {  	[tilespmem:s5], [sflag:$0x3] =	stream.linear.gather [hbm4b:s6+s5], $0x1400, $0x38;
	[tilespmem:$0x1E800] =	vst v63  }
0xc7: {  	_ =	swait.ge [sflag:s23], $0x1400  }
0xc8: {  	[sflag:s23] =	ssyncset.done $0x0  }
0xc9: {  	s7 =	rddreg [dreg:$0x5];
	[sflag:s23] =	ssyncadd.s32 $0xFFFFEC00  }
0xca: {  	[tilespmem:s25], [sflag:$0x3] =	stream.linear.gather [hbm4b:s7+s5], $0x1400, $0x38;
	[tilespmem:$0x1E800] =	vst v63  }
0xcb: {  	_ =	swait.ge [sflag:s23], $0x1400  }
0xcc: {  	[sflag:s23] =	ssyncset.done $0x0  }
0xcd: {  	[sflag:s23] =	ssyncadd.s32 $0xFFFFEC00  }
0xce: {  	[tilespmem:s22], [sflag:$0x1] =	stream.indirect.gather [hbm4b:s4+s26], $0x80, s5, s26, $0xb8;
	[tilespmem:$0x1E800] =	vst v63  }
0xcf: {  	_ = 	snop  }
0xd0: {  	[tilespmem:s28], [sflag:$0x2] =	stream.indirect.gather [hbm4b:s4+s26], $0x80, s26, s26, $0xb8;
	[tilespmem:$0x1E800] =	vst v63  }
0xd1: {  	_ =	swait.ge [sflag:s29], $0x4000  }
0xd2: {  	[sflag:s29] =	ssyncset.done $0x0  }
0xd3: {  	s7 =	simm.s32 $0x1400;
	[sflag:s29] =	ssyncadd.s32 $0xFFFFC000  }
0xd4: {  	[spmem:s1] =	stream.indirect.scatter.add.f32 [tilespmem:s22], [sflag:$0x3], $0x80, s7, s26, $0xb8;
	[tilespmem:$0x1E800] =	vst v63  }
0xd5: {  	_ =	swait.ge [sflag:s23], $0x4000  }
0xd6: {  	[sflag:s23] =	ssyncset.done $0x0  }
0xd7: {  	s6 =	simm.s32 $0x100;
	[sflag:s23] =	ssyncadd.s32 $0xFFFFC000  }
0xd8: {  	[tilespmem:s22], [sflag:$0x1] =	stream.indirect.gather [hbm4b:s4+s26], $0x80, s6, s26, $0xb8;
	[tilespmem:$0x1E800] =	vst v63  }
0xd9: {  	_ =	swait.ge [sflag:s30], $0x4000  }
0xda: {  	[sflag:s30] =	ssyncset.done $0x0  }
0xdb: {  	s7 =	simm.s32 $0x1480;
	[sflag:s30] =	ssyncadd.s32 $0xFFFFC000  }
0xdc: {  	[spmem:s1] =	stream.indirect.scatter.add.f32 [tilespmem:s28], [sflag:$0x3], $0x80, s7, s26, $0xb8;
	[tilespmem:$0x1E800] =	vst v63  }
0xdd: {  	_ =	swait.ge [sflag:s23], $0x4000  }
0xde: {  	[sflag:s23] =	ssyncset.done $0x0  }
0xdf: {  	s5 =	simm.s32 $0x400;
	s6 =	simm.s32 $0x180;
	[sflag:s23] =	ssyncadd.s32 $0xFFFFC000  }
.LBB2_5:
0xe0: {  	[tilespmem:s28], [sflag:$0x2] =	stream.indirect.gather [hbm4b:s4+s26], $0x80, s6, s26, $0xb8;
	[tilespmem:$0x1E800] =	vst v63  }
0xe1: {  	s6 =	smov.u32 s5  }
0xe2: {  	p1 =	sne.s32 s5, $0x4800;
	s5 =	sadd.s32 $0x400, s5;
	_ =	swait.ge [sflag:s29], $0x4000  }
0xe3: {  	s6 =	sshra.s32 s6, $0x2;
	[sflag:s29] =	ssyncset.done $0x0  }
0xe4: {  	s7 =	sadd.s32 $0x1400, s6;
	[sflag:s29] =	ssyncadd.s32 $0xFFFFC000  }
0xe5: {  	[spmem:s1] =	stream.indirect.scatter.add.f32 [tilespmem:s22], [sflag:$0x3], $0x80, s7, s26, $0xb8;
	[tilespmem:$0x1E800] =	vst v63  }
0xe6: {  	_ =	swait.ge [sflag:s23], $0x4000  }
0xe7: {  	[sflag:s23] =	ssyncset.done $0x0  }
0xe8: {  	s7 =	sadd.s32 $0x100, s6;
	[sflag:s23] =	ssyncadd.s32 $0xFFFFC000  }
0xe9: {  	[tilespmem:s22], [sflag:$0x1] =	stream.indirect.gather [hbm4b:s4+s26], $0x80, s7, s26, $0xb8;
	[tilespmem:$0x1E800] =	vst v63  }
0xea: {  	_ =	swait.ge [sflag:s30], $0x4000  }
0xeb: {  	[sflag:s30] =	ssyncset.done $0x0  }
.Ltmp7:
0xec: {  	s7 =	sadd.s32 $0x1480, s6;
	[sflag:s30] =	ssyncadd.s32 $0xFFFFC000;
	(pc) =	sbr.rel @p1 .LBB2_5-.Ltmp7, $4  }
0xed: {  	[spmem:s1] =	stream.indirect.scatter.add.f32 [tilespmem:s28], [sflag:$0x3], $0x80, s7, s26, $0xb8;
	[tilespmem:$0x1E800] =	vst v63  }
0xee: {  	_ =	swait.ge [sflag:s23], $0x4000  }
0xef: {  	[sflag:s23] =	ssyncset.done $0x0  }
0xf0: {  	s6 =	sadd.s32 $0x180, s6;
	[sflag:s23] =	ssyncadd.s32 $0xFFFFC000  }
0xf1: {  	[tilespmem:s28], [sflag:$0x2] =	stream.indirect.gather [hbm4b:s4+s26], $0x80, s6, s26, $0xb8;
	[tilespmem:$0x1E800] =	vst v63  }
0xf2: {  	_ =	swait.ge [sflag:s29], $0x4000  }
0xf3: {  	[sflag:s29] =	ssyncset.done $0x0  }
0xf4: {  	[sflag:s29] =	ssyncadd.s32 $0xFFFFC000  }
0xf5: {  	[spmem:s1] =	stream.indirect.scatter.add.f32 [tilespmem:s22], [sflag:$0x3], $0x80, s31, s26, $0xb8;
	[tilespmem:$0x1E800] =	vst v63  }
0xf6: {  	_ =	swait.ge [sflag:s23], $0x4000  }
0xf7: {  	[sflag:s23] =	ssyncset.done $0x0  }
0xf8: {  	[sflag:s23] =	ssyncadd.s32 $0xFFFFC000  }
0xf9: {  	_ =	swait.ge [sflag:s30], $0x4000  }
0xfa: {  	[sflag:s30] =	ssyncset.done $0x0  }
0xfb: {  	[sflag:s30] =	ssyncadd.s32 $0xFFFFC000  }
0xfc: {  	[spmem:s1] =	stream.indirect.scatter.add.f32 [tilespmem:s28], [sflag:$0x3], $0x80, s0, s26, $0xb8;
	[tilespmem:$0x1E800] =	vst v63  }
0xfd: {  	_ =	swait.ge [sflag:s23], $0x4000  }
0xfe: {  	[sflag:s23] =	ssyncset.done $0x0  }
0xff: {  	s5 =	simm.s32 $0x0;
	s7 =	rddreg [dreg:$0x6];
	[sflag:s23] =	ssyncadd.s32 $0xFFFFC000  }
0x100: {  	[tilespmem:s5], [sflag:$0x3] =	stream.linear.gather [hbm4b:s7+s5], $0x1400, $0x38;
	[tilespmem:$0x1E800] =	vst v63  }
0x101: {  	_ =	swait.ge [sflag:s23], $0x1400  }
0x102: {  	[sflag:s23] =	ssyncset.done $0x0  }
0x103: {  	[sflag:s23] =	ssyncadd.s32 $0xFFFFEC00  }
0x104: {  	[tilespmem:s25], [sflag:$0x3] =	stream.linear.gather [hbm4b:s8+s5], $0x1400, $0x38;
	[tilespmem:$0x1E800] =	vst v63  }
0x105: {  	_ =	swait.ge [sflag:s23], $0x1400  }
0x106: {  	[sflag:s23] =	ssyncset.done $0x0  }
0x107: {  	[sflag:s23] =	ssyncadd.s32 $0xFFFFEC00  }
0x108: {  	[tilespmem:s22], [sflag:$0x1] =	stream.indirect.gather [hbm4b:s4+s26], $0x80, s5, s26, $0xb8;
	[tilespmem:$0x1E800] =	vst v63  }
0x109: {  	_ = 	snop  }
0x10a: {  	[tilespmem:s28], [sflag:$0x2] =	stream.indirect.gather [hbm4b:s4+s26], $0x80, s26, s26, $0xb8;
	[tilespmem:$0x1E800] =	vst v63  }
0x10b: {  	_ =	swait.ge [sflag:s29], $0x4000  }
0x10c: {  	[sflag:s29] =	ssyncset.done $0x0  }
0x10d: {  	s7 =	simm.s32 $0x1400;
	[sflag:s29] =	ssyncadd.s32 $0xFFFFC000  }
0x10e: {  	[spmem:s1] =	stream.indirect.scatter.add.f32 [tilespmem:s22], [sflag:$0x3], $0x80, s7, s26, $0xb8;
	[tilespmem:$0x1E800] =	vst v63  }
0x10f: {  	_ =	swait.ge [sflag:s23], $0x4000  }
0x110: {  	[sflag:s23] =	ssyncset.done $0x0  }
0x111: {  	s6 =	simm.s32 $0x100;
	[sflag:s23] =	ssyncadd.s32 $0xFFFFC000  }
0x112: {  	[tilespmem:s22], [sflag:$0x1] =	stream.indirect.gather [hbm4b:s4+s26], $0x80, s6, s26, $0xb8;
	[tilespmem:$0x1E800] =	vst v63  }
0x113: {  	_ =	swait.ge [sflag:s30], $0x4000  }
0x114: {  	[sflag:s30] =	ssyncset.done $0x0  }
0x115: {  	s7 =	simm.s32 $0x1480;
	[sflag:s30] =	ssyncadd.s32 $0xFFFFC000  }
0x116: {  	[spmem:s1] =	stream.indirect.scatter.add.f32 [tilespmem:s28], [sflag:$0x3], $0x80, s7, s26, $0xb8;
	[tilespmem:$0x1E800] =	vst v63  }
0x117: {  	_ =	swait.ge [sflag:s23], $0x4000  }
0x118: {  	[sflag:s23] =	ssyncset.done $0x0  }
0x119: {  	s5 =	simm.s32 $0x400;
	s6 =	simm.s32 $0x180;
	[sflag:s23] =	ssyncadd.s32 $0xFFFFC000  }
.LBB2_7:
0x11a: {  	[tilespmem:s28], [sflag:$0x2] =	stream.indirect.gather [hbm4b:s4+s26], $0x80, s6, s26, $0xb8;
	[tilespmem:$0x1E800] =	vst v63  }
0x11b: {  	s6 =	smov.u32 s5  }
0x11c: {  	p1 =	seq.s32 s5, $0x4800;
	s5 =	sadd.s32 $0x400, s5;
	_ =	swait.ge [sflag:s29], $0x4000  }
0x11d: {  	s6 =	sshra.s32 s6, $0x2;
	[sflag:s29] =	ssyncset.done $0x0  }
0x11e: {  	s7 =	sadd.s32 $0x1400, s6;
	[sflag:s29] =	ssyncadd.s32 $0xFFFFC000  }
0x11f: {  	[spmem:s1] =	stream.indirect.scatter.add.f32 [tilespmem:s22], [sflag:$0x3], $0x80, s7, s26, $0xb8;
	[tilespmem:$0x1E800] =	vst v63  }
0x120: {  	_ =	swait.ge [sflag:s23], $0x4000  }
0x121: {  	[sflag:s23] =	ssyncset.done $0x0  }
0x122: {  	s7 =	sadd.s32 $0x100, s6;
	[sflag:s23] =	ssyncadd.s32 $0xFFFFC000  }
0x123: {  	[tilespmem:s22], [sflag:$0x1] =	stream.indirect.gather [hbm4b:s4+s26], $0x80, s7, s26, $0xb8;
	[tilespmem:$0x1E800] =	vst v63  }
0x124: {  	_ =	swait.ge [sflag:s30], $0x4000  }
0x125: {  	[sflag:s30] =	ssyncset.done $0x0  }
.Ltmp8:
0x126: {  	s7 =	sadd.s32 $0x1480, s6;
	[sflag:s30] =	ssyncadd.s32 $0xFFFFC000;
	(pc) =	sbr.rel @!p1 .LBB2_7-.Ltmp8, $4  }
0x127: {  	[spmem:s1] =	stream.indirect.scatter.add.f32 [tilespmem:s28], [sflag:$0x3], $0x80, s7, s26, $0xb8;
	[tilespmem:$0x1E800] =	vst v63  }
0x128: {  	_ =	swait.ge [sflag:s23], $0x4000  }
0x129: {  	[sflag:s23] =	ssyncset.done $0x0  }
0x12a: {  	s6 =	sadd.s32 $0x180, s6;
	[sflag:s23] =	ssyncadd.s32 $0xFFFFC000  }
.Ltmp9:
0x12b: {  	_ = 	snop;
	(pc) =	sbr.rel .LBB2_8-.Ltmp9, $1  }
0x12c: {  	_ =	sdelay $0x3  }
.LBB2_15:
0x12d: {  	_ =	sfence.sel $0x180000  }
0x12e: {  	[bflag:$0x0] =	sbarrier.arrive $0xFFFF  }
0x12f: {  	_ =	strace $0x9000004A  }
0x130: {  	[bflag:$0x2] =	sbarrier.arrive $0xFFFF  }
0x131: {  	p0 =	sne.s32 s3, $0x0;
	s0 =	rddreg [dreg:$0x3]  }
0x132: {  	s0 =	sadd.s32 @!p0 $0x100000, s0  }
0x133: {  	[sflag:s0] =	ssyncadd.tile.s32 @!p0 $0x1;
	_ =	shalt  }
.Lfunc_end2:
_tile_overlayer_lowered:
.L_overlay_start_2:
0x134: {  	(tag) =	ssettag $0x2  }
0x135: {  	s0 =	rddreg [dreg:$0x0];
	s2 =	stileid.u32  }
0x136: {  	s1 =	rddreg [dreg:$0x1];
	p0 =	sne.s32 s2, $0x0  }
0x137: {  	s3 =	rddreg [dreg:$0x2];
	[bflag:$0x3] =	sbarrier.arrive $0xFFFF;
	s2 =	simm.s32 @!p0 $0x1C03  }
0x138: {  	[timem:s3], [sflag:s2] =	dma.local @!p0 [hbm:s0], s1  }
0x139: {  	s0 =	simm.s32 @!p0 $0x3  }
0x13a: {  	_ =	swait.ge @!p0 [sflag:s0], s1  }
0x13b: {  	s1 =	ssub.s32 @!p0 $0x0, s1;
	[sflag:s0] =	ssyncset.done @!p0 $0x0  }
0x13c: {  	[sflag:s0] =	ssyncadd.s32 @!p0 s1  }
0x13d: {  	[bflag:$0x3] =	sbarrier.arrive $0xFFFF  }
0x13e: {  	_ =	shalt  }

// kernel: kernel.14.cloned.1.call-start
scs
__scs_entry_jumppad:
0x0: {  	(pc) =	sbr.rel $0x88, $3  }
0x1: {  	(tag) =	ssettag $0x0;
	lr =	simm.s32 $0x1  }
0x2: {  	[smem:$0x3F9B] =	sst lr;
	_ =	strace $0xD0000000  }
0x3: {  	_ = 	snop  }
0x4: {  	_ = 	snop  }
0x5: {  	_ = 	snop  }
0x6: {  	_ = 	snop  }
0x7: {  	_ = 	snop  }
__scs_overlays_trampoline_lowered:
0x8: {  	[smem:$0x3FAA] =	sst s0  }
0x9: {  	[smem:$0x3FAB] =	sst s1  }
0xa: {  	[smem:$0x3FAC] =	sst s2  }
0xb: {  	[smem:$0x3FAD] =	sst s3  }
0xc: {  	[smem:$0x3FAE] =	sst s4  }
0xd: {  	[smem:$0x3FAF] =	sst s5  }
0xe: {  	[smem:$0x3FB0] =	sst s6  }
0xf: {  	[smem:$0x3FB1] =	sst s7  }
0x10: {  	[smem:$0x3FB2] =	sst s8  }
0x11: {  	[smem:$0x3FB3] =	sst s9;
	s0 =	simm.s32 @!p0 $0x0  }
0x12: {  	s1 =	sld [smem:$0x3F99];
	s0 =	simm.s32 @p0 $0x1  }
0x13: {  	[smem:$0x3FB4] =	sst s0;
	s0 =	simm.s32 @!p1 $0x0  }
0x14: {  	s2 =	sld [smem:$0x3F98];
	s0 =	simm.s32 @p1 $0x1  }
0x15: {  	[smem:$0x3FB5] =	sst s0;
	s0 =	simm.s32 @!p2 $0x0  }
0x16: {  	s3 =	sld [smem:$0x3FDB];
	s0 =	simm.s32 @p2 $0x1  }
0x17: {  	s4 =	simm.s32 $0x1BF5;
	[smem:$0x3FB7] =	sst s0  }
0x18: {  	s0 =	sld [smem:$0x3F9A];
	_ =	swait.ge [sflag:s4], $0x0  }
0x19: {  	s7 =	sld [smem:$0x3F9B]  }
0x1a: {  	s8 =	sadd.s32 $0xFFFFE003, lr  }
0x1b: {  	s9 =	sadd.s32 $0xFFFFFEF7, lr;
	s5 =	simm.s32 $0xFFFFFFFF;
	p2 =	slt.u32 s8, $0xFFFFF086  }
0x1c: {  	p1 =	slt.u32 s9, $0xF7A;
	s5 =	simm.s32 @!p2 $0x0  }
0x1d: {  	s5 =	simm.s32 @p1 $0x1;
	p0 =	seq.s32 s7, s2  }
0x1e: {  	s7 =	smul.u32 @!p0 $0xF7A, s2;
	p2 =	seq.s32 @!p0 s5, $0x0  }
0x1f: {  	s9 =	smul.u32 $0xF7A, s1;
	s8 =	simm.s32 @!p0 $0x1BF5;
	p2 =	por !p2, p0  }
0x20: {  	[sflag:s8] =	ssyncset.s32 @!p0 $0xFFFFF086;
	s6 =	sadd.s32 @!p0 s3, s7;
	s7 =	simm.s32 @!p0 $0x108  }
0x21: {  	s3 =	sadd.s32 s3, s9;
	s6 =	sadd.s32 @!p0 $0x88, s6;
	s7 =	simm.s32 @p2 $0x1082  }
0x22: {  	[simem:s7], [sflag:s8] =	dma.local @!p0 [hbm:s6], $0xF7A  }
0x23: {  	s9 =	sor.u32 $0xD0000000, s2;
	s6 =	simm.s32 $0x108;
	_ =	swait.ge @!p0 [sflag:s8], $0x0  }
0x24: {  	s3 =	sadd.s32 $0x88, s3;
	s6 =	simm.s32 @!p1 $0x1082;
	[sflag:s4] =	ssyncset.s32 $0xFFFFF086  }
0x25: {  	[simem:s6], [sflag:s4] =	dma.local [hbm:s3], $0xF7A  }
0x26: {  	[smem:$0x3F9B] =	sst s1;
	(tag) =	ssettag s2;
	_ =	strace s9  }
0x27: {  	s1 =	sld [smem:$0x3FAB]  }
0x28: {  	s2 =	sld [smem:$0x3FAC]  }
0x29: {  	s4 =	sld [smem:$0x3FAE]  }
0x2a: {  	p0 =	seq.s32 s5, $0x0;
	s5 =	sld [smem:$0x3FAF]  }
0x2b: {  	s6 =	sld [smem:$0x3FB0]  }
0x2c: {  	s7 =	sld [smem:$0x3FB1]  }
0x2d: {  	s3 =	simm.s32 $0x108;
	s8 =	sld [smem:$0x3FB2]  }
0x2e: {  	s3 =	simm.s32 @!p0 $0x1082;
	s9 =	sld [smem:$0x3FB3]  }
0x2f: {  	lr =	sadd.s32 s0, s3;
	s0 =	sld [smem:$0x3FAA]  }
0x30: {  	s3 =	sld [smem:$0x3FAD]  }
0x31: {  	[smem:$0x3FB6] =	sst s10  }
0x32: {  	s10 =	sld [smem:$0x3FB4];
	_ =	sdelay $0x3  }
0x33: {  	p0 =	seq.s32 s10, $0x1;
	s10 =	sld [smem:$0x3FB6];
	_ =	sdelay $0x3  }
0x34: {  	[smem:$0x3FB6] =	sst s10  }
0x35: {  	s10 =	sld [smem:$0x3FB5];
	_ =	sdelay $0x3  }
0x36: {  	p1 =	seq.s32 s10, $0x1;
	s10 =	sld [smem:$0x3FB6];
	_ =	sdelay $0x3  }
0x37: {  	[smem:$0x3FB6] =	sst s10  }
0x38: {  	s10 =	sld [smem:$0x3FB7]  }
0x39: {  	_ = 	snop;
	(pc) =	sbr.ind lr, $3  }
0x3a: {  	_ = 	snop  }
0x3b: {  	_ = 	snop  }
0x3c: {  	p2 =	seq.s32 s10, $0x1;
	s10 =	sld [smem:$0x3FB6]  }
0x3d: {  	_ =	shalt  }
0x3e: {  	_ =	shalt  }
0x3f: {  	_ =	shalt  }
0x40: {  	_ =	shalt  }
0x41: {  	_ =	shalt  }
0x42: {  	_ =	shalt  }
0x43: {  	_ =	shalt  }
0x44: {  	_ =	shalt  }
0x45: {  	_ =	shalt  }
0x46: {  	_ =	shalt  }
0x47: {  	_ =	shalt  }
0x48: {  	_ =	shalt  }
0x49: {  	_ =	shalt  }
0x4a: {  	_ =	shalt  }
0x4b: {  	_ =	shalt  }
0x4c: {  	_ =	shalt  }
0x4d: {  	_ =	shalt  }
0x4e: {  	_ =	shalt  }
0x4f: {  	_ =	shalt  }
0x50: {  	_ =	shalt  }
0x51: {  	_ =	shalt  }
0x52: {  	_ =	shalt  }
0x53: {  	_ =	shalt  }
0x54: {  	_ =	shalt  }
0x55: {  	_ =	shalt  }
0x56: {  	_ =	shalt  }
0x57: {  	_ =	shalt  }
0x58: {  	_ =	shalt  }
0x59: {  	_ =	shalt  }
0x5a: {  	_ =	shalt  }
0x5b: {  	_ =	shalt  }
0x5c: {  	_ =	shalt  }
0x5d: {  	_ =	shalt  }
0x5e: {  	_ =	shalt  }
0x5f: {  	_ =	shalt  }
0x60: {  	_ =	shalt  }
0x61: {  	_ =	shalt  }
0x62: {  	_ =	shalt  }
0x63: {  	_ =	shalt  }
0x64: {  	_ =	shalt  }
0x65: {  	_ =	shalt  }
0x66: {  	_ =	shalt  }
0x67: {  	_ =	shalt  }
0x68: {  	_ =	shalt  }
0x69: {  	_ =	shalt  }
0x6a: {  	_ =	shalt  }
0x6b: {  	_ =	shalt  }
0x6c: {  	_ =	shalt  }
0x6d: {  	_ =	shalt  }
0x6e: {  	_ =	shalt  }
0x6f: {  	_ =	shalt  }
0x70: {  	_ =	shalt  }
0x71: {  	_ =	shalt  }
0x72: {  	_ =	shalt  }
0x73: {  	_ =	shalt  }
0x74: {  	_ =	shalt  }
0x75: {  	_ =	shalt  }
0x76: {  	_ =	shalt  }
0x77: {  	_ =	shalt  }
0x78: {  	_ =	shalt  }
0x79: {  	_ =	shalt  }
0x7a: {  	_ =	shalt  }
0x7b: {  	_ =	shalt  }
0x7c: {  	_ =	shalt  }
0x7d: {  	_ =	shalt  }
0x7e: {  	_ =	shalt  }
0x7f: {  	_ =	shalt  }
0x80: {  	_ =	shalt  }
0x81: {  	_ =	shalt  }
0x82: {  	_ =	shalt  }
0x83: {  	_ =	shalt  }
0x84: {  	_ =	shalt  }
0x85: {  	_ =	shalt  }
0x86: {  	_ =	shalt  }
0x87: {  	_ =	shalt  }
.Lfunc_end0:
.L_simem_size_0:
called_computation.2_lowered:
.L_overlay_start_0:
0x88: {  	s2 =	sld [smem:$0x3FD9]  }
0x89: {  	s3 =	sld [smem:$0x3FFE];
	_ =	sdelay $0x1  }
0x8a: {  	s1 =	srdreg.scid  }
0x8b: {  	s0 =	sand.u32 $0x1, s1  }
0x8c: {  	s17 =	sshll.u32 s0, $0xA;
	s2 =	sadd.s32 s3, s2  }
0x8d: {  	s2 =	sadd.s32 s2, s17  }
0x8e: {  	[smem:$0x3FC2] =	sst s2  }
0x8f: {  	_ = 	snop  }
0x90: {  	s2 =	sld [smem:$0x3FD0];
	(tm) =	ssettm $0x1  }
0x91: {  	s18 =	sld [smem:$0x3FFB];
	_ =	sdelay $0x3  }
0x92: {  	_ =	strace s18  }
0x93: {  	s3 =	sld [smem:$0x3FFC];
	_ =	sdelay $0x3  }
0x94: {  	_ =	strace s3  }
0x95: {  	s3 =	sld [smem:$0x3FFD];
	_ =	sdelay $0x3  }
0x96: {  	_ =	strace s3  }
0x97: {  	_ =	strace $0x8FFFFFFF  }
0x98: {  	s19 =	sld [smem:$0x3FDB];
	_ =	sdelay $0x1  }
0x99: {  	s4 =	simm.s32 $_scs_section_size  }
0x9a: {  	s5 =	simm.s32 $_size__tile_overlayer_lowered;
	s6 =	simm.s32 $_tile_overlayer_lowered  }
0x9b: {  	s22 =	simm.s32 $0x1BFF;
	s21 =	sshll.u32 s6, $0x1;
	s3 =	sadd.s32 s4, s19  }
0x9c: {  	s7 =	simm.s32 $0x0;
	s20 =	sshll.u32 s5, $0x1;
	s5 =	sadd.s32 s21, s3  }
0x9d: {  	[timem:s7], [sflag:s22] =	dma.local [hbm:s5], s20  }
0x9e: {  	_ =	swait.ge [sflag:s22], s20  }
0x9f: {  	s4 =	ssub.s32 $0x0, s20;
	[sflag:s22] =	ssyncset.done $0x0  }
0xa0: {  	[sflag:s22] =	ssyncadd.s32 s4;
	_ =	sdelay $0x1  }
0xa1: {  	s23 =	simm.s32 $0x1B8B  }
0xa2: {  	_ =	swait.ge [sflag:s23], $0x1  }
0xa3: {  	[sflag:s23] =	ssyncset.done $0x0  }
0xa4: {  	s25 =	simm.s32 $0x1B8E;
	s24 =	sld [smem:$0x3FFE];
	[sflag:s23] =	ssyncadd.s32 $0xFFFFFFFF  }
0xa5: {  	s26 =	simm.s32 $execute0_lowered;
	[smem:$0x3FD2] =	sst s25  }
0xa6: {  	s5 =	sshll.u32 s26, $0x1;
	_ =	strace $0x8000004C;
	[dreg:$0x1] =	wrdreg $0xFFFFFFFF  }
0xa7: {  	s28 =	simm.s32 $_size_execute0_lowered;
	s3 =	sadd.s32 s3, s5;
	[dreg:$0x0] =	wrdreg $0x0  }
0xa8: {  	s5 =	sshll.u32 s28, $0x1;
	[dreg:$0x2] =	wrdreg s3  }
0xa9: {  	[dreg:$0x3] =	wrdreg s5  }
0xaa: {  	[dreg:$0x4] =	wrdreg $0xC0  }
0xab: {  	_ =	task [dreg:s7], $0x5FFFF  }
0xac: {  	[dreg:$0x1] =	wrdreg $0xFFFFFFFF  }
0xad: {  	[dreg:$0x0] =	wrdreg $0x60  }
0xae: {  	[dreg:$0x2] =	wrdreg s24  }
0xaf: {  	[dreg:$0x3] =	wrdreg s2  }
0xb0: {  	[dreg:$0x4] =	wrdreg $0xA8000  }
0xb1: {  	[dreg:$0x5] =	wrdreg $0x9  }
0xb2: {  	_ =	task.clear_ibuf [dreg:s7], $0x6FFFF;
	_ =	strace $0x9000004C  }
0xb3: {  	s29 =	simm.s32 $0x9;
	_ =	strace $0x8000004E  }
0xb4: {  	_ =	swait.ge [sflag:s29], $0x1  }
0xb5: {  	[sflag:s29] =	ssyncadd.s32 $0xFFFFFFFF  }
0xb6: {  	_ =	strace $0x9000004E  }
0xb7: {  	_ =	sfence  }
0xb8: {  	s30 =	sld [smem:$0x0];
	_ =	sdelay $0x2  }
0xb9: {  	s31 =	sshll.u32 s1, $0xD;
	s1 =	sshrl.u32 s1, $0x2  }
0xba: {  	s3 =	sand.u32 $0x4000, s31;
	s1 =	sadd.s32 s1, s30  }
0xbb: {  	s0 =	sor.u32 s3, s0;
	s1 =	sshll.u32 s1, $0x11  }
0xbc: {  	s0 =	sor.u32 s1, s0  }
0xbd: {  	s0 =	sadd.s32 $0x8F2B, s0  }
0xbe: {  	[sflag:s0] =	ssyncadd.remote.s32 $0x1  }
0xbf: {  	_ =	sfence.sel $0xFFFF  }
0xc0: {  	[dreg:$0x0] =	wrdreg $0xFFFFFFFF;
	(pc) =	sbr.abs _section_cstart, $3  }
0xc1: {  	[dreg:$0x1] =	wrdreg $0xFFFFFFFF  }
0xc2: {  	_ =	task.clear_ibuf [dreg:s7], $0x2FFFF;
	_ =	strace $0x9FFFFFFF  }
0xc3: {  	(tm) =	ssettm $0x7FFFFFFF  }
tec
execute0_lowered:
.L_overlay_start_1:
0x0: {  	(tag) =	ssettag $0x1  }
0x1: {  	s0 =	rddreg [dreg:$0x0]  }
0x2: {  	s5 =	rddreg [dreg:$0x1]  }
0x3: {  	s1 =	rddreg [dreg:$0x2]  }
0x4: {  	s2 =	simm.s32 $0x0;
	s3 =	srdreg.scid;
	s28 =	simm.s32 $0x6800  }
0x5: {  	s29 =	simm.s32 $0x1;
	s30 =	simm.s32 $0x2;
	s6 =	sand.u32 $0x1, s3  }
0x6: {  	s31 =	simm.s32 $0x2700;
	s3 =	stileid.u32;
	s7 =	smul.u32 $0x28000, s6  }
0x7: {  	[smem:$0x7FF] =	sst s2;
	s4 =	sadd.s32 $0x5CA00, s0;
	s24 =	smul.u32 $0x2800, s3  }
0x8: {  	s12 =	sadd.s32 $0x2A00, s0;
	_ =	strace $0x8000004D;
	s9 =	smul.u32 $0x500, s3  }
0x9: {  	s8 =	ssub.s32 $0x2, s6;
	p0 =	seq.s32 s6, $0x1;
	s13 =	smul.u32 $0x50000, s3  }
0xa: {  	s19 =	sshrl.u32 s8, $0x1;
	s0 =	sadd.s32 s7, s0;
	s21 =	sadd.s32 s5, s9  }
0xb: {  	s14 =	ssub.s32 s8, s19;
	s22 =	sadd.s32 s12, s9;
	[dreg:$0x4] =	wrdreg s21  }
0xc: {  	s20 =	sshrl.u32 s24, $0x3;
	s26 =	sshrl.u32 s13, $0x2;
	[dreg:$0x5] =	wrdreg s22  }
0xd: {  	s23 =	sadd.s32 $0x280, s20;
	s10 =	sadd.s32 $0x5000, s20;
	s6 =	sadd.s32 $0x5280, s20  }
0xe: {  	s0 =	sadd.s32 $0x84A00, s0;
	s13 =	sadd.s32 s26, s1;
	s14 =	smax.u32 s14, $0x1  }
0xf: {  	s22 =	simm.s32 $0x2800;
	s26 =	simm.s32 $0x80;
	s25 =	sadd.s32 s5, s23  }
0x10: {  	s8 =	sadd.s32 s12, s23;
	s9 =	sadd.s32 s5, s10;
	s10 =	sadd.s32 s12, s10  }
.Ltmp0:
0x11: {  	s11 =	sadd.s32 s5, s6;
	s12 =	sadd.s32 s12, s6;
	(pc) =	sbr.rel .LBB2_1-.Ltmp0, $4  }
0x12: {  	s15 =	sadd.s32 $0x2800, s13;
	s16 =	sadd.s32 $0x5000, s13;
	s17 =	sadd.s32 $0x7800, s13  }
0x13: {  	s18 =	sadd.s32 $0xA000, s13;
	s19 =	sadd.s32 $0xC800, s13;
	s20 =	sadd.s32 $0xF000, s13  }
0x14: {  	s21 =	sadd.s32 $0x11800, s13;
	s23 =	simm.s32 $0x3;
	s24 =	sadd.s32 s24, s0  }
0x15: {  	v0 =	vimm.f32 $0.0e+00;
	s0 =	simm.s32 $0x2780;
	[dreg:$0x6] =	wrdreg s25;
	s25 =	simm.s32 $0x1400  }
.LBB2_8:
0x16: {  	[tilespmem:s28], [sflag:$0x2] =	stream.indirect.gather [hbm4b:s4+s26], $0x80, s6, s26, $0xb8;
	[tilespmem:$0x1E800] =	vst v63  }
.LBB2_14:
0x17: {  	_ =	swait.ge [sflag:s29], $0x4000  }
0x18: {  	[sflag:s29] =	ssyncset.done $0x0  }
0x19: {  	[sflag:s29] =	ssyncadd.s32 $0xFFFFC000  }
0x1a: {  	[spmem:s1] =	stream.indirect.scatter.add.f32 [tilespmem:s22], [sflag:$0x3], $0x80, s31, s26, $0xb8;
	[tilespmem:$0x1E800] =	vst v63  }
0x1b: {  	_ =	swait.ge [sflag:s23], $0x4000  }
0x1c: {  	[sflag:s23] =	ssyncset.done $0x0  }
0x1d: {  	[sflag:s23] =	ssyncadd.s32 $0xFFFFC000  }
0x1e: {  	_ =	swait.ge [sflag:s30], $0x4000  }
0x1f: {  	[sflag:s30] =	ssyncset.done $0x0  }
0x20: {  	[sflag:s30] =	ssyncadd.s32 $0xFFFFC000  }
0x21: {  	[spmem:s1] =	stream.indirect.scatter.add.f32 [tilespmem:s28], [sflag:$0x3], $0x80, s0, s26, $0xb8;
	[tilespmem:$0x1E800] =	vst v63  }
0x22: {  	_ =	swait.ge [sflag:s23], $0x4000  }
0x23: {  	s5 =	sshll.u32 s3, $0x6;
	s2 =	sadd.s32 $0x1, s2;
	[sflag:s23] =	ssyncset.done $0x0  }
0x24: {  	s6 =	sshrl.u32 s13, $0x3;
	p1 =	sne.s32 s2, s14;
	[sflag:s23] =	ssyncadd.s32 $0xFFFFC000  }
.Ltmp1:
0x25: {  	s5 =	sor.u32 $0x1C03, s5;
	[bflag:$0x0] =	sbarrier.arrive $0xFFFF;
	(pc) =	sbr.rel @!p1 .LBB2_15-.Ltmp1, $4  }
0x26: {  	[hbm:s24], [sflag:s5] =	dma.local [spmem:s6], $0x2800  }
0x27: {  	_ =	swait.ge [sflag:s23], $0x2800  }
0x28: {  	[sflag:s23] =	ssyncset.done $0x0  }
0x29: {  	[sflag:s23] =	ssyncadd.s32 $0xFFFFD800  }
.LBB2_1:
0x2a: {  	s5 =	simm.s32 $0x0;
	s6 =	simm.s32 $0x200  }
.LBB2_2:
0x2b: {  	p1 =	sne.s32 s6, $0xFE00;
	[tilespmem:s5+$0x2870] =	vst v0  }
0x2c: {  	[tilespmem:s5+$0x2800] =	vst v0  }
0x2d: {  	[tilespmem:s5+$0x2810] =	vst v0  }
.Ltmp2:
0x2e: {  	[tilespmem:s5+$0x2820] =	vst v0;
	(pc) =	sbr.rel @p1 .LBB2_2-.Ltmp2, $4  }
0x2f: {  	[tilespmem:s5+$0x2830] =	vst v0  }
0x30: {  	[tilespmem:s5+$0x2840] =	vst v0  }
0x31: {  	[tilespmem:s5+$0x2850] =	vst v0  }
0x32: {  	[tilespmem:s5+$0x2860] =	vst v0;
	s5 =	sshra.s32 s6, $0x2;
	s6 =	sadd.s32 $0x200, s6  }
0x33: {  	[tilespmem:s5+$0x2870] =	vst v0  }
0x34: {  	[tilespmem:s5+$0x2800] =	vst v0  }
0x35: {  	[tilespmem:s5+$0x2810] =	vst v0  }
0x36: {  	[tilespmem:s5+$0x2820] =	vst v0  }
0x37: {  	[tilespmem:s5+$0x2830] =	vst v0  }
0x38: {  	[tilespmem:s5+$0x2840] =	vst v0  }
0x39: {  	[tilespmem:s5+$0x2850] =	vst v0  }
0x3a: {  	[tilespmem:s5+$0x2860] =	vst v0  }
0x3b: {  	[spmem:s13] =	stream.linear.scatter [tilespmem:s22], [sflag:$0x3], $0x2800, $0x38;
	[tilespmem:$0x1E800] =	vst v63  }
0x3c: {  	_ =	swait.ge [sflag:s23], $0x2800  }
0x3d: {  	[sflag:s23] =	ssyncset.done $0x0  }
0x3e: {  	[sflag:s23] =	ssyncadd.s32 $0xFFFFD800  }
0x3f: {  	[spmem:s15] =	stream.linear.scatter [tilespmem:s22], [sflag:$0x3], $0x2800, $0x38;
	[tilespmem:$0x1E800] =	vst v63  }
0x40: {  	_ =	swait.ge [sflag:s23], $0x2800  }
0x41: {  	[sflag:s23] =	ssyncset.done $0x0  }
0x42: {  	[sflag:s23] =	ssyncadd.s32 $0xFFFFD800  }
0x43: {  	[spmem:s16] =	stream.linear.scatter [tilespmem:s22], [sflag:$0x3], $0x2800, $0x38;
	[tilespmem:$0x1E800] =	vst v63  }
0x44: {  	_ =	swait.ge [sflag:s23], $0x2800  }
0x45: {  	[sflag:s23] =	ssyncset.done $0x0  }
0x46: {  	[sflag:s23] =	ssyncadd.s32 $0xFFFFD800  }
0x47: {  	[spmem:s17] =	stream.linear.scatter [tilespmem:s22], [sflag:$0x3], $0x2800, $0x38;
	[tilespmem:$0x1E800] =	vst v63  }
0x48: {  	_ =	swait.ge [sflag:s23], $0x2800  }
0x49: {  	[sflag:s23] =	ssyncset.done $0x0  }
0x4a: {  	[sflag:s23] =	ssyncadd.s32 $0xFFFFD800  }
0x4b: {  	[spmem:s18] =	stream.linear.scatter [tilespmem:s22], [sflag:$0x3], $0x2800, $0x38;
	[tilespmem:$0x1E800] =	vst v63  }
0x4c: {  	_ =	swait.ge [sflag:s23], $0x2800  }
0x4d: {  	[sflag:s23] =	ssyncset.done $0x0  }
0x4e: {  	[sflag:s23] =	ssyncadd.s32 $0xFFFFD800  }
0x4f: {  	[spmem:s19] =	stream.linear.scatter [tilespmem:s22], [sflag:$0x3], $0x2800, $0x38;
	[tilespmem:$0x1E800] =	vst v63  }
0x50: {  	_ =	swait.ge [sflag:s23], $0x2800  }
0x51: {  	[sflag:s23] =	ssyncset.done $0x0  }
0x52: {  	[sflag:s23] =	ssyncadd.s32 $0xFFFFD800  }
0x53: {  	[spmem:s20] =	stream.linear.scatter [tilespmem:s22], [sflag:$0x3], $0x2800, $0x38;
	[tilespmem:$0x1E800] =	vst v63  }
0x54: {  	_ =	swait.ge [sflag:s23], $0x2800  }
0x55: {  	[sflag:s23] =	ssyncset.done $0x0  }
0x56: {  	[sflag:s23] =	ssyncadd.s32 $0xFFFFD800  }
0x57: {  	[spmem:s21] =	stream.linear.scatter [tilespmem:s22], [sflag:$0x3], $0x2800, $0x38;
	[tilespmem:$0x1E800] =	vst v63  }
.Ltmp3:
0x58: {  	_ =	swait.ge [sflag:s23], $0x2800;
	(pc) =	sbr.rel @!p0 .LBB2_4-.Ltmp3, $4  }
0x59: {  	[sflag:s23] =	ssyncset.done $0x0  }
0x5a: {  	[sflag:s23] =	ssyncadd.s32 $0xFFFFD800  }
0x5b: {  	[bflag:$0x0] =	sbarrier.arrive $0xFFFF  }
0x5c: {  	s5 =	simm.s32 $0x0  }
0x5d: {  	[tilespmem:s5], [sflag:$0x3] =	stream.linear.gather [hbm4b:s9+s5], $0x1400, $0x38;
	[tilespmem:$0x1E800] =	vst v63  }
0x5e: {  	_ =	swait.ge [sflag:s23], $0x1400  }
0x5f: {  	[sflag:s23] =	ssyncset.done $0x0  }
0x60: {  	[sflag:s23] =	ssyncadd.s32 $0xFFFFEC00  }
0x61: {  	[tilespmem:s25], [sflag:$0x3] =	stream.linear.gather [hbm4b:s10+s5], $0x1400, $0x38;
	[tilespmem:$0x1E800] =	vst v63  }
0x62: {  	_ =	swait.ge [sflag:s23], $0x1400  }
0x63: {  	[sflag:s23] =	ssyncset.done $0x0  }
0x64: {  	[sflag:s23] =	ssyncadd.s32 $0xFFFFEC00  }
0x65: {  	[tilespmem:s22], [sflag:$0x1] =	stream.indirect.gather [hbm4b:s4+s26], $0x80, s5, s26, $0xb8;
	[tilespmem:$0x1E800] =	vst v63  }
0x66: {  	_ = 	snop  }
0x67: {  	[tilespmem:s28], [sflag:$0x2] =	stream.indirect.gather [hbm4b:s4+s26], $0x80, s26, s26, $0xb8;
	[tilespmem:$0x1E800] =	vst v63  }
0x68: {  	_ =	swait.ge [sflag:s29], $0x4000  }
0x69: {  	[sflag:s29] =	ssyncset.done $0x0  }
0x6a: {  	s7 =	simm.s32 $0x1400;
	[sflag:s29] =	ssyncadd.s32 $0xFFFFC000  }
0x6b: {  	[spmem:s1] =	stream.indirect.scatter.add.f32 [tilespmem:s22], [sflag:$0x3], $0x80, s7, s26, $0xb8;
	[tilespmem:$0x1E800] =	vst v63  }
0x6c: {  	_ =	swait.ge [sflag:s23], $0x4000  }
0x6d: {  	[sflag:s23] =	ssyncset.done $0x0  }
0x6e: {  	s6 =	simm.s32 $0x100;
	[sflag:s23] =	ssyncadd.s32 $0xFFFFC000  }
0x6f: {  	[tilespmem:s22], [sflag:$0x1] =	stream.indirect.gather [hbm4b:s4+s26], $0x80, s6, s26, $0xb8;
	[tilespmem:$0x1E800] =	vst v63  }
0x70: {  	_ =	swait.ge [sflag:s30], $0x4000  }
0x71: {  	[sflag:s30] =	ssyncset.done $0x0  }
0x72: {  	s7 =	simm.s32 $0x1480;
	[sflag:s30] =	ssyncadd.s32 $0xFFFFC000  }
0x73: {  	[spmem:s1] =	stream.indirect.scatter.add.f32 [tilespmem:s28], [sflag:$0x3], $0x80, s7, s26, $0xb8;
	[tilespmem:$0x1E800] =	vst v63  }
0x74: {  	_ =	swait.ge [sflag:s23], $0x4000  }
0x75: {  	[sflag:s23] =	ssyncset.done $0x0  }
0x76: {  	s5 =	simm.s32 $0x400;
	s6 =	simm.s32 $0x180;
	[sflag:s23] =	ssyncadd.s32 $0xFFFFC000  }
.LBB2_10:
0x77: {  	[tilespmem:s28], [sflag:$0x2] =	stream.indirect.gather [hbm4b:s4+s26], $0x80, s6, s26, $0xb8;
	[tilespmem:$0x1E800] =	vst v63  }
0x78: {  	s6 =	smov.u32 s5  }
0x79: {  	p1 =	sne.s32 s5, $0x4800;
	s5 =	sadd.s32 $0x400, s5;
	_ =	swait.ge [sflag:s29], $0x4000  }
0x7a: {  	s6 =	sshra.s32 s6, $0x2;
	[sflag:s29] =	ssyncset.done $0x0  }
0x7b: {  	s7 =	sadd.s32 $0x1400, s6;
	[sflag:s29] =	ssyncadd.s32 $0xFFFFC000  }
0x7c: {  	[spmem:s1] =	stream.indirect.scatter.add.f32 [tilespmem:s22], [sflag:$0x3], $0x80, s7, s26, $0xb8;
	[tilespmem:$0x1E800] =	vst v63  }
0x7d: {  	_ =	swait.ge [sflag:s23], $0x4000  }
0x7e: {  	[sflag:s23] =	ssyncset.done $0x0  }
0x7f: {  	s7 =	sadd.s32 $0x100, s6;
	[sflag:s23] =	ssyncadd.s32 $0xFFFFC000  }
0x80: {  	[tilespmem:s22], [sflag:$0x1] =	stream.indirect.gather [hbm4b:s4+s26], $0x80, s7, s26, $0xb8;
	[tilespmem:$0x1E800] =	vst v63  }
0x81: {  	_ =	swait.ge [sflag:s30], $0x4000  }
0x82: {  	[sflag:s30] =	ssyncset.done $0x0  }
.Ltmp4:
0x83: {  	s7 =	sadd.s32 $0x1480, s6;
	[sflag:s30] =	ssyncadd.s32 $0xFFFFC000;
	(pc) =	sbr.rel @p1 .LBB2_10-.Ltmp4, $4  }
0x84: {  	[spmem:s1] =	stream.indirect.scatter.add.f32 [tilespmem:s28], [sflag:$0x3], $0x80, s7, s26, $0xb8;
	[tilespmem:$0x1E800] =	vst v63  }
0x85: {  	_ =	swait.ge [sflag:s23], $0x4000  }
0x86: {  	[sflag:s23] =	ssyncset.done $0x0  }
0x87: {  	s6 =	sadd.s32 $0x180, s6;
	[sflag:s23] =	ssyncadd.s32 $0xFFFFC000  }
0x88: {  	[tilespmem:s28], [sflag:$0x2] =	stream.indirect.gather [hbm4b:s4+s26], $0x80, s6, s26, $0xb8;
	[tilespmem:$0x1E800] =	vst v63  }
0x89: {  	_ =	swait.ge [sflag:s29], $0x4000  }
0x8a: {  	[sflag:s29] =	ssyncset.done $0x0  }
0x8b: {  	[sflag:s29] =	ssyncadd.s32 $0xFFFFC000  }
0x8c: {  	[spmem:s1] =	stream.indirect.scatter.add.f32 [tilespmem:s22], [sflag:$0x3], $0x80, s31, s26, $0xb8;
	[tilespmem:$0x1E800] =	vst v63  }
0x8d: {  	_ =	swait.ge [sflag:s23], $0x4000  }
0x8e: {  	[sflag:s23] =	ssyncset.done $0x0  }
0x8f: {  	[sflag:s23] =	ssyncadd.s32 $0xFFFFC000  }
0x90: {  	_ =	swait.ge [sflag:s30], $0x4000  }
0x91: {  	[sflag:s30] =	ssyncset.done $0x0  }
0x92: {  	[sflag:s30] =	ssyncadd.s32 $0xFFFFC000  }
0x93: {  	[spmem:s1] =	stream.indirect.scatter.add.f32 [tilespmem:s28], [sflag:$0x3], $0x80, s0, s26, $0xb8;
	[tilespmem:$0x1E800] =	vst v63  }
0x94: {  	_ =	swait.ge [sflag:s23], $0x4000  }
0x95: {  	[sflag:s23] =	ssyncset.done $0x0  }
0x96: {  	s5 =	simm.s32 $0x0;
	[sflag:s23] =	ssyncadd.s32 $0xFFFFC000  }
0x97: {  	[tilespmem:s5], [sflag:$0x3] =	stream.linear.gather [hbm4b:s11+s5], $0x1400, $0x38;
	[tilespmem:$0x1E800] =	vst v63  }
0x98: {  	_ =	swait.ge [sflag:s23], $0x1400  }
0x99: {  	[sflag:s23] =	ssyncset.done $0x0  }
0x9a: {  	[sflag:s23] =	ssyncadd.s32 $0xFFFFEC00  }
0x9b: {  	[tilespmem:s25], [sflag:$0x3] =	stream.linear.gather [hbm4b:s12+s5], $0x1400, $0x38;
	[tilespmem:$0x1E800] =	vst v63  }
0x9c: {  	_ =	swait.ge [sflag:s23], $0x1400  }
0x9d: {  	[sflag:s23] =	ssyncset.done $0x0  }
0x9e: {  	[sflag:s23] =	ssyncadd.s32 $0xFFFFEC00  }
0x9f: {  	[tilespmem:s22], [sflag:$0x1] =	stream.indirect.gather [hbm4b:s4+s26], $0x80, s5, s26, $0xb8;
	[tilespmem:$0x1E800] =	vst v63  }
0xa0: {  	_ = 	snop  }
0xa1: {  	[tilespmem:s28], [sflag:$0x2] =	stream.indirect.gather [hbm4b:s4+s26], $0x80, s26, s26, $0xb8;
	[tilespmem:$0x1E800] =	vst v63  }
0xa2: {  	_ =	swait.ge [sflag:s29], $0x4000  }
0xa3: {  	[sflag:s29] =	ssyncset.done $0x0  }
0xa4: {  	s7 =	simm.s32 $0x1400;
	[sflag:s29] =	ssyncadd.s32 $0xFFFFC000  }
0xa5: {  	[spmem:s1] =	stream.indirect.scatter.add.f32 [tilespmem:s22], [sflag:$0x3], $0x80, s7, s26, $0xb8;
	[tilespmem:$0x1E800] =	vst v63  }
0xa6: {  	_ =	swait.ge [sflag:s23], $0x4000  }
0xa7: {  	[sflag:s23] =	ssyncset.done $0x0  }
0xa8: {  	s6 =	simm.s32 $0x100;
	[sflag:s23] =	ssyncadd.s32 $0xFFFFC000  }
0xa9: {  	[tilespmem:s22], [sflag:$0x1] =	stream.indirect.gather [hbm4b:s4+s26], $0x80, s6, s26, $0xb8;
	[tilespmem:$0x1E800] =	vst v63  }
0xaa: {  	_ =	swait.ge [sflag:s30], $0x4000  }
0xab: {  	[sflag:s30] =	ssyncset.done $0x0  }
0xac: {  	s7 =	simm.s32 $0x1480;
	[sflag:s30] =	ssyncadd.s32 $0xFFFFC000  }
0xad: {  	[spmem:s1] =	stream.indirect.scatter.add.f32 [tilespmem:s28], [sflag:$0x3], $0x80, s7, s26, $0xb8;
	[tilespmem:$0x1E800] =	vst v63  }
0xae: {  	_ =	swait.ge [sflag:s23], $0x4000  }
0xaf: {  	[sflag:s23] =	ssyncset.done $0x0  }
0xb0: {  	s5 =	simm.s32 $0x400;
	s6 =	simm.s32 $0x180;
	[sflag:s23] =	ssyncadd.s32 $0xFFFFC000  }
.LBB2_12:
0xb1: {  	[tilespmem:s28], [sflag:$0x2] =	stream.indirect.gather [hbm4b:s4+s26], $0x80, s6, s26, $0xb8;
	[tilespmem:$0x1E800] =	vst v63  }
0xb2: {  	s6 =	smov.u32 s5  }
0xb3: {  	p1 =	sne.s32 s5, $0x4800;
	s5 =	sadd.s32 $0x400, s5;
	_ =	swait.ge [sflag:s29], $0x4000  }
0xb4: {  	s6 =	sshra.s32 s6, $0x2;
	[sflag:s29] =	ssyncset.done $0x0  }
0xb5: {  	s7 =	sadd.s32 $0x1400, s6;
	[sflag:s29] =	ssyncadd.s32 $0xFFFFC000  }
0xb6: {  	[spmem:s1] =	stream.indirect.scatter.add.f32 [tilespmem:s22], [sflag:$0x3], $0x80, s7, s26, $0xb8;
	[tilespmem:$0x1E800] =	vst v63  }
0xb7: {  	_ =	swait.ge [sflag:s23], $0x4000  }
0xb8: {  	[sflag:s23] =	ssyncset.done $0x0  }
0xb9: {  	s7 =	sadd.s32 $0x100, s6;
	[sflag:s23] =	ssyncadd.s32 $0xFFFFC000  }
0xba: {  	[tilespmem:s22], [sflag:$0x1] =	stream.indirect.gather [hbm4b:s4+s26], $0x80, s7, s26, $0xb8;
	[tilespmem:$0x1E800] =	vst v63  }
0xbb: {  	_ =	swait.ge [sflag:s30], $0x4000  }
0xbc: {  	[sflag:s30] =	ssyncset.done $0x0  }
.Ltmp5:
0xbd: {  	s7 =	sadd.s32 $0x1480, s6;
	[sflag:s30] =	ssyncadd.s32 $0xFFFFC000;
	(pc) =	sbr.rel @p1 .LBB2_12-.Ltmp5, $4  }
0xbe: {  	[spmem:s1] =	stream.indirect.scatter.add.f32 [tilespmem:s28], [sflag:$0x3], $0x80, s7, s26, $0xb8;
	[tilespmem:$0x1E800] =	vst v63  }
0xbf: {  	_ =	swait.ge [sflag:s23], $0x4000  }
0xc0: {  	[sflag:s23] =	ssyncset.done $0x0  }
0xc1: {  	s6 =	sadd.s32 $0x180, s6;
	[sflag:s23] =	ssyncadd.s32 $0xFFFFC000  }
.Ltmp6:
0xc2: {  	(pc) =	sbr.rel .LBB2_14-.Ltmp6, $2  }
0xc3: {  	_ =	sdelay $0x2  }
0xc4: {  	[tilespmem:s28], [sflag:$0x2] =	stream.indirect.gather [hbm4b:s4+s26], $0x80, s6, s26, $0xb8;
	[tilespmem:$0x1E800] =	vst v63  }
.LBB2_4:
0xc5: {  	s6 =	rddreg [dreg:$0x4]  }
0xc6: {  	[tilespmem:s5], [sflag:$0x3] =	stream.linear.gather [hbm4b:s6+s5], $0x1400, $0x38;
	[tilespmem:$0x1E800] =	vst v63  }
0xc7: {  	_ =	swait.ge [sflag:s23], $0x1400  }
0xc8: {  	[sflag:s23] =	ssyncset.done $0x0  }
0xc9: {  	s7 =	rddreg [dreg:$0x5];
	[sflag:s23] =	ssyncadd.s32 $0xFFFFEC00  }
0xca: {  	[tilespmem:s25], [sflag:$0x3] =	stream.linear.gather [hbm4b:s7+s5], $0x1400, $0x38;
	[tilespmem:$0x1E800] =	vst v63  }
0xcb: {  	_ =	swait.ge [sflag:s23], $0x1400  }
0xcc: {  	[sflag:s23] =	ssyncset.done $0x0  }
0xcd: {  	[sflag:s23] =	ssyncadd.s32 $0xFFFFEC00  }
0xce: {  	[tilespmem:s22], [sflag:$0x1] =	stream.indirect.gather [hbm4b:s4+s26], $0x80, s5, s26, $0xb8;
	[tilespmem:$0x1E800] =	vst v63  }
0xcf: {  	_ = 	snop  }
0xd0: {  	[tilespmem:s28], [sflag:$0x2] =	stream.indirect.gather [hbm4b:s4+s26], $0x80, s26, s26, $0xb8;
	[tilespmem:$0x1E800] =	vst v63  }
0xd1: {  	_ =	swait.ge [sflag:s29], $0x4000  }
0xd2: {  	[sflag:s29] =	ssyncset.done $0x0  }
0xd3: {  	s7 =	simm.s32 $0x1400;
	[sflag:s29] =	ssyncadd.s32 $0xFFFFC000  }
0xd4: {  	[spmem:s1] =	stream.indirect.scatter.add.f32 [tilespmem:s22], [sflag:$0x3], $0x80, s7, s26, $0xb8;
	[tilespmem:$0x1E800] =	vst v63  }
0xd5: {  	_ =	swait.ge [sflag:s23], $0x4000  }
0xd6: {  	[sflag:s23] =	ssyncset.done $0x0  }
0xd7: {  	s6 =	simm.s32 $0x100;
	[sflag:s23] =	ssyncadd.s32 $0xFFFFC000  }
0xd8: {  	[tilespmem:s22], [sflag:$0x1] =	stream.indirect.gather [hbm4b:s4+s26], $0x80, s6, s26, $0xb8;
	[tilespmem:$0x1E800] =	vst v63  }
0xd9: {  	_ =	swait.ge [sflag:s30], $0x4000  }
0xda: {  	[sflag:s30] =	ssyncset.done $0x0  }
0xdb: {  	s7 =	simm.s32 $0x1480;
	[sflag:s30] =	ssyncadd.s32 $0xFFFFC000  }
0xdc: {  	[spmem:s1] =	stream.indirect.scatter.add.f32 [tilespmem:s28], [sflag:$0x3], $0x80, s7, s26, $0xb8;
	[tilespmem:$0x1E800] =	vst v63  }
0xdd: {  	_ =	swait.ge [sflag:s23], $0x4000  }
0xde: {  	[sflag:s23] =	ssyncset.done $0x0  }
0xdf: {  	s5 =	simm.s32 $0x400;
	s6 =	simm.s32 $0x180;
	[sflag:s23] =	ssyncadd.s32 $0xFFFFC000  }
.LBB2_5:
0xe0: {  	[tilespmem:s28], [sflag:$0x2] =	stream.indirect.gather [hbm4b:s4+s26], $0x80, s6, s26, $0xb8;
	[tilespmem:$0x1E800] =	vst v63  }
0xe1: {  	s6 =	smov.u32 s5  }
0xe2: {  	p1 =	sne.s32 s5, $0x4800;
	s5 =	sadd.s32 $0x400, s5;
	_ =	swait.ge [sflag:s29], $0x4000  }
0xe3: {  	s6 =	sshra.s32 s6, $0x2;
	[sflag:s29] =	ssyncset.done $0x0  }
0xe4: {  	s7 =	sadd.s32 $0x1400, s6;
	[sflag:s29] =	ssyncadd.s32 $0xFFFFC000  }
0xe5: {  	[spmem:s1] =	stream.indirect.scatter.add.f32 [tilespmem:s22], [sflag:$0x3], $0x80, s7, s26, $0xb8;
	[tilespmem:$0x1E800] =	vst v63  }
0xe6: {  	_ =	swait.ge [sflag:s23], $0x4000  }
0xe7: {  	[sflag:s23] =	ssyncset.done $0x0  }
0xe8: {  	s7 =	sadd.s32 $0x100, s6;
	[sflag:s23] =	ssyncadd.s32 $0xFFFFC000  }
0xe9: {  	[tilespmem:s22], [sflag:$0x1] =	stream.indirect.gather [hbm4b:s4+s26], $0x80, s7, s26, $0xb8;
	[tilespmem:$0x1E800] =	vst v63  }
0xea: {  	_ =	swait.ge [sflag:s30], $0x4000  }
0xeb: {  	[sflag:s30] =	ssyncset.done $0x0  }
.Ltmp7:
0xec: {  	s7 =	sadd.s32 $0x1480, s6;
	[sflag:s30] =	ssyncadd.s32 $0xFFFFC000;
	(pc) =	sbr.rel @p1 .LBB2_5-.Ltmp7, $4  }
0xed: {  	[spmem:s1] =	stream.indirect.scatter.add.f32 [tilespmem:s28], [sflag:$0x3], $0x80, s7, s26, $0xb8;
	[tilespmem:$0x1E800] =	vst v63  }
0xee: {  	_ =	swait.ge [sflag:s23], $0x4000  }
0xef: {  	[sflag:s23] =	ssyncset.done $0x0  }
0xf0: {  	s6 =	sadd.s32 $0x180, s6;
	[sflag:s23] =	ssyncadd.s32 $0xFFFFC000  }
0xf1: {  	[tilespmem:s28], [sflag:$0x2] =	stream.indirect.gather [hbm4b:s4+s26], $0x80, s6, s26, $0xb8;
	[tilespmem:$0x1E800] =	vst v63  }
0xf2: {  	_ =	swait.ge [sflag:s29], $0x4000  }
0xf3: {  	[sflag:s29] =	ssyncset.done $0x0  }
0xf4: {  	[sflag:s29] =	ssyncadd.s32 $0xFFFFC000  }
0xf5: {  	[spmem:s1] =	stream.indirect.scatter.add.f32 [tilespmem:s22], [sflag:$0x3], $0x80, s31, s26, $0xb8;
	[tilespmem:$0x1E800] =	vst v63  }
0xf6: {  	_ =	swait.ge [sflag:s23], $0x4000  }
0xf7: {  	[sflag:s23] =	ssyncset.done $0x0  }
0xf8: {  	[sflag:s23] =	ssyncadd.s32 $0xFFFFC000  }
0xf9: {  	_ =	swait.ge [sflag:s30], $0x4000  }
0xfa: {  	[sflag:s30] =	ssyncset.done $0x0  }
0xfb: {  	[sflag:s30] =	ssyncadd.s32 $0xFFFFC000  }
0xfc: {  	[spmem:s1] =	stream.indirect.scatter.add.f32 [tilespmem:s28], [sflag:$0x3], $0x80, s0, s26, $0xb8;
	[tilespmem:$0x1E800] =	vst v63  }
0xfd: {  	_ =	swait.ge [sflag:s23], $0x4000  }
0xfe: {  	[sflag:s23] =	ssyncset.done $0x0  }
0xff: {  	s5 =	simm.s32 $0x0;
	s7 =	rddreg [dreg:$0x6];
	[sflag:s23] =	ssyncadd.s32 $0xFFFFC000  }
0x100: {  	[tilespmem:s5], [sflag:$0x3] =	stream.linear.gather [hbm4b:s7+s5], $0x1400, $0x38;
	[tilespmem:$0x1E800] =	vst v63  }
0x101: {  	_ =	swait.ge [sflag:s23], $0x1400  }
0x102: {  	[sflag:s23] =	ssyncset.done $0x0  }
0x103: {  	[sflag:s23] =	ssyncadd.s32 $0xFFFFEC00  }
0x104: {  	[tilespmem:s25], [sflag:$0x3] =	stream.linear.gather [hbm4b:s8+s5], $0x1400, $0x38;
	[tilespmem:$0x1E800] =	vst v63  }
0x105: {  	_ =	swait.ge [sflag:s23], $0x1400  }
0x106: {  	[sflag:s23] =	ssyncset.done $0x0  }
0x107: {  	[sflag:s23] =	ssyncadd.s32 $0xFFFFEC00  }
0x108: {  	[tilespmem:s22], [sflag:$0x1] =	stream.indirect.gather [hbm4b:s4+s26], $0x80, s5, s26, $0xb8;
	[tilespmem:$0x1E800] =	vst v63  }
0x109: {  	_ = 	snop  }
0x10a: {  	[tilespmem:s28], [sflag:$0x2] =	stream.indirect.gather [hbm4b:s4+s26], $0x80, s26, s26, $0xb8;
	[tilespmem:$0x1E800] =	vst v63  }
0x10b: {  	_ =	swait.ge [sflag:s29], $0x4000  }
0x10c: {  	[sflag:s29] =	ssyncset.done $0x0  }
0x10d: {  	s7 =	simm.s32 $0x1400;
	[sflag:s29] =	ssyncadd.s32 $0xFFFFC000  }
0x10e: {  	[spmem:s1] =	stream.indirect.scatter.add.f32 [tilespmem:s22], [sflag:$0x3], $0x80, s7, s26, $0xb8;
	[tilespmem:$0x1E800] =	vst v63  }
0x10f: {  	_ =	swait.ge [sflag:s23], $0x4000  }
0x110: {  	[sflag:s23] =	ssyncset.done $0x0  }
0x111: {  	s6 =	simm.s32 $0x100;
	[sflag:s23] =	ssyncadd.s32 $0xFFFFC000  }
0x112: {  	[tilespmem:s22], [sflag:$0x1] =	stream.indirect.gather [hbm4b:s4+s26], $0x80, s6, s26, $0xb8;
	[tilespmem:$0x1E800] =	vst v63  }
0x113: {  	_ =	swait.ge [sflag:s30], $0x4000  }
0x114: {  	[sflag:s30] =	ssyncset.done $0x0  }
0x115: {  	s7 =	simm.s32 $0x1480;
	[sflag:s30] =	ssyncadd.s32 $0xFFFFC000  }
0x116: {  	[spmem:s1] =	stream.indirect.scatter.add.f32 [tilespmem:s28], [sflag:$0x3], $0x80, s7, s26, $0xb8;
	[tilespmem:$0x1E800] =	vst v63  }
0x117: {  	_ =	swait.ge [sflag:s23], $0x4000  }
0x118: {  	[sflag:s23] =	ssyncset.done $0x0  }
0x119: {  	s5 =	simm.s32 $0x400;
	s6 =	simm.s32 $0x180;
	[sflag:s23] =	ssyncadd.s32 $0xFFFFC000  }
.LBB2_7:
0x11a: {  	[tilespmem:s28], [sflag:$0x2] =	stream.indirect.gather [hbm4b:s4+s26], $0x80, s6, s26, $0xb8;
	[tilespmem:$0x1E800] =	vst v63  }
0x11b: {  	s6 =	smov.u32 s5  }
0x11c: {  	p1 =	seq.s32 s5, $0x4800;
	s5 =	sadd.s32 $0x400, s5;
	_ =	swait.ge [sflag:s29], $0x4000  }
0x11d: {  	s6 =	sshra.s32 s6, $0x2;
	[sflag:s29] =	ssyncset.done $0x0  }
0x11e: {  	s7 =	sadd.s32 $0x1400, s6;
	[sflag:s29] =	ssyncadd.s32 $0xFFFFC000  }
0x11f: {  	[spmem:s1] =	stream.indirect.scatter.add.f32 [tilespmem:s22], [sflag:$0x3], $0x80, s7, s26, $0xb8;
	[tilespmem:$0x1E800] =	vst v63  }
0x120: {  	_ =	swait.ge [sflag:s23], $0x4000  }
0x121: {  	[sflag:s23] =	ssyncset.done $0x0  }
0x122: {  	s7 =	sadd.s32 $0x100, s6;
	[sflag:s23] =	ssyncadd.s32 $0xFFFFC000  }
0x123: {  	[tilespmem:s22], [sflag:$0x1] =	stream.indirect.gather [hbm4b:s4+s26], $0x80, s7, s26, $0xb8;
	[tilespmem:$0x1E800] =	vst v63  }
0x124: {  	_ =	swait.ge [sflag:s30], $0x4000  }
0x125: {  	[sflag:s30] =	ssyncset.done $0x0  }
.Ltmp8:
0x126: {  	s7 =	sadd.s32 $0x1480, s6;
	[sflag:s30] =	ssyncadd.s32 $0xFFFFC000;
	(pc) =	sbr.rel @!p1 .LBB2_7-.Ltmp8, $4  }
0x127: {  	[spmem:s1] =	stream.indirect.scatter.add.f32 [tilespmem:s28], [sflag:$0x3], $0x80, s7, s26, $0xb8;
	[tilespmem:$0x1E800] =	vst v63  }
0x128: {  	_ =	swait.ge [sflag:s23], $0x4000  }
0x129: {  	[sflag:s23] =	ssyncset.done $0x0  }
0x12a: {  	s6 =	sadd.s32 $0x180, s6;
	[sflag:s23] =	ssyncadd.s32 $0xFFFFC000  }
.Ltmp9:
0x12b: {  	_ = 	snop;
	(pc) =	sbr.rel .LBB2_8-.Ltmp9, $1  }
0x12c: {  	_ =	sdelay $0x3  }
.LBB2_15:
0x12d: {  	_ =	sfence.sel $0x180000  }
0x12e: {  	[bflag:$0x0] =	sbarrier.arrive $0xFFFF  }
0x12f: {  	_ =	strace $0x9000004D  }
0x130: {  	[bflag:$0x2] =	sbarrier.arrive $0xFFFF  }
0x131: {  	p0 =	sne.s32 s3, $0x0;
	s0 =	rddreg [dreg:$0x3]  }
0x132: {  	s0 =	sadd.s32 @!p0 $0x100000, s0  }
0x133: {  	[sflag:s0] =	ssyncadd.tile.s32 @!p0 $0x1;
	_ =	shalt  }
.Lfunc_end2:
_tile_overlayer_lowered:
.L_overlay_start_2:
0x134: {  	(tag) =	ssettag $0x2  }
0x135: {  	s0 =	rddreg [dreg:$0x0];
	s2 =	stileid.u32  }
0x136: {  	s1 =	rddreg [dreg:$0x1];
	p0 =	sne.s32 s2, $0x0  }
0x137: {  	s3 =	rddreg [dreg:$0x2];
	[bflag:$0x3] =	sbarrier.arrive $0xFFFF;
	s2 =	simm.s32 @!p0 $0x1C03  }
0x138: {  	[timem:s3], [sflag:s2] =	dma.local @!p0 [hbm:s0], s1  }
0x139: {  	s0 =	simm.s32 @!p0 $0x3  }
0x13a: {  	_ =	swait.ge @!p0 [sflag:s0], s1  }
0x13b: {  	s1 =	ssub.s32 @!p0 $0x0, s1;
	[sflag:s0] =	ssyncset.done @!p0 $0x0  }
0x13c: {  	[sflag:s0] =	ssyncadd.s32 @!p0 s1  }
0x13d: {  	[bflag:$0x3] =	sbarrier.arrive $0xFFFF  }
0x13e: {  	_ =	shalt  }

// kernel: kernel.8.cloned.1.call-start
scs
__scs_entry_jumppad:
0x0: {  	(pc) =	sbr.rel $0x88, $3  }
0x1: {  	(tag) =	ssettag $0x0;
	lr =	simm.s32 $0x1  }
0x2: {  	[smem:$0x3F9B] =	sst lr;
	_ =	strace $0xD0000000  }
0x3: {  	_ = 	snop  }
0x4: {  	_ = 	snop  }
0x5: {  	_ = 	snop  }
0x6: {  	_ = 	snop  }
0x7: {  	_ = 	snop  }
__scs_overlays_trampoline_lowered:
0x8: {  	[smem:$0x3FAA] =	sst s0  }
0x9: {  	[smem:$0x3FAB] =	sst s1  }
0xa: {  	[smem:$0x3FAC] =	sst s2  }
0xb: {  	[smem:$0x3FAD] =	sst s3  }
0xc: {  	[smem:$0x3FAE] =	sst s4  }
0xd: {  	[smem:$0x3FAF] =	sst s5  }
0xe: {  	[smem:$0x3FB0] =	sst s6  }
0xf: {  	[smem:$0x3FB1] =	sst s7  }
0x10: {  	[smem:$0x3FB2] =	sst s8  }
0x11: {  	[smem:$0x3FB3] =	sst s9;
	s0 =	simm.s32 @!p0 $0x0  }
0x12: {  	s1 =	sld [smem:$0x3F99];
	s0 =	simm.s32 @p0 $0x1  }
0x13: {  	[smem:$0x3FB4] =	sst s0;
	s0 =	simm.s32 @!p1 $0x0  }
0x14: {  	s2 =	sld [smem:$0x3F98];
	s0 =	simm.s32 @p1 $0x1  }
0x15: {  	[smem:$0x3FB5] =	sst s0;
	s0 =	simm.s32 @!p2 $0x0  }
0x16: {  	s3 =	sld [smem:$0x3FDB];
	s0 =	simm.s32 @p2 $0x1  }
0x17: {  	s4 =	simm.s32 $0x1BF5;
	[smem:$0x3FB7] =	sst s0  }
0x18: {  	s0 =	sld [smem:$0x3F9A];
	_ =	swait.ge [sflag:s4], $0x0  }
0x19: {  	s7 =	sld [smem:$0x3F9B]  }
0x1a: {  	s8 =	sadd.s32 $0xFFFFE003, lr  }
0x1b: {  	s9 =	sadd.s32 $0xFFFFFEF7, lr;
	s5 =	simm.s32 $0xFFFFFFFF;
	p2 =	slt.u32 s8, $0xFFFFF086  }
0x1c: {  	p1 =	slt.u32 s9, $0xF7A;
	s5 =	simm.s32 @!p2 $0x0  }
0x1d: {  	s5 =	simm.s32 @p1 $0x1;
	p0 =	seq.s32 s7, s2  }
0x1e: {  	s7 =	smul.u32 @!p0 $0xF7A, s2;
	p2 =	seq.s32 @!p0 s5, $0x0  }
0x1f: {  	s9 =	smul.u32 $0xF7A, s1;
	s8 =	simm.s32 @!p0 $0x1BF5;
	p2 =	por !p2, p0  }
0x20: {  	[sflag:s8] =	ssyncset.s32 @!p0 $0xFFFFF086;
	s6 =	sadd.s32 @!p0 s3, s7;
	s7 =	simm.s32 @!p0 $0x108  }
0x21: {  	s3 =	sadd.s32 s3, s9;
	s6 =	sadd.s32 @!p0 $0x88, s6;
	s7 =	simm.s32 @p2 $0x1082  }
0x22: {  	[simem:s7], [sflag:s8] =	dma.local @!p0 [hbm:s6], $0xF7A  }
0x23: {  	s9 =	sor.u32 $0xD0000000, s2;
	s6 =	simm.s32 $0x108;
	_ =	swait.ge @!p0 [sflag:s8], $0x0  }
0x24: {  	s3 =	sadd.s32 $0x88, s3;
	s6 =	simm.s32 @!p1 $0x1082;
	[sflag:s4] =	ssyncset.s32 $0xFFFFF086  }
0x25: {  	[simem:s6], [sflag:s4] =	dma.local [hbm:s3], $0xF7A  }
0x26: {  	[smem:$0x3F9B] =	sst s1;
	(tag) =	ssettag s2;
	_ =	strace s9  }
0x27: {  	s1 =	sld [smem:$0x3FAB]  }
0x28: {  	s2 =	sld [smem:$0x3FAC]  }
0x29: {  	s4 =	sld [smem:$0x3FAE]  }
0x2a: {  	p0 =	seq.s32 s5, $0x0;
	s5 =	sld [smem:$0x3FAF]  }
0x2b: {  	s6 =	sld [smem:$0x3FB0]  }
0x2c: {  	s7 =	sld [smem:$0x3FB1]  }
0x2d: {  	s3 =	simm.s32 $0x108;
	s8 =	sld [smem:$0x3FB2]  }
0x2e: {  	s3 =	simm.s32 @!p0 $0x1082;
	s9 =	sld [smem:$0x3FB3]  }
0x2f: {  	lr =	sadd.s32 s0, s3;
	s0 =	sld [smem:$0x3FAA]  }
0x30: {  	s3 =	sld [smem:$0x3FAD]  }
0x31: {  	[smem:$0x3FB6] =	sst s10  }
0x32: {  	s10 =	sld [smem:$0x3FB4];
	_ =	sdelay $0x3  }
0x33: {  	p0 =	seq.s32 s10, $0x1;
	s10 =	sld [smem:$0x3FB6];
	_ =	sdelay $0x3  }
0x34: {  	[smem:$0x3FB6] =	sst s10  }
0x35: {  	s10 =	sld [smem:$0x3FB5];
	_ =	sdelay $0x3  }
0x36: {  	p1 =	seq.s32 s10, $0x1;
	s10 =	sld [smem:$0x3FB6];
	_ =	sdelay $0x3  }
0x37: {  	[smem:$0x3FB6] =	sst s10  }
0x38: {  	s10 =	sld [smem:$0x3FB7]  }
0x39: {  	_ = 	snop;
	(pc) =	sbr.ind lr, $3  }
0x3a: {  	_ = 	snop  }
0x3b: {  	_ = 	snop  }
0x3c: {  	p2 =	seq.s32 s10, $0x1;
	s10 =	sld [smem:$0x3FB6]  }
0x3d: {  	_ =	shalt  }
0x3e: {  	_ =	shalt  }
0x3f: {  	_ =	shalt  }
0x40: {  	_ =	shalt  }
0x41: {  	_ =	shalt  }
0x42: {  	_ =	shalt  }
0x43: {  	_ =	shalt  }
0x44: {  	_ =	shalt  }
0x45: {  	_ =	shalt  }
0x46: {  	_ =	shalt  }
0x47: {  	_ =	shalt  }
0x48: {  	_ =	shalt  }
0x49: {  	_ =	shalt  }
0x4a: {  	_ =	shalt  }
0x4b: {  	_ =	shalt  }
0x4c: {  	_ =	shalt  }
0x4d: {  	_ =	shalt  }
0x4e: {  	_ =	shalt  }
0x4f: {  	_ =	shalt  }
0x50: {  	_ =	shalt  }
0x51: {  	_ =	shalt  }
0x52: {  	_ =	shalt  }
0x53: {  	_ =	shalt  }
0x54: {  	_ =	shalt  }
0x55: {  	_ =	shalt  }
0x56: {  	_ =	shalt  }
0x57: {  	_ =	shalt  }
0x58: {  	_ =	shalt  }
0x59: {  	_ =	shalt  }
0x5a: {  	_ =	shalt  }
0x5b: {  	_ =	shalt  }
0x5c: {  	_ =	shalt  }
0x5d: {  	_ =	shalt  }
0x5e: {  	_ =	shalt  }
0x5f: {  	_ =	shalt  }
0x60: {  	_ =	shalt  }
0x61: {  	_ =	shalt  }
0x62: {  	_ =	shalt  }
0x63: {  	_ =	shalt  }
0x64: {  	_ =	shalt  }
0x65: {  	_ =	shalt  }
0x66: {  	_ =	shalt  }
0x67: {  	_ =	shalt  }
0x68: {  	_ =	shalt  }
0x69: {  	_ =	shalt  }
0x6a: {  	_ =	shalt  }
0x6b: {  	_ =	shalt  }
0x6c: {  	_ =	shalt  }
0x6d: {  	_ =	shalt  }
0x6e: {  	_ =	shalt  }
0x6f: {  	_ =	shalt  }
0x70: {  	_ =	shalt  }
0x71: {  	_ =	shalt  }
0x72: {  	_ =	shalt  }
0x73: {  	_ =	shalt  }
0x74: {  	_ =	shalt  }
0x75: {  	_ =	shalt  }
0x76: {  	_ =	shalt  }
0x77: {  	_ =	shalt  }
0x78: {  	_ =	shalt  }
0x79: {  	_ =	shalt  }
0x7a: {  	_ =	shalt  }
0x7b: {  	_ =	shalt  }
0x7c: {  	_ =	shalt  }
0x7d: {  	_ =	shalt  }
0x7e: {  	_ =	shalt  }
0x7f: {  	_ =	shalt  }
0x80: {  	_ =	shalt  }
0x81: {  	_ =	shalt  }
0x82: {  	_ =	shalt  }
0x83: {  	_ =	shalt  }
0x84: {  	_ =	shalt  }
0x85: {  	_ =	shalt  }
0x86: {  	_ =	shalt  }
0x87: {  	_ =	shalt  }
.Lfunc_end0:
.L_simem_size_0:
called_computation_lowered:
.L_overlay_start_0:
0x88: {  	s2 =	sld [smem:$0x3FD9]  }
0x89: {  	s3 =	sld [smem:$0x3FFE];
	_ =	sdelay $0x1  }
0x8a: {  	s1 =	srdreg.scid  }
0x8b: {  	s0 =	sand.u32 $0x1, s1  }
0x8c: {  	s16 =	sshll.u32 s0, $0xA;
	s2 =	sadd.s32 s3, s2  }
0x8d: {  	s2 =	sadd.s32 s2, s16  }
0x8e: {  	[smem:$0x3FC2] =	sst s2  }
0x8f: {  	_ = 	snop  }
0x90: {  	(tm) =	ssettm $0x1  }
0x91: {  	s17 =	sld [smem:$0x3FFB];
	_ =	sdelay $0x3  }
0x92: {  	_ =	strace s17  }
0x93: {  	s2 =	sld [smem:$0x3FFC];
	_ =	sdelay $0x3  }
0x94: {  	_ =	strace s2  }
0x95: {  	s2 =	sld [smem:$0x3FFD];
	_ =	sdelay $0x3  }
0x96: {  	_ =	strace s2  }
0x97: {  	_ =	strace $0x8FFFFFFF  }
0x98: {  	s18 =	sld [smem:$0x3FDB];
	_ =	sdelay $0x1  }
0x99: {  	s19 =	simm.s32 $_scs_section_size  }
0x9a: {  	s4 =	simm.s32 $_size__tile_overlayer_lowered;
	s5 =	simm.s32 $_tile_overlayer_lowered  }
0x9b: {  	s22 =	simm.s32 $0x1BFF;
	s21 =	sshll.u32 s5, $0x1;
	s2 =	sadd.s32 s19, s18  }
0x9c: {  	s6 =	simm.s32 $0x0;
	s20 =	sshll.u32 s4, $0x1;
	s4 =	sadd.s32 s21, s2  }
0x9d: {  	[timem:s6], [sflag:s22] =	dma.local [hbm:s4], s20  }
0x9e: {  	_ =	swait.ge [sflag:s22], s20  }
0x9f: {  	s3 =	ssub.s32 $0x0, s20;
	[sflag:s22] =	ssyncset.done $0x0  }
0xa0: {  	[sflag:s22] =	ssyncadd.s32 s3;
	_ =	sdelay $0x1  }
0xa1: {  	s23 =	simm.s32 $0x1B8B  }
0xa2: {  	_ =	swait.ge [sflag:s23], $0x1  }
0xa3: {  	[sflag:s23] =	ssyncset.done $0x0  }
0xa4: {  	s25 =	simm.s32 $0x1B8E;
	s24 =	sld [smem:$0x3FFE];
	[sflag:s23] =	ssyncadd.s32 $0xFFFFFFFF  }
0xa5: {  	s26 =	simm.s32 $execute0_lowered;
	[smem:$0x3FD2] =	sst s25  }
0xa6: {  	s4 =	sshll.u32 s26, $0x1;
	_ =	strace $0x80000046;
	[dreg:$0x1] =	wrdreg $0xFFFFFFFF  }
0xa7: {  	s28 =	simm.s32 $_size_execute0_lowered;
	s2 =	sadd.s32 s2, s4;
	[dreg:$0x0] =	wrdreg $0x0  }
0xa8: {  	s4 =	sshll.u32 s28, $0x1;
	[dreg:$0x2] =	wrdreg s2  }
0xa9: {  	[dreg:$0x3] =	wrdreg s4  }
0xaa: {  	[dreg:$0x4] =	wrdreg $0xC0  }
0xab: {  	_ =	task [dreg:s6], $0x5FFFF  }
0xac: {  	[dreg:$0x1] =	wrdreg $0xFFFFFFFF  }
0xad: {  	[dreg:$0x0] =	wrdreg $0x60  }
0xae: {  	[dreg:$0x2] =	wrdreg s24  }
0xaf: {  	[dreg:$0x3] =	wrdreg $0x68000  }
0xb0: {  	[dreg:$0x4] =	wrdreg $0x9  }
0xb1: {  	_ =	task.clear_ibuf [dreg:s6], $0x5FFFF;
	_ =	strace $0x90000046  }
0xb2: {  	s29 =	simm.s32 $0x9;
	_ =	strace $0x80000048  }
0xb3: {  	_ =	swait.ge [sflag:s29], $0x1  }
0xb4: {  	[sflag:s29] =	ssyncadd.s32 $0xFFFFFFFF  }
0xb5: {  	_ =	strace $0x90000048  }
0xb6: {  	_ =	sfence  }
0xb7: {  	s30 =	sld [smem:$0x0];
	_ =	sdelay $0x2  }
0xb8: {  	s31 =	sshll.u32 s1, $0xD;
	s1 =	sshrl.u32 s1, $0x2  }
0xb9: {  	s3 =	sand.u32 $0x4000, s31;
	s1 =	sadd.s32 s1, s30  }
0xba: {  	s0 =	sor.u32 s3, s0;
	s1 =	sshll.u32 s1, $0x11  }
0xbb: {  	s0 =	sor.u32 s1, s0  }
0xbc: {  	s0 =	sadd.s32 $0x8F2B, s0  }
0xbd: {  	[sflag:s0] =	ssyncadd.remote.s32 $0x1  }
0xbe: {  	_ =	sfence.sel $0xFFFF  }
0xbf: {  	[dreg:$0x0] =	wrdreg $0xFFFFFFFF;
	(pc) =	sbr.abs _section_cstart, $3  }
0xc0: {  	[dreg:$0x1] =	wrdreg $0xFFFFFFFF  }
0xc1: {  	_ =	task.clear_ibuf [dreg:s6], $0x2FFFF;
	_ =	strace $0x9FFFFFFF  }
0xc2: {  	(tm) =	ssettm $0x7FFFFFFF  }
0xc3: {  	_ =	shalt  }
tec
execute0_lowered:
.L_overlay_start_1:
0x0: {  	(tag) =	ssettag $0x1  }
0x1: {  	s5 =	rddreg [dreg:$0x0]  }
0x2: {  	s0 =	srdreg.scid;
	s2 =	rddreg [dreg:$0x1]  }
0x3: {  	s3 =	simm.s32 $0x0;
	s4 =	sand.u32 $0x1, s0;
	s0 =	stileid.u32  }
0x4: {  	s11 =	simm.s32 $0x2800;
	s12 =	simm.s32 $0x1;
	s7 =	smul.u32 $0x50000, s0  }
0x5: {  	s13 =	simm.s32 $0x80;
	[smem:$0x7FF] =	sst s3;
	s8 =	smul.u32 $0x28000, s4  }
0x6: {  	s1 =	sshll.u32 s4, $0x4;
	s4 =	ssub.s32 $0x2, s4;
	s15 =	smul.u32 $0x2800, s0  }
0x7: {  	s16 =	sshll.u32 s0, $0x6;
	s6 =	sor.u32 s0, s1;
	s1 =	rddreg [dreg:$0x2]  }
0x8: {  	_ =	strace $0x80000047;
	s9 =	sshrl.u32 s4, $0x1;
	s6 =	smul.u32 $0x500, s6  }
0x9: {  	s7 =	sshrl.u32 s7, $0x2;
	s8 =	sadd.s32 s8, s5;
	s9 =	ssub.s32 s4, s9  }
0xa: {  	s4 =	sadd.s32 s7, s2;
	s14 =	sadd.s32 $0xCA00, s8;
	s6 =	sadd.s32 s6, s5  }
0xb: {  	s7 =	sadd.s32 $0x4000, s4;
	s8 =	sadd.s32 $0x8000, s4;
	s10 =	sadd.s32 $0x10000, s4  }
0xc: {  	s14 =	sadd.s32 s15, s14;
	s15 =	sor.u32 $0x1C01, s16;
	s16 =	sshrl.u32 s4, $0x3  }
0xd: {  	v0 =	vimm.f32 $0.0e+00;
	v1 =	vimm.f32 $1.000000000e+00;
	s5 =	sadd.s32 $0x2A00, s6;
	s6 =	smax.u32 s9, $0x1;
	s9 =	sadd.s32 $0xC000, s4  }
.LBB2_1:
0xe: {  	s17 =	simm.s32 $0x200;
	s18 =	simm.s32 $0x0  }
.LBB2_2:
0xf: {  	p0 =	sne.s32 s17, $0xFE00;
	[tilespmem:s18+$0x2800] =	vst v0;
	s18 =	smov.u32 s17;
	s17 =	sadd.s32 $0x200, s17  }
.Ltmp0:
0x10: {  	(pc) =	sbr.rel @p0 .LBB2_2-.Ltmp0, $2  }
0x11: {  	_ =	sdelay $0x2  }
0x12: {  	s18 =	sshra.s32 s18, $0x2  }
0x13: {  	[tilespmem:s18+$0x2800] =	vst v0  }
0x14: {  	[spmem:s4] =	stream.linear.scatter [tilespmem:s11], [sflag:$0x1], $0x4000, $0x38;
	[tilespmem:$0x9000] =	vst v63  }
0x15: {  	_ =	swait.ge [sflag:s12], $0x4000  }
0x16: {  	[sflag:s12] =	ssyncset.done $0x0  }
0x17: {  	[sflag:s12] =	ssyncadd.s32 $0xFFFFC000  }
0x18: {  	[spmem:s7] =	stream.linear.scatter [tilespmem:s11], [sflag:$0x1], $0x4000, $0x38;
	[tilespmem:$0x9000] =	vst v63  }
0x19: {  	_ =	swait.ge [sflag:s12], $0x4000  }
0x1a: {  	[sflag:s12] =	ssyncset.done $0x0  }
0x1b: {  	[sflag:s12] =	ssyncadd.s32 $0xFFFFC000  }
0x1c: {  	[spmem:s8] =	stream.linear.scatter [tilespmem:s11], [sflag:$0x1], $0x4000, $0x38;
	[tilespmem:$0x9000] =	vst v63  }
0x1d: {  	_ =	swait.ge [sflag:s12], $0x4000  }
0x1e: {  	[sflag:s12] =	ssyncset.done $0x0  }
0x1f: {  	[sflag:s12] =	ssyncadd.s32 $0xFFFFC000  }
0x20: {  	[spmem:s9] =	stream.linear.scatter [tilespmem:s11], [sflag:$0x1], $0x4000, $0x38;
	[tilespmem:$0x9000] =	vst v63  }
0x21: {  	_ =	swait.ge [sflag:s12], $0x4000  }
0x22: {  	[sflag:s12] =	ssyncset.done $0x0  }
0x23: {  	[sflag:s12] =	ssyncadd.s32 $0xFFFFC000  }
0x24: {  	[spmem:s10] =	stream.linear.scatter [tilespmem:s11], [sflag:$0x1], $0x4000, $0x38;
	[tilespmem:$0x9000] =	vst v63  }
0x25: {  	_ =	swait.ge [sflag:s12], $0x4000  }
0x26: {  	[sflag:s12] =	ssyncset.done $0x0  }
0x27: {  	s17 =	simm.s32 $0x200;
	s18 =	simm.s32 $0x0;
	[sflag:s12] =	ssyncadd.s32 $0xFFFFC000  }
.LBB2_4:
0x28: {  	p0 =	sne.s32 s17, $0xFE00;
	[tilespmem:s18+$0x2800] =	vst v1;
	s18 =	smov.u32 s17;
	s17 =	sadd.s32 $0x200, s17  }
.Ltmp1:
0x29: {  	(pc) =	sbr.rel @p0 .LBB2_4-.Ltmp1, $2  }
0x2a: {  	_ =	sdelay $0x2  }
0x2b: {  	s18 =	sshra.s32 s18, $0x2  }
0x2c: {  	[tilespmem:s18+$0x2800] =	vst v1  }
0x2d: {  	s17 =	simm.s32 $0x0;
	[bflag:$0x0] =	sbarrier.arrive $0xFFFF  }
0x2e: {  	[tilespmem:s17], [sflag:$0x1] =	stream.linear.gather [hbm4b:s5+s17], $0x2800, $0x38;
	[tilespmem:$0x9000] =	vst v63  }
0x2f: {  	_ =	swait.ge [sflag:s12], $0x2800  }
0x30: {  	[sflag:s12] =	ssyncset.done $0x0  }
0x31: {  	s31 =	simm.s32 $0x0;
	[sflag:s12] =	ssyncadd.s32 $0xFFFFD800  }
0x32: {  	[spmem:s2] =	stream.indirect.scatter.add.f32 [tilespmem:s11], [sflag:$0x1], $0x10, s31, s13, $0xb8;
	[tilespmem:$0x9000] =	vst v63  }
0x33: {  	_ =	swait.ge [sflag:s12], $0x800  }
0x34: {  	s17 =	simm.s32 $0x200;
	[sflag:s12] =	ssyncset.done $0x0  }
.LBB2_6:
0x35: {  	s18 =	sshra.s32 s17, $0x2;
	[sflag:s12] =	ssyncadd.s32 $0xFFFFF800;
	p0 =	sne.s32 s17, $0x9E00  }
0x36: {  	[spmem:s2] =	stream.indirect.scatter.add.f32 [tilespmem:s11], [sflag:$0x1], $0x10, s18, s13, $0xb8;
	[tilespmem:$0x9000] =	vst v63  }
.Ltmp2:
0x37: {  	_ = 	snop;
	(pc) =	sbr.rel @p0 .LBB2_6-.Ltmp2, $4  }
0x38: {  	_ = 	snop  }
0x39: {  	s17 =	sadd.s32 $0x200, s17  }
0x3a: {  	_ =	swait.ge [sflag:s12], $0x800  }
0x3b: {  	[sflag:s12] =	ssyncset.done $0x0  }
0x3c: {  	s3 =	sadd.s32 $0x1, s3  }
0x3d: {  	[sflag:s12] =	ssyncadd.s32 $0xFFFFF800;
	p0 =	sne.s32 s3, s6  }
.Ltmp3:
0x3e: {  	[bflag:$0x0] =	sbarrier.arrive $0xFFFF;
	(pc) =	sbr.rel @p0 .LBB2_1-.Ltmp3, $4  }
0x3f: {  	[hbm:s14], [sflag:s15] =	dma.local [spmem:s16], $0x2800  }
0x40: {  	_ =	swait.ge [sflag:s12], $0x2800  }
0x41: {  	[sflag:s12] =	ssyncset.done $0x0  }
0x42: {  	[sflag:s12] =	ssyncadd.s32 $0xFFFFD800  }
0x43: {  	_ =	sfence.sel $0x180000  }
0x44: {  	[bflag:$0x0] =	sbarrier.arrive $0xFFFF  }
0x45: {  	p0 =	sne.s32 s0, $0x0;
	_ =	strace $0x90000047  }
0x46: {  	s0 =	sadd.s32 @!p0 $0x100000, s1;
	[bflag:$0x2] =	sbarrier.arrive $0xFFFF  }
0x47: {  	[sflag:s0] =	ssyncadd.tile.s32 @!p0 $0x1;
	_ =	shalt  }
.Lfunc_end2:
_tile_overlayer_lowered:
.L_overlay_start_2:
0x48: {  	(tag) =	ssettag $0x2  }
0x49: {  	s0 =	rddreg [dreg:$0x0];
	s2 =	stileid.u32  }
0x4a: {  	s1 =	rddreg [dreg:$0x1];
	p0 =	sne.s32 s2, $0x0  }
0x4b: {  	s3 =	rddreg [dreg:$0x2];
	[bflag:$0x3] =	sbarrier.arrive $0xFFFF;
	s2 =	simm.s32 @!p0 $0x1C01  }
0x4c: {  	[timem:s3], [sflag:s2] =	dma.local @!p0 [hbm:s0], s1  }
0x4d: {  	s0 =	simm.s32 @!p0 $0x1  }
0x4e: {  	_ =	swait.ge @!p0 [sflag:s0], s1  }
0x4f: {  	s1 =	ssub.s32 @!p0 $0x0, s1;
	[sflag:s0] =	ssyncset.done @!p0 $0x0  }
0x50: {  	[sflag:s0] =	ssyncadd.s32 @!p0 s1  }
0x51: {  	[bflag:$0x3] =	sbarrier.arrive $0xFFFF  }
0x52: {  	_ =	shalt  }

</sc_bundles>
